<compile_context>
chip_gen: v7x
topology: tpu7x:2x2x1
jax: 0.10.2.dev20260603
libtpu: 0.0.44.dev20260713+nightly
codegen_flags: <defaults>
</compile_context>

<pallas_src>
import jax
import jax.numpy as jnp
from jax import lax
from jax.experimental import pallas as pl
from jax.experimental.pallas import tpu as pltpu
from jax.experimental.pallas import tpu_sc as plsc

N_NODES = 50000
N_EDGES = 800000
EMB = 64
NC, NS = 2, 16
NW = NC * NS
L = 16

CH = 256
NCH = N_EDGES // CH
NPAIR = 49

NODE_FULL = N_NODES // CH
NODE_TAIL = N_NODES - NODE_FULL * CH
NODE_PAD = 50048

DEG_ROWS = 6256
DEG_GROUPS = DEG_ROWS // 16
HIST_PAD = 50048
DEG_SLICE = 3200


def _sc_body(atom1d, src1d, dst1d, dstdeg2d, px, py, pz,
             atab,
             node_out, deg_out, dir_out,
             ia0, is0, id0, ia1, is1, id1,
             ra0, ra1,
             px0, py0, pz0, qx0, qy0, qz0,
             px1, py1, pz1, qx1, qy1, qz1,
             dir0, dir1,
             onesb, dstb, zb, hist_sh,
             asp, pxs, pys, pzs,
             semi0, semi1, semg0, semg1, sems0, sems1, semd):
  cid = lax.axis_index("c")
  tid = lax.axis_index("s")
  wid = tid * NC + cid
  iota = lax.iota(jnp.int32, L)

  idx_bufs = ((ia0, is0, id0), (ia1, is1, id1))
  pos_bufs = ((px0, py0, pz0, qx0, qy0, qz0),
              (px1, py1, pz1, qx1, qy1, qz1))
  dir_bufs = (dir0, dir1)
  semi = (semi0, semi1)
  semg = (semg0, semg1)
  sems = (sems0, sems1)
  idx_srcs = (src1d, dst1d)

  def fire_idx(c, b):
    base = c * CH
    for buf, src in zip(idx_bufs[b][1:], idx_srcs):
      pltpu.async_copy(src.at[pl.ds(base, CH)], buf, semi[b])

  def drain_idx(b):
    for buf, src in zip(idx_bufs[b][1:], idx_srcs):
      pltpu.make_async_copy(src.at[pl.ds(0, CH)], buf, semi[b]).wait()

  def fire_gat(b):
    ia, isrc, idst = idx_bufs[b]
    gx, gy, gz, hx, hy, hz = pos_bufs[b]
    for j in range(CH // 128):
      sl = pl.ds(j * 128, 128)
      pltpu.async_copy(pxs.at[idst.at[sl]], gx.at[sl], semg[b])
      pltpu.async_copy(pys.at[idst.at[sl]], gy.at[sl], semg[b])
      pltpu.async_copy(pzs.at[idst.at[sl]], gz.at[sl], semg[b])
      pltpu.async_copy(pxs.at[isrc.at[sl]], hx.at[sl], semg[b])
      pltpu.async_copy(pys.at[isrc.at[sl]], hy.at[sl], semg[b])
      pltpu.async_copy(pzs.at[isrc.at[sl]], hz.at[sl], semg[b])

  def drain_gat(b):
    gx, gy, gz, hx, hy, hz = pos_bufs[b]
    for j in range(CH // 128):
      sl = pl.ds(j * 128, 128)
      for gbuf in (gx, gy, gz, hx, hy, hz):
        pltpu.make_async_copy(px.at[pl.ds(0, 128)], gbuf.at[sl],
                              semg[b]).wait()

  def compute_store(c, b):
    base = c * CH
    gx, gy, gz, hx, hy, hz = pos_bufs[b]
    dirb = dir_bufs[b]

    def gbody(g, carry):
      rows = g * L + iota
      sl16 = pl.ds(g * L, L)
      dx = gx[sl16] - hx[sl16]
      dy = gy[sl16] - hy[sl16]
      dz = gz[sl16] - hz[sl16]
      s = dx * dx + dy * dy + dz * dz
      ib_ = lax.bitcast_convert_type(s, jnp.int32)
      y = lax.bitcast_convert_type(
          jnp.int32(0x5F3759DF) - lax.shift_right_logical(ib_, 1),
          jnp.float32)
      half = s * jnp.float32(0.5)
      for _ in range(3):
        y = y * (jnp.float32(1.5) - half * y * y)
      nrm = s * y
      inv = jnp.float32(1.0) / (nrm + jnp.float32(1e-8))
      flat = rows * 3
      plsc.store_scatter(dirb, [flat], dx * inv)
      plsc.store_scatter(dirb, [flat + 1], dy * inv)
      plsc.store_scatter(dirb, [flat + 2], dz * inv)
      return carry

    lax.fori_loop(0, CH // L, gbody, 0)
    pltpu.async_copy(dirb, dir_out.at[pl.ds(base * 3, CH * 3)], sems[b])

  def drain_st(b):
    pltpu.make_async_copy(dir_bufs[b], dir_out.at[pl.ds(0, CH * 3)],
                          sems[b]).wait()

  @pl.when(tid == 0)
  def _():
    pltpu.sync_copy(atab, asp)

  @pl.when(tid == 1)
  def _():
    pltpu.sync_copy(px, pxs)

  @pl.when(tid == 2)
  def _():
    pltpu.sync_copy(py, pys)

  @pl.when(tid == 3)
  def _():
    pltpu.sync_copy(pz, pzs)

  plsc.subcore_barrier()

  @pl.when(cid == 0)
  def _degree():
    def zfill(i, carry):
      zb[pl.ds(i * L, L)] = jnp.zeros((L,), jnp.float32)
      return carry
    lax.fori_loop(0, DEG_SLICE // L, zfill, 0)
    off = tid * DEG_SLICE

    @pl.when(tid < NS - 1)
    def _():
      pltpu.sync_copy(zb, hist_sh.at[pl.ds(off, DEG_SLICE)])

    @pl.when(tid == NS - 1)
    def _():
      pltpu.sync_copy(zb.at[pl.ds(0, 2048)], hist_sh.at[pl.ds(off, 2048)])

    def ofill(i, carry):
      onesb[pl.ds(i * L, L)] = jnp.ones((L,), jnp.float32)
      return carry
    lax.fori_loop(0, 128 // L, ofill, 0)
    plsc.subcore_barrier()

    def dgroup(j, carry):
      g = tid + j * NS

      @pl.when(g < DEG_GROUPS)
      def _():
        pltpu.sync_copy(dstdeg2d.at[pl.ds(g * 16, 16)], dstb)
        for jj in range(16):
          pltpu.async_copy(onesb, hist_sh.at[dstb.at[jj]], semd, add=True)
        for jj in range(16):
          pltpu.make_async_copy(px.at[pl.ds(0, 128)], onesb, semd).wait()
      return carry

    lax.fori_loop(0, (DEG_GROUPS + NS - 1) // NS, dgroup, 0)
    plsc.subcore_barrier()

    @pl.when(tid < NS - 1)
    def _():
      pltpu.sync_copy(hist_sh.at[pl.ds(off, DEG_SLICE)],
                      deg_out.at[pl.ds(off, DEG_SLICE)])

    @pl.when(tid == NS - 1)
    def _():
      pltpu.sync_copy(hist_sh.at[pl.ds(off, 2048)],
                      deg_out.at[pl.ds(off, 2048)])

  @pl.when(cid == 1)
  def _nodes():
    def nchunk(j, carry):
      c = tid + j * NS

      @pl.when(c < NODE_FULL)
      def _():
        base = c * CH
        pltpu.sync_copy(atom1d.at[pl.ds(base, CH)], ia0)
        cps = []
        for jj in range(CH // 128):
          sl = pl.ds(jj * 128, 128)
          cps.append(pltpu.async_copy(asp.at[ia0.at[sl]], ra0.at[sl],
                                      semg0))
        for cp in cps:
          cp.wait()
        pltpu.sync_copy(ra0, node_out.at[pl.ds(base, CH)])

      @pl.when(c == NODE_FULL)
      def _():
        base = NODE_FULL * CH
        pltpu.sync_copy(atom1d.at[pl.ds(base, 128)], ia0.at[pl.ds(0, 128)])
        pltpu.async_copy(asp.at[ia0.at[pl.ds(0, 128)]],
                         ra0.at[pl.ds(0, 128)], semg0).wait()
        pltpu.sync_copy(ra0.at[pl.ds(0, NODE_TAIL)],
                        node_out.at[pl.ds(base, NODE_TAIL)])
      return carry

    lax.fori_loop(0, NODE_FULL // NS + 1, nchunk, 0)

  fire_idx(wid, 0)
  fire_idx(wid + NW, 1)
  drain_idx(0)
  fire_gat(0)

  def pair(jj, carry):
    for b in (0, 1):
      c = wid + (2 * jj + b) * NW
      bo = 1 - b

      @pl.when(c < NCH)
      def _():
        drain_gat(b)

        @pl.when(c + NW < NCH)
        def _():
          drain_idx(bo)
          if b == 0:
            @pl.when(jj > 0)
            def _():
              drain_st(bo)
          else:
            drain_st(bo)
          fire_gat(bo)

        @pl.when(c + 2 * NW < NCH)
        def _():
          fire_idx(c + 2 * NW, b)

        compute_store(c, b)
    return carry

  lax.fori_loop(0, NPAIR, pair, 0)
  drain_st(0)
  drain_st(1)


_sc_call = pl.kernel(
    _sc_body,
    out_type=[
        jax.ShapeDtypeStruct((N_NODES, EMB), jnp.float32),
        jax.ShapeDtypeStruct((HIST_PAD,), jnp.float32),
        jax.ShapeDtypeStruct((N_EDGES * 3,), jnp.float32),
    ],
    mesh=plsc.VectorSubcoreMesh(core_axis_name="c", subcore_axis_name="s"),
    compiler_params=pltpu.CompilerParams(use_tc_tiling_on_sc=False,
                                         needs_layout_passes=False),
    scratch_types=(
        [pltpu.VMEM((CH,), jnp.int32) for _ in range(6)]
        + [pltpu.VMEM((CH, EMB), jnp.float32) for _ in range(2)]
        + [pltpu.VMEM((CH,), jnp.float32) for _ in range(12)]
        + [pltpu.VMEM((CH * 3,), jnp.float32) for _ in range(2)]
        + [pltpu.VMEM((128,), jnp.float32),
           pltpu.VMEM((16, 128), jnp.int32),
           pltpu.VMEM((DEG_SLICE,), jnp.float32),
           pltpu.VMEM_SHARED((HIST_PAD,), jnp.float32),
           pltpu.VMEM_SHARED((119, EMB), jnp.float32),
           pltpu.VMEM_SHARED((N_NODES,), jnp.float32),
           pltpu.VMEM_SHARED((N_NODES,), jnp.float32),
           pltpu.VMEM_SHARED((N_NODES,), jnp.float32)]
        + [pltpu.SemaphoreType.DMA for _ in range(7)]
    ),
)


TBLK = 4096


def _tc_body(bins_ref, bonds_ref, dt_ref, bt_ref, dis_ref, bond_ref):
  k = lax.iota(jnp.int32, EMB).reshape(1, EMB)
  oh_d = (bins_ref[...].reshape(TBLK, 1) == k).astype(jnp.float32)
  dis_ref[...] = jnp.dot(oh_d, dt_ref[...],
                         precision=lax.Precision.HIGHEST,
                         preferred_element_type=jnp.float32)
  oh_b = (bonds_ref[...].reshape(TBLK, 1) == k).astype(jnp.float32)
  bond_ref[...] = jnp.dot(oh_b, bt_ref[...],
                          precision=lax.Precision.HIGHEST,
                          preferred_element_type=jnp.float32)


_tc_call = pl.pallas_call(
    _tc_body,
    grid=((N_EDGES + TBLK - 1) // TBLK,),
    in_specs=[
        pl.BlockSpec((TBLK,), lambda i: (i,)),
        pl.BlockSpec((TBLK,), lambda i: (i,)),
        pl.BlockSpec((EMB, EMB), lambda i: (0, 0)),
        pl.BlockSpec((EMB, EMB), lambda i: (0, 0)),
    ],
    out_specs=[
        pl.BlockSpec((TBLK, EMB), lambda i: (i, 0)),
        pl.BlockSpec((TBLK, EMB), lambda i: (i, 0)),
    ],
    out_shape=[
        jax.ShapeDtypeStruct((N_EDGES, EMB), jnp.float32),
        jax.ShapeDtypeStruct((N_EDGES, EMB), jnp.float32),
    ],
)


def kernel(atom_types, edge_index, bond_types, dist_bins, pos,
           atom_table, bond_table, dist_table):
  atom1d = jnp.pad(atom_types.astype(jnp.int32), (0, NODE_PAD - N_NODES))
  src1d = edge_index[0].astype(jnp.int32)
  dst1d = edge_index[1].astype(jnp.int32)
  dstdeg2d = jnp.pad(dst1d, (0, DEG_ROWS * 128 - N_EDGES),
                     constant_values=N_NODES).reshape(DEG_ROWS, 128)
  px = pos[:, 0]
  py = pos[:, 1]
  pz = pos[:, 2]
  bins2d = dist_bins.astype(jnp.int32)
  bonds2d = bond_types.astype(jnp.int32)
  dt = jnp.pad(dist_table, ((0, EMB - dist_table.shape[0]), (0, 0)))
  bt = jnp.pad(bond_table, ((0, EMB - bond_table.shape[0]), (0, 0)))
  edge_dis, edge_bond = _tc_call(bins2d, bonds2d, dt, bt)
  node_feat, degree, edges_dir = _sc_call(
      atom1d, src1d, dst1d, dstdeg2d, px, py, pz, atom_table)
  return (node_feat, edge_dis, edge_bond, degree[:N_NODES],
          edges_dir.reshape(N_EDGES, 3))

# --- scband reference (transcript-rebuilt; emitter-appended) ---
"""Pipeline reference for scband-mol-embedding-layer-14044543058111 (READ-ONLY COPY).

The authoritative reference and input builder live on the scoring server;
editing this copy changes nothing except your own understanding.
"""

import jax, jax.numpy as jnp
import numpy as np

N_NODES = 50000
N_EDGES = 800000
EMBED = 64
NUM_ATOM_TYPES = 119
NUM_BOND_TYPES = 22
NUM_DIST_BINS = 64


def setup_inputs(seed: int = 0) -> dict:
    key = jax.random.key(seed)
    ks = jax.random.split(key, 8)
    atom_types = jax.random.randint(ks[0], (N_NODES,), 0, NUM_ATOM_TYPES, dtype=jnp.int64 if jax.config.jax_enable_x64 else jnp.int32)
    edge_index = jax.random.randint(ks[1], (2, N_EDGES), 0, N_NODES)
    bond_types = jax.random.randint(ks[2], (N_EDGES,), 0, NUM_BOND_TYPES)
    dist_bins = jax.random.randint(ks[3], (N_EDGES,), 0, NUM_DIST_BINS)
    pos = jax.random.normal(ks[4], (N_NODES, 3), dtype=jnp.float32)
    atom_table = jax.random.normal(ks[5], (NUM_ATOM_TYPES, EMBED), dtype=jnp.float32) * 0.02
    bond_table = jax.random.normal(ks[6], (NUM_BOND_TYPES, EMBED), dtype=jnp.float32) * 0.02
    dist_table = jax.random.normal(ks[7], (NUM_DIST_BINS, EMBED), dtype=jnp.float32) * 0.02
    return {
        "atom_types": atom_types,
        "edge_index": edge_index,
        "bond_types": bond_types,
        "dist_bins": dist_bins,
        "pos": pos,
        "atom_table": atom_table,
        "bond_table": bond_table,
        "dist_table": dist_table,
    }


def reference(atom_types, edge_index, bond_types, dist_bins, pos, atom_table, bond_table, dist_table):
    # Nodes_Embedding: atom-type embedding lookup
    node_feat = jnp.take(atom_table, atom_types, axis=0)
    # Bond_Embedding: distance-bin embedding + bond-type embedding lookups
    edge_feat_dis = jnp.take(dist_table, dist_bins, axis=0)
    edge_feat_bond = jnp.take(bond_table, bond_types, axis=0)
    src = edge_index[0]
    dst = edge_index[1]
    # degree via scatter-add over destination nodes
    degree_tensor = jnp.zeros((N_NODES,), dtype=jnp.float32).at[dst].add(1.0)
    # edge direction unit vectors from node positions (gather + normalize)
    diff = jnp.take(pos, dst, axis=0) - jnp.take(pos, src, axis=0)
    norm = jnp.linalg.norm(diff, axis=-1, keepdims=True)
    edges_direction = diff / (norm + 1e-8)
    return (node_feat, edge_feat_dis, edge_feat_bond, degree_tensor, edges_direction)

if __name__ == "__main__":
    import jax
    _d = setup_inputs()
    print(jax.jit(kernel)(*tuple(_d.values())))

</pallas_src>

<mosaic_0001>
#map = affine_map<(d0, d1) -> (0)>
#map1 = affine_map<(d0, d1) -> (0, 0)>
module attributes {stable_mosaic.version = 14 : i64} {
  func.func @_sc_body(%arg0: i32, %arg1: i32, %arg2: memref<50048xi32, #tpu.memory_space<hbm>>, %arg3: memref<800000xi32, #tpu.memory_space<hbm>>, %arg4: memref<800000xi32, #tpu.memory_space<hbm>>, %arg5: memref<6256x128xi32, #tpu.memory_space<hbm>>, %arg6: memref<50000xf32, #tpu.memory_space<hbm>>, %arg7: memref<50000xf32, #tpu.memory_space<hbm>>, %arg8: memref<50000xf32, #tpu.memory_space<hbm>>, %arg9: memref<119x64xf32, #tpu.memory_space<hbm>>, %arg10: memref<50000x64xf32, #tpu.memory_space<hbm>>, %arg11: memref<50048xf32, #tpu.memory_space<hbm>>, %arg12: memref<2400000xf32, #tpu.memory_space<hbm>>, %arg13: memref<256xi32, #tpu.memory_space<vmem>>, %arg14: memref<256xi32, #tpu.memory_space<vmem>>, %arg15: memref<256xi32, #tpu.memory_space<vmem>>, %arg16: memref<256xi32, #tpu.memory_space<vmem>>, %arg17: memref<256xi32, #tpu.memory_space<vmem>>, %arg18: memref<256xi32, #tpu.memory_space<vmem>>, %arg19: memref<256x64xf32, #tpu.memory_space<vmem>>, %arg20: memref<256x64xf32, #tpu.memory_space<vmem>>, %arg21: memref<256xf32, #tpu.memory_space<vmem>>, %arg22: memref<256xf32, #tpu.memory_space<vmem>>, %arg23: memref<256xf32, #tpu.memory_space<vmem>>, %arg24: memref<256xf32, #tpu.memory_space<vmem>>, %arg25: memref<256xf32, #tpu.memory_space<vmem>>, %arg26: memref<256xf32, #tpu.memory_space<vmem>>, %arg27: memref<256xf32, #tpu.memory_space<vmem>>, %arg28: memref<256xf32, #tpu.memory_space<vmem>>, %arg29: memref<256xf32, #tpu.memory_space<vmem>>, %arg30: memref<256xf32, #tpu.memory_space<vmem>>, %arg31: memref<256xf32, #tpu.memory_space<vmem>>, %arg32: memref<256xf32, #tpu.memory_space<vmem>>, %arg33: memref<768xf32, #tpu.memory_space<vmem>>, %arg34: memref<768xf32, #tpu.memory_space<vmem>>, %arg35: memref<128xf32, #tpu.memory_space<vmem>>, %arg36: memref<16x128xi32, #tpu.memory_space<vmem>>, %arg37: memref<3200xf32, #tpu.memory_space<vmem>>, %arg38: memref<50048xf32, #tpu.memory_space<vmem_shared>>, %arg39: memref<119x64xf32, #tpu.memory_space<vmem_shared>>, %arg40: memref<50000xf32, #tpu.memory_space<vmem_shared>>, %arg41: memref<50000xf32, #tpu.memory_space<vmem_shared>>, %arg42: memref<50000xf32, #tpu.memory_space<vmem_shared>>, %arg43: memref<!tpu.dma_semaphore, #tpu.memory_space<semaphore_mem>>, %arg44: memref<!tpu.dma_semaphore, #tpu.memory_space<semaphore_mem>>, %arg45: memref<!tpu.dma_semaphore, #tpu.memory_space<semaphore_mem>>, %arg46: memref<!tpu.dma_semaphore, #tpu.memory_space<semaphore_mem>>, %arg47: memref<!tpu.dma_semaphore, #tpu.memory_space<semaphore_mem>>, %arg48: memref<!tpu.dma_semaphore, #tpu.memory_space<semaphore_mem>>, %arg49: memref<!tpu.dma_semaphore, #tpu.memory_space<semaphore_mem>>) attributes {dimension_semantics = [#tpu.dimension_semantics<core_parallel>, #tpu.dimension_semantics<subcore_parallel>], iteration_bounds = array<i64: 2, 16>, scalar_prefetch = 0 : i64, scratch_operands = 37 : i64, tpu.core_type = #tpu.core_type<sc_vector_subcore>, window_params = [{transform_indices = #map}, {transform_indices = #map}, {transform_indices = #map}, {transform_indices = #map1}, {transform_indices = #map}, {transform_indices = #map}, {transform_indices = #map}, {transform_indices = #map1}, {transform_indices = #map1}, {transform_indices = #map}, {transform_indices = #map}]} {
    %mul3A = arith.constant 2 : i32
    %mul3A_0 = arith.muli %arg1, %mul3A : i32
    %add3A = arith.addi %mul3A_0, %arg0 : i32
    %iota3A = tpu.iota {dimensions = array<i32: 0>} : vector<16xi32>
    %eq3A = arith.constant 0 : i32
    %eq3A_1 = arith.cmpi eq, %arg1, %eq3A : i32
    %convert_element_type3A = arith.extui %eq3A_1 : i1 to i32
    %cond3A = arith.constant 0 : i32
    %cond3A_2 = arith.cmpi ne, %convert_element_type3A, %cond3A : i32
    scf.if %cond3A_2 {
      "tpu.region"() ({
        %run_scoped3A = tpu.sem_alloc : memref<!tpu.dma_semaphore, #tpu.memory_space<semaphore_mem>>
        tpu.enqueue_dma source(%arg9 : memref<119x64xf32, #tpu.memory_space<hbm>>) target(%arg39 : memref<119x64xf32, #tpu.memory_space<vmem_shared>>) target_semaphore(%run_scoped3A : memref<!tpu.dma_semaphore, #tpu.memory_space<semaphore_mem>>)
        tpu.wait_dma2 semaphore(%run_scoped3A : memref<!tpu.dma_semaphore, #tpu.memory_space<semaphore_mem>>) src(%arg9 : memref<119x64xf32, #tpu.memory_space<hbm>>) dst(%arg39 : memref<119x64xf32, #tpu.memory_space<vmem_shared>>)
        tpu.yield
      }) : () -> ()
    } else {
    }
    %eq3A_3 = arith.constant 1 : i32
    %eq3A_4 = arith.cmpi eq, %arg1, %eq3A_3 : i32
    %convert_element_type3A_5 = arith.extui %eq3A_4 : i1 to i32
    %cond3A_6 = arith.constant 0 : i32
    %cond3A_7 = arith.cmpi ne, %convert_element_type3A_5, %cond3A_6 : i32
    scf.if %cond3A_7 {
      "tpu.region"() ({
        %run_scoped3A = tpu.sem_alloc : memref<!tpu.dma_semaphore, #tpu.memory_space<semaphore_mem>>
        tpu.enqueue_dma source(%arg6 : memref<50000xf32, #tpu.memory_space<hbm>>) target(%arg40 : memref<50000xf32, #tpu.memory_space<vmem_shared>>) target_semaphore(%run_scoped3A : memref<!tpu.dma_semaphore, #tpu.memory_space<semaphore_mem>>)
        tpu.wait_dma2 semaphore(%run_scoped3A : memref<!tpu.dma_semaphore, #tpu.memory_space<semaphore_mem>>) src(%arg6 : memref<50000xf32, #tpu.memory_space<hbm>>) dst(%arg40 : memref<50000xf32, #tpu.memory_space<vmem_shared>>)
        tpu.yield
      }) : () -> ()
    } else {
    }
    %eq3A_8 = arith.constant 2 : i32
    %eq3A_9 = arith.cmpi eq, %arg1, %eq3A_8 : i32
    %convert_element_type3A_10 = arith.extui %eq3A_9 : i1 to i32
    %cond3A_11 = arith.constant 0 : i32
    %cond3A_12 = arith.cmpi ne, %convert_element_type3A_10, %cond3A_11 : i32
    scf.if %cond3A_12 {
      "tpu.region"() ({
        %run_scoped3A = tpu.sem_alloc : memref<!tpu.dma_semaphore, #tpu.memory_space<semaphore_mem>>
        tpu.enqueue_dma source(%arg7 : memref<50000xf32, #tpu.memory_space<hbm>>) target(%arg41 : memref<50000xf32, #tpu.memory_space<vmem_shared>>) target_semaphore(%run_scoped3A : memref<!tpu.dma_semaphore, #tpu.memory_space<semaphore_mem>>)
        tpu.wait_dma2 semaphore(%run_scoped3A : memref<!tpu.dma_semaphore, #tpu.memory_space<semaphore_mem>>) src(%arg7 : memref<50000xf32, #tpu.memory_space<hbm>>) dst(%arg41 : memref<50000xf32, #tpu.memory_space<vmem_shared>>)
        tpu.yield
      }) : () -> ()
    } else {
    }
    %eq3A_13 = arith.constant 3 : i32
    %eq3A_14 = arith.cmpi eq, %arg1, %eq3A_13 : i32
    %convert_element_type3A_15 = arith.extui %eq3A_14 : i1 to i32
    %cond3A_16 = arith.constant 0 : i32
    %cond3A_17 = arith.cmpi ne, %convert_element_type3A_15, %cond3A_16 : i32
    scf.if %cond3A_17 {
      "tpu.region"() ({
        %run_scoped3A = tpu.sem_alloc : memref<!tpu.dma_semaphore, #tpu.memory_space<semaphore_mem>>
        tpu.enqueue_dma source(%arg8 : memref<50000xf32, #tpu.memory_space<hbm>>) target(%arg42 : memref<50000xf32, #tpu.memory_space<vmem_shared>>) target_semaphore(%run_scoped3A : memref<!tpu.dma_semaphore, #tpu.memory_space<semaphore_mem>>)
        tpu.wait_dma2 semaphore(%run_scoped3A : memref<!tpu.dma_semaphore, #tpu.memory_space<semaphore_mem>>) src(%arg8 : memref<50000xf32, #tpu.memory_space<hbm>>) dst(%arg42 : memref<50000xf32, #tpu.memory_space<vmem_shared>>)
        tpu.yield
      }) : () -> ()
    } else {
    }
    %barrier3A = arith.constant 0 : index
    tpu.barrier barrier_id(%barrier3A)
    %eq3A_18 = arith.constant 0 : i32
    %eq3A_19 = arith.cmpi eq, %arg0, %eq3A_18 : i32
    %convert_element_type3A_20 = arith.extui %eq3A_19 : i1 to i32
    %cond3A_21 = arith.constant 0 : i32
    %cond3A_22 = arith.cmpi ne, %convert_element_type3A_20, %cond3A_21 : i32
    scf.if %cond3A_22 {
      %scan3A_133 = arith.constant 0 : i32
      %scan3A_134 = arith.constant 0 : i32
      %scan3A_135 = arith.constant 200 : i32
      %scan3A_136 = arith.addi %scan3A_134, %scan3A_135 : i32
      %scan3A_137 = arith.constant 1 : i32
      scf.for %scan3A_174 = %scan3A_134 to %scan3A_136 step %scan3A_137  : i32 {
        %broadcast_in_dim3A = arith.constant 0.000000e+00 : f32
        %broadcast_in_dim3A_175 = vector.broadcast %broadcast_in_dim3A : f32 to vector<16xf32>
        %mul3A_176 = arith.constant 16 : i32
        %mul3A_177 = arith.muli %scan3A_174, %mul3A_176 : i32
        %swap3A = arith.index_cast %mul3A_177 : i32 to index
        %swap3A_178 = tpu.vector_load %arg37[%swap3A] {strides = array<i32>} : memref<3200xf32, #tpu.memory_space<vmem>>, vector<16xf32>,
        tpu.vector_store %arg37[%swap3A], %broadcast_in_dim3A_175 {strides = array<i32>} : memref<3200xf32, #tpu.memory_space<vmem>>, vector<16xf32>,
      }
      %scan3A_138 = arith.constant 200 : i32
      %mul3A_139 = arith.constant 3200 : i32
      %mul3A_140 = arith.muli %arg1, %mul3A_139 : i32
      %lt3A = arith.constant 15 : i32
      %lt3A_141 = arith.cmpi slt, %arg1, %lt3A : i32
      %convert_element_type3A_142 = arith.extui %lt3A_141 : i1 to i32
      %cond3A_143 = arith.constant 0 : i32
      %cond3A_144 = arith.cmpi ne, %convert_element_type3A_142, %cond3A_143 : i32
      scf.if %cond3A_144 {
        "tpu.region"() ({
          %run_scoped3A = tpu.sem_alloc : memref<!tpu.dma_semaphore, #tpu.memory_space<semaphore_mem>>
          %dma_start3A_174 = tpu.memref_slice %arg38[%mul3A_140] : memref<50048xf32, #tpu.memory_space<vmem_shared>> -> memref<3200xf32, #tpu.memory_space<vmem_shared>>
          %dma_start3A_175 = tpu.memref_slice %arg38[%mul3A_140] : memref<50048xf32, #tpu.memory_space<vmem_shared>> -> memref<3200xf32, #tpu.memory_space<vmem_shared>>
          tpu.enqueue_dma source(%arg37 : memref<3200xf32, #tpu.memory_space<vmem>>) target(%dma_start3A_175 : memref<3200xf32, #tpu.memory_space<vmem_shared>>) target_semaphore(%run_scoped3A : memref<!tpu.dma_semaphore, #tpu.memory_space<semaphore_mem>>)
          %dma_wait3A_176 = tpu.memref_slice %arg38[%mul3A_140] : memref<50048xf32, #tpu.memory_space<vmem_shared>> -> memref<3200xf32, #tpu.memory_space<vmem_shared>>
          %dma_wait3A_177 = tpu.memref_slice %arg38[%mul3A_140] : memref<50048xf32, #tpu.memory_space<vmem_shared>> -> memref<3200xf32, #tpu.memory_space<vmem_shared>>
          tpu.wait_dma2 semaphore(%run_scoped3A : memref<!tpu.dma_semaphore, #tpu.memory_space<semaphore_mem>>) src(%arg37 : memref<3200xf32, #tpu.memory_space<vmem>>) dst(%dma_wait3A_177 : memref<3200xf32, #tpu.memory_space<vmem_shared>>)
          tpu.yield
        }) : () -> ()
      } else {
      }
      %eq3A_145 = arith.constant 15 : i32
      %eq3A_146 = arith.cmpi eq, %arg1, %eq3A_145 : i32
      %convert_element_type3A_147 = arith.extui %eq3A_146 : i1 to i32
      %cond3A_148 = arith.constant 0 : i32
      %cond3A_149 = arith.cmpi ne, %convert_element_type3A_147, %cond3A_148 : i32
      scf.if %cond3A_149 {
        "tpu.region"() ({
          %run_scoped3A = tpu.sem_alloc : memref<!tpu.dma_semaphore, #tpu.memory_space<semaphore_mem>>
          %dma_start3A_174 = arith.constant 0 : i32
          %dma_start3A_175 = tpu.memref_slice %arg37[%dma_start3A_174] : memref<3200xf32, #tpu.memory_space<vmem>> -> memref<2048xf32, #tpu.memory_space<vmem>>
          %dma_start3A_176 = tpu.memref_slice %arg38[%mul3A_140] : memref<50048xf32, #tpu.memory_space<vmem_shared>> -> memref<2048xf32, #tpu.memory_space<vmem_shared>>
          %dma_start3A_177 = tpu.memref_slice %arg38[%mul3A_140] : memref<50048xf32, #tpu.memory_space<vmem_shared>> -> memref<2048xf32, #tpu.memory_space<vmem_shared>>
          %dma_start3A_178 = arith.constant 0 : i32
          %dma_start3A_179 = tpu.memref_slice %arg37[%dma_start3A_178] : memref<3200xf32, #tpu.memory_space<vmem>> -> memref<2048xf32, #tpu.memory_space<vmem>>
          tpu.enqueue_dma source(%dma_start3A_179 : memref<2048xf32, #tpu.memory_space<vmem>>) target(%dma_start3A_177 : memref<2048xf32, #tpu.memory_space<vmem_shared>>) target_semaphore(%run_scoped3A : memref<!tpu.dma_semaphore, #tpu.memory_space<semaphore_mem>>)
          %dma_wait3A_180 = arith.constant 0 : i32
          %dma_wait3A_181 = tpu.memref_slice %arg37[%dma_wait3A_180] : memref<3200xf32, #tpu.memory_space<vmem>> -> memref<2048xf32, #tpu.memory_space<vmem>>
          %dma_wait3A_182 = tpu.memref_slice %arg38[%mul3A_140] : memref<50048xf32, #tpu.memory_space<vmem_shared>> -> memref<2048xf32, #tpu.memory_space<vmem_shared>>
          %dma_wait3A_183 = tpu.memref_slice %arg38[%mul3A_140] : memref<50048xf32, #tpu.memory_space<vmem_shared>> -> memref<2048xf32, #tpu.memory_space<vmem_shared>>
          %dma_wait3A_184 = arith.constant 0 : i32
          %dma_wait3A_185 = tpu.memref_slice %arg37[%dma_wait3A_184] : memref<3200xf32, #tpu.memory_space<vmem>> -> memref<2048xf32, #tpu.memory_space<vmem>>
          tpu.wait_dma2 semaphore(%run_scoped3A : memref<!tpu.dma_semaphore, #tpu.memory_space<semaphore_mem>>) src(%dma_wait3A_185 : memref<2048xf32, #tpu.memory_space<vmem>>) dst(%dma_wait3A_183 : memref<2048xf32, #tpu.memory_space<vmem_shared>>)
          tpu.yield
        }) : () -> ()
      } else {
      }
      %scan3A_150 = arith.constant 0 : i32
      %scan3A_151 = arith.constant 0 : i32
      %scan3A_152 = arith.constant 8 : i32
      %scan3A_153 = arith.addi %scan3A_151, %scan3A_152 : i32
      %scan3A_154 = arith.constant 1 : i32
      scf.for %scan3A_174 = %scan3A_151 to %scan3A_153 step %scan3A_154  : i32 {
        %broadcast_in_dim3A = arith.constant 1.000000e+00 : f32
        %broadcast_in_dim3A_175 = vector.broadcast %broadcast_in_dim3A : f32 to vector<16xf32>
        %mul3A_176 = arith.constant 16 : i32
        %mul3A_177 = arith.muli %scan3A_174, %mul3A_176 : i32
        %swap3A = arith.index_cast %mul3A_177 : i32 to index
        %swap3A_178 = tpu.vector_load %arg35[%swap3A] {strides = array<i32>} : memref<128xf32, #tpu.memory_space<vmem>>, vector<16xf32>,
        tpu.vector_store %arg35[%swap3A], %broadcast_in_dim3A_175 {strides = array<i32>} : memref<128xf32, #tpu.memory_space<vmem>>, vector<16xf32>,
      }
      %scan3A_155 = arith.constant 8 : i32
      %barrier3A_156 = arith.constant 0 : index
      tpu.barrier barrier_id(%barrier3A_156)
      %scan3A_157 = arith.constant 0 : i32
      %scan3A_158 = arith.constant 0 : i32
      %scan3A_159 = arith.constant 25 : i32
      %scan3A_160 = arith.addi %scan3A_158, %scan3A_159 : i32
      %scan3A_161 = arith.constant 1 : i32
      scf.for %scan3A_174 = %scan3A_158 to %scan3A_160 step %scan3A_161  : i32 {
        %mul3A_175 = arith.constant 16 : i32
        %mul3A_176 = arith.muli %scan3A_174, %mul3A_175 : i32
        %add3A_177 = arith.addi %arg1, %mul3A_176 : i32
        %lt3A_178 = arith.constant 391 : i32
        %lt3A_179 = arith.cmpi slt, %add3A_177, %lt3A_178 : i32
        %convert_element_type3A_180 = arith.extui %lt3A_179 : i1 to i32
        %cond3A_181 = arith.constant 0 : i32
        %cond3A_182 = arith.cmpi ne, %convert_element_type3A_180, %cond3A_181 : i32
        scf.if %cond3A_182 {
          %mul3A_183 = arith.constant 16 : i32
          %mul3A_184 = arith.muli %add3A_177, %mul3A_183 : i32
          "tpu.region"() ({
            %run_scoped3A = tpu.sem_alloc : memref<!tpu.dma_semaphore, #tpu.memory_space<semaphore_mem>>
            %dma_start3A_345 = arith.constant 0 : i32
            %dma_start3A_346 = tpu.memref_slice %arg5[%mul3A_184, %dma_start3A_345] : memref<6256x128xi32, #tpu.memory_space<hbm>> -> memref<16x128xi32, #tpu.memory_space<hbm>>
            %dma_start3A_347 = arith.constant 0 : i32
            %dma_start3A_348 = tpu.memref_slice %arg5[%mul3A_184, %dma_start3A_347] : memref<6256x128xi32, #tpu.memory_space<hbm>> -> memref<16x128xi32, #tpu.memory_space<hbm>>
            tpu.enqueue_dma source(%dma_start3A_348 : memref<16x128xi32, #tpu.memory_space<hbm>>) target(%arg36 : memref<16x128xi32, #tpu.memory_space<vmem>>) target_semaphore(%run_scoped3A : memref<!tpu.dma_semaphore, #tpu.memory_space<semaphore_mem>>)
            %dma_wait3A_349 = arith.constant 0 : i32
            %dma_wait3A_350 = tpu.memref_slice %arg5[%mul3A_184, %dma_wait3A_349] : memref<6256x128xi32, #tpu.memory_space<hbm>> -> memref<16x128xi32, #tpu.memory_space<hbm>>
            %dma_wait3A_351 = arith.constant 0 : i32
            %dma_wait3A_352 = tpu.memref_slice %arg5[%mul3A_184, %dma_wait3A_351] : memref<6256x128xi32, #tpu.memory_space<hbm>> -> memref<16x128xi32, #tpu.memory_space<hbm>>
            tpu.wait_dma2 semaphore(%run_scoped3A : memref<!tpu.dma_semaphore, #tpu.memory_space<semaphore_mem>>) src(%dma_wait3A_352 : memref<16x128xi32, #tpu.memory_space<hbm>>) dst(%arg36 : memref<16x128xi32, #tpu.memory_space<vmem>>)
            tpu.yield
          }) : () -> ()
          %dma_start3A_185 = arith.constant 0 : i32
          %dma_start3A_186 = arith.constant 0 : i32
          %dma_start3A_187 = tpu.memref_slice %arg36[%dma_start3A_185, %dma_start3A_186] : memref<16x128xi32, #tpu.memory_space<vmem>> -> memref<1x128xi32, #tpu.memory_space<vmem>>
          %dma_start3A_188 = tpu.memref_squeeze %dma_start3A_187 : memref<1x128xi32, #tpu.memory_space<vmem>> -> memref<128xi32, #tpu.memory_space<vmem>>
          %dma_start3A_189 = arith.constant 0 : i32
          %dma_start3A_190 = tpu.memref_slice %arg38[%dma_start3A_189] : memref<50048xf32, #tpu.memory_space<vmem_shared>> -> memref<50048xf32, #tpu.memory_space<vmem_shared>>
          tpu.enqueue_indirect_dma source(%arg35 : memref<128xf32, #tpu.memory_space<vmem>>) target(%dma_start3A_190 : memref<50048xf32, #tpu.memory_space<vmem_shared>>) offsets(%dma_start3A_188 : memref<128xi32, #tpu.memory_space<vmem>>) semaphore(%arg49 : memref<!tpu.dma_semaphore, #tpu.memory_space<semaphore_mem>>) {add = true}
          %dma_start3A_191 = arith.constant 1 : i32
          %dma_start3A_192 = arith.constant 0 : i32
          %dma_start3A_193 = tpu.memref_slice %arg36[%dma_start3A_191, %dma_start3A_192] : memref<16x128xi32, #tpu.memory_space<vmem>> -> memref<1x128xi32, #tpu.memory_space<vmem>>
          %dma_start3A_194 = tpu.memref_squeeze %dma_start3A_193 : memref<1x128xi32, #tpu.memory_space<vmem>> -> memref<128xi32, #tpu.memory_space<vmem>>
          %dma_start3A_195 = arith.constant 0 : i32
          %dma_start3A_196 = tpu.memref_slice %arg38[%dma_start3A_195] : memref<50048xf32, #tpu.memory_space<vmem_shared>> -> memref<50048xf32, #tpu.memory_space<vmem_shared>>
          tpu.enqueue_indirect_dma source(%arg35 : memref<128xf32, #tpu.memory_space<vmem>>) target(%dma_start3A_196 : memref<50048xf32, #tpu.memory_space<vmem_shared>>) offsets(%dma_start3A_194 : memref<128xi32, #tpu.memory_space<vmem>>) semaphore(%arg49 : memref<!tpu.dma_semaphore, #tpu.memory_space<semaphore_mem>>) {add = true}
          %dma_start3A_197 = arith.constant 2 : i32
          %dma_start3A_198 = arith.constant 0 : i32
          %dma_start3A_199 = tpu.memref_slice %arg36[%dma_start3A_197, %dma_start3A_198] : memref<16x128xi32, #tpu.memory_space<vmem>> -> memref<1x128xi32, #tpu.memory_space<vmem>>
          %dma_start3A_200 = tpu.memref_squeeze %dma_start3A_199 : memref<1x128xi32, #tpu.memory_space<vmem>> -> memref<128xi32, #tpu.memory_space<vmem>>
          %dma_start3A_201 = arith.constant 0 : i32
          %dma_start3A_202 = tpu.memref_slice %arg38[%dma_start3A_201] : memref<50048xf32, #tpu.memory_space<vmem_shared>> -> memref<50048xf32, #tpu.memory_space<vmem_shared>>
          tpu.enqueue_indirect_dma source(%arg35 : memref<128xf32, #tpu.memory_space<vmem>>) target(%dma_start3A_202 : memref<50048xf32, #tpu.memory_space<vmem_shared>>) offsets(%dma_start3A_200 : memref<128xi32, #tpu.memory_space<vmem>>) semaphore(%arg49 : memref<!tpu.dma_semaphore, #tpu.memory_space<semaphore_mem>>) {add = true}
          %dma_start3A_203 = arith.constant 3 : i32
          %dma_start3A_204 = arith.constant 0 : i32
          %dma_start3A_205 = tpu.memref_slice %arg36[%dma_start3A_203, %dma_start3A_204] : memref<16x128xi32, #tpu.memory_space<vmem>> -> memref<1x128xi32, #tpu.memory_space<vmem>>
          %dma_start3A_206 = tpu.memref_squeeze %dma_start3A_205 : memref<1x128xi32, #tpu.memory_space<vmem>> -> memref<128xi32, #tpu.memory_space<vmem>>
          %dma_start3A_207 = arith.constant 0 : i32
          %dma_start3A_208 = tpu.memref_slice %arg38[%dma_start3A_207] : memref<50048xf32, #tpu.memory_space<vmem_shared>> -> memref<50048xf32, #tpu.memory_space<vmem_shared>>
          tpu.enqueue_indirect_dma source(%arg35 : memref<128xf32, #tpu.memory_space<vmem>>) target(%dma_start3A_208 : memref<50048xf32, #tpu.memory_space<vmem_shared>>) offsets(%dma_start3A_206 : memref<128xi32, #tpu.memory_space<vmem>>) semaphore(%arg49 : memref<!tpu.dma_semaphore, #tpu.memory_space<semaphore_mem>>) {add = true}
          %dma_start3A_209 = arith.constant 4 : i32
          %dma_start3A_210 = arith.constant 0 : i32
          %dma_start3A_211 = tpu.memref_slice %arg36[%dma_start3A_209, %dma_start3A_210] : memref<16x128xi32, #tpu.memory_space<vmem>> -> memref<1x128xi32, #tpu.memory_space<vmem>>
          %dma_start3A_212 = tpu.memref_squeeze %dma_start3A_211 : memref<1x128xi32, #tpu.memory_space<vmem>> -> memref<128xi32, #tpu.memory_space<vmem>>
          %dma_start3A_213 = arith.constant 0 : i32
          %dma_start3A_214 = tpu.memref_slice %arg38[%dma_start3A_213] : memref<50048xf32, #tpu.memory_space<vmem_shared>> -> memref<50048xf32, #tpu.memory_space<vmem_shared>>
          tpu.enqueue_indirect_dma source(%arg35 : memref<128xf32, #tpu.memory_space<vmem>>) target(%dma_start3A_214 : memref<50048xf32, #tpu.memory_space<vmem_shared>>) offsets(%dma_start3A_212 : memref<128xi32, #tpu.memory_space<vmem>>) semaphore(%arg49 : memref<!tpu.dma_semaphore, #tpu.memory_space<semaphore_mem>>) {add = true}
          %dma_start3A_215 = arith.constant 5 : i32
          %dma_start3A_216 = arith.constant 0 : i32
          %dma_start3A_217 = tpu.memref_slice %arg36[%dma_start3A_215, %dma_start3A_216] : memref<16x128xi32, #tpu.memory_space<vmem>> -> memref<1x128xi32, #tpu.memory_space<vmem>>
          %dma_start3A_218 = tpu.memref_squeeze %dma_start3A_217 : memref<1x128xi32, #tpu.memory_space<vmem>> -> memref<128xi32, #tpu.memory_space<vmem>>
          %dma_start3A_219 = arith.constant 0 : i32
          %dma_start3A_220 = tpu.memref_slice %arg38[%dma_start3A_219] : memref<50048xf32, #tpu.memory_space<vmem_shared>> -> memref<50048xf32, #tpu.memory_space<vmem_shared>>
          tpu.enqueue_indirect_dma source(%arg35 : memref<128xf32, #tpu.memory_space<vmem>>) target(%dma_start3A_220 : memref<50048xf32, #tpu.memory_space<vmem_shared>>) offsets(%dma_start3A_218 : memref<128xi32, #tpu.memory_space<vmem>>) semaphore(%arg49 : memref<!tpu.dma_semaphore, #tpu.memory_space<semaphore_mem>>) {add = true}
          %dma_start3A_221 = arith.constant 6 : i32
          %dma_start3A_222 = arith.constant 0 : i32
          %dma_start3A_223 = tpu.memref_slice %arg36[%dma_start3A_221, %dma_start3A_222] : memref<16x128xi32, #tpu.memory_space<vmem>> -> memref<1x128xi32, #tpu.memory_space<vmem>>
          %dma_start3A_224 = tpu.memref_squeeze %dma_start3A_223 : memref<1x128xi32, #tpu.memory_space<vmem>> -> memref<128xi32, #tpu.memory_space<vmem>>
          %dma_start3A_225 = arith.constant 0 : i32
          %dma_start3A_226 = tpu.memref_slice %arg38[%dma_start3A_225] : memref<50048xf32, #tpu.memory_space<vmem_shared>> -> memref<50048xf32, #tpu.memory_space<vmem_shared>>
          tpu.enqueue_indirect_dma source(%arg35 : memref<128xf32, #tpu.memory_space<vmem>>) target(%dma_start3A_226 : memref<50048xf32, #tpu.memory_space<vmem_shared>>) offsets(%dma_start3A_224 : memref<128xi32, #tpu.memory_space<vmem>>) semaphore(%arg49 : memref<!tpu.dma_semaphore, #tpu.memory_space<semaphore_mem>>) {add = true}
          %dma_start3A_227 = arith.constant 7 : i32
          %dma_start3A_228 = arith.constant 0 : i32
          %dma_start3A_229 = tpu.memref_slice %arg36[%dma_start3A_227, %dma_start3A_228] : memref<16x128xi32, #tpu.memory_space<vmem>> -> memref<1x128xi32, #tpu.memory_space<vmem>>
          %dma_start3A_230 = tpu.memref_squeeze %dma_start3A_229 : memref<1x128xi32, #tpu.memory_space<vmem>> -> memref<128xi32, #tpu.memory_space<vmem>>
          %dma_start3A_231 = arith.constant 0 : i32
          %dma_start3A_232 = tpu.memref_slice %arg38[%dma_start3A_231] : memref<50048xf32, #tpu.memory_space<vmem_shared>> -> memref<50048xf32, #tpu.memory_space<vmem_shared>>
          tpu.enqueue_indirect_dma source(%arg35 : memref<128xf32, #tpu.memory_space<vmem>>) target(%dma_start3A_232 : memref<50048xf32, #tpu.memory_space<vmem_shared>>) offsets(%dma_start3A_230 : memref<128xi32, #tpu.memory_space<vmem>>) semaphore(%arg49 : memref<!tpu.dma_semaphore, #tpu.memory_space<semaphore_mem>>) {add = true}
          %dma_start3A_233 = arith.constant 8 : i32
          %dma_start3A_234 = arith.constant 0 : i32
          %dma_start3A_235 = tpu.memref_slice %arg36[%dma_start3A_233, %dma_start3A_234] : memref<16x128xi32, #tpu.memory_space<vmem>> -> memref<1x128xi32, #tpu.memory_space<vmem>>
          %dma_start3A_236 = tpu.memref_squeeze %dma_start3A_235 : memref<1x128xi32, #tpu.memory_space<vmem>> -> memref<128xi32, #tpu.memory_space<vmem>>
          %dma_start3A_237 = arith.constant 0 : i32
          %dma_start3A_238 = tpu.memref_slice %arg38[%dma_start3A_237] : memref<50048xf32, #tpu.memory_space<vmem_shared>> -> memref<50048xf32, #tpu.memory_space<vmem_shared>>
          tpu.enqueue_indirect_dma source(%arg35 : memref<128xf32, #tpu.memory_space<vmem>>) target(%dma_start3A_238 : memref<50048xf32, #tpu.memory_space<vmem_shared>>) offsets(%dma_start3A_236 : memref<128xi32, #tpu.memory_space<vmem>>) semaphore(%arg49 : memref<!tpu.dma_semaphore, #tpu.memory_space<semaphore_mem>>) {add = true}
          %dma_start3A_239 = arith.constant 9 : i32
          %dma_start3A_240 = arith.constant 0 : i32
          %dma_start3A_241 = tpu.memref_slice %arg36[%dma_start3A_239, %dma_start3A_240] : memref<16x128xi32, #tpu.memory_space<vmem>> -> memref<1x128xi32, #tpu.memory_space<vmem>>
          %dma_start3A_242 = tpu.memref_squeeze %dma_start3A_241 : memref<1x128xi32, #tpu.memory_space<vmem>> -> memref<128xi32, #tpu.memory_space<vmem>>
          %dma_start3A_243 = arith.constant 0 : i32
          %dma_start3A_244 = tpu.memref_slice %arg38[%dma_start3A_243] : memref<50048xf32, #tpu.memory_space<vmem_shared>> -> memref<50048xf32, #tpu.memory_space<vmem_shared>>
          tpu.enqueue_indirect_dma source(%arg35 : memref<128xf32, #tpu.memory_space<vmem>>) target(%dma_start3A_244 : memref<50048xf32, #tpu.memory_space<vmem_shared>>) offsets(%dma_start3A_242 : memref<128xi32, #tpu.memory_space<vmem>>) semaphore(%arg49 : memref<!tpu.dma_semaphore, #tpu.memory_space<semaphore_mem>>) {add = true}
          %dma_start3A_245 = arith.constant 10 : i32
          %dma_start3A_246 = arith.constant 0 : i32
          %dma_start3A_247 = tpu.memref_slice %arg36[%dma_start3A_245, %dma_start3A_246] : memref<16x128xi32, #tpu.memory_space<vmem>> -> memref<1x128xi32, #tpu.memory_space<vmem>>
          %dma_start3A_248 = tpu.memref_squeeze %dma_start3A_247 : memref<1x128xi32, #tpu.memory_space<vmem>> -> memref<128xi32, #tpu.memory_space<vmem>>
          %dma_start3A_249 = arith.constant 0 : i32
          %dma_start3A_250 = tpu.memref_slice %arg38[%dma_start3A_249] : memref<50048xf32, #tpu.memory_space<vmem_shared>> -> memref<50048xf32, #tpu.memory_space<vmem_shared>>
          tpu.enqueue_indirect_dma source(%arg35 : memref<128xf32, #tpu.memory_space<vmem>>) target(%dma_start3A_250 : memref<50048xf32, #tpu.memory_space<vmem_shared>>) offsets(%dma_start3A_248 : memref<128xi32, #tpu.memory_space<vmem>>) semaphore(%arg49 : memref<!tpu.dma_semaphore, #tpu.memory_space<semaphore_mem>>) {add = true}
          %dma_start3A_251 = arith.constant 11 : i32
          %dma_start3A_252 = arith.constant 0 : i32
          %dma_start3A_253 = tpu.memref_slice %arg36[%dma_start3A_251, %dma_start3A_252] : memref<16x128xi32, #tpu.memory_space<vmem>> -> memref<1x128xi32, #tpu.memory_space<vmem>>
          %dma_start3A_254 = tpu.memref_squeeze %dma_start3A_253 : memref<1x128xi32, #tpu.memory_space<vmem>> -> memref<128xi32, #tpu.memory_space<vmem>>
          %dma_start3A_255 = arith.constant 0 : i32
          %dma_start3A_256 = tpu.memref_slice %arg38[%dma_start3A_255] : memref<50048xf32, #tpu.memory_space<vmem_shared>> -> memref<50048xf32, #tpu.memory_space<vmem_shared>>
          tpu.enqueue_indirect_dma source(%arg35 : memref<128xf32, #tpu.memory_space<vmem>>) target(%dma_start3A_256 : memref<50048xf32, #tpu.memory_space<vmem_shared>>) offsets(%dma_start3A_254 : memref<128xi32, #tpu.memory_space<vmem>>) semaphore(%arg49 : memref<!tpu.dma_semaphore, #tpu.memory_space<semaphore_mem>>) {add = true}
          %dma_start3A_257 = arith.constant 12 : i32
          %dma_start3A_258 = arith.constant 0 : i32
          %dma_start3A_259 = tpu.memref_slice %arg36[%dma_start3A_257, %dma_start3A_258] : memref<16x128xi32, #tpu.memory_space<vmem>> -> memref<1x128xi32, #tpu.memory_space<vmem>>
          %dma_start3A_260 = tpu.memref_squeeze %dma_start3A_259 : memref<1x128xi32, #tpu.memory_space<vmem>> -> memref<128xi32, #tpu.memory_space<vmem>>
          %dma_start3A_261 = arith.constant 0 : i32
          %dma_start3A_262 = tpu.memref_slice %arg38[%dma_start3A_261] : memref<50048xf32, #tpu.memory_space<vmem_shared>> -> memref<50048xf32, #tpu.memory_space<vmem_shared>>
          tpu.enqueue_indirect_dma source(%arg35 : memref<128xf32, #tpu.memory_space<vmem>>) target(%dma_start3A_262 : memref<50048xf32, #tpu.memory_space<vmem_shared>>) offsets(%dma_start3A_260 : memref<128xi32, #tpu.memory_space<vmem>>) semaphore(%arg49 : memref<!tpu.dma_semaphore, #tpu.memory_space<semaphore_mem>>) {add = true}
          %dma_start3A_263 = arith.constant 13 : i32
          %dma_start3A_264 = arith.constant 0 : i32
          %dma_start3A_265 = tpu.memref_slice %arg36[%dma_start3A_263, %dma_start3A_264] : memref<16x128xi32, #tpu.memory_space<vmem>> -> memref<1x128xi32, #tpu.memory_space<vmem>>
          %dma_start3A_266 = tpu.memref_squeeze %dma_start3A_265 : memref<1x128xi32, #tpu.memory_space<vmem>> -> memref<128xi32, #tpu.memory_space<vmem>>
          %dma_start3A_267 = arith.constant 0 : i32
          %dma_start3A_268 = tpu.memref_slice %arg38[%dma_start3A_267] : memref<50048xf32, #tpu.memory_space<vmem_shared>> -> memref<50048xf32, #tpu.memory_space<vmem_shared>>
          tpu.enqueue_indirect_dma source(%arg35 : memref<128xf32, #tpu.memory_space<vmem>>) target(%dma_start3A_268 : memref<50048xf32, #tpu.memory_space<vmem_shared>>) offsets(%dma_start3A_266 : memref<128xi32, #tpu.memory_space<vmem>>) semaphore(%arg49 : memref<!tpu.dma_semaphore, #tpu.memory_space<semaphore_mem>>) {add = true}
          %dma_start3A_269 = arith.constant 14 : i32
          %dma_start3A_270 = arith.constant 0 : i32
          %dma_start3A_271 = tpu.memref_slice %arg36[%dma_start3A_269, %dma_start3A_270] : memref<16x128xi32, #tpu.memory_space<vmem>> -> memref<1x128xi32, #tpu.memory_space<vmem>>
          %dma_start3A_272 = tpu.memref_squeeze %dma_start3A_271 : memref<1x128xi32, #tpu.memory_space<vmem>> -> memref<128xi32, #tpu.memory_space<vmem>>
          %dma_start3A_273 = arith.constant 0 : i32
          %dma_start3A_274 = tpu.memref_slice %arg38[%dma_start3A_273] : memref<50048xf32, #tpu.memory_space<vmem_shared>> -> memref<50048xf32, #tpu.memory_space<vmem_shared>>
          tpu.enqueue_indirect_dma source(%arg35 : memref<128xf32, #tpu.memory_space<vmem>>) target(%dma_start3A_274 : memref<50048xf32, #tpu.memory_space<vmem_shared>>) offsets(%dma_start3A_272 : memref<128xi32, #tpu.memory_space<vmem>>) semaphore(%arg49 : memref<!tpu.dma_semaphore, #tpu.memory_space<semaphore_mem>>) {add = true}
          %dma_start3A_275 = arith.constant 15 : i32
          %dma_start3A_276 = arith.constant 0 : i32
          %dma_start3A_277 = tpu.memref_slice %arg36[%dma_start3A_275, %dma_start3A_276] : memref<16x128xi32, #tpu.memory_space<vmem>> -> memref<1x128xi32, #tpu.memory_space<vmem>>
          %dma_start3A_278 = tpu.memref_squeeze %dma_start3A_277 : memref<1x128xi32, #tpu.memory_space<vmem>> -> memref<128xi32, #tpu.memory_space<vmem>>
          %dma_start3A_279 = arith.constant 0 : i32
          %dma_start3A_280 = tpu.memref_slice %arg38[%dma_start3A_279] : memref<50048xf32, #tpu.memory_space<vmem_shared>> -> memref<50048xf32, #tpu.memory_space<vmem_shared>>
          tpu.enqueue_indirect_dma source(%arg35 : memref<128xf32, #tpu.memory_space<vmem>>) target(%dma_start3A_280 : memref<50048xf32, #tpu.memory_space<vmem_shared>>) offsets(%dma_start3A_278 : memref<128xi32, #tpu.memory_space<vmem>>) semaphore(%arg49 : memref<!tpu.dma_semaphore, #tpu.memory_space<semaphore_mem>>) {add = true}
          %dma_wait3A_281 = arith.constant 0 : i32
          %dma_wait3A_282 = tpu.memref_slice %arg6[%dma_wait3A_281] : memref<50000xf32, #tpu.memory_space<hbm>> -> memref<128xf32, #tpu.memory_space<hbm>>
          %dma_wait3A_283 = arith.constant 0 : i32
          %dma_wait3A_284 = tpu.memref_slice %arg6[%dma_wait3A_283] : memref<50000xf32, #tpu.memory_space<hbm>> -> memref<128xf32, #tpu.memory_space<hbm>>
          tpu.wait_dma2 semaphore(%arg49 : memref<!tpu.dma_semaphore, #tpu.memory_space<semaphore_mem>>) src(%dma_wait3A_284 : memref<128xf32, #tpu.memory_space<hbm>>) dst(%arg35 : memref<128xf32, #tpu.memory_space<vmem>>)
          %dma_wait3A_285 = arith.constant 0 : i32
          %dma_wait3A_286 = tpu.memref_slice %arg6[%dma_wait3A_285] : memref<50000xf32, #tpu.memory_space<hbm>> -> memref<128xf32, #tpu.memory_space<hbm>>
          %dma_wait3A_287 = arith.constant 0 : i32
          %dma_wait3A_288 = tpu.memref_slice %arg6[%dma_wait3A_287] : memref<50000xf32, #tpu.memory_space<hbm>> -> memref<128xf32, #tpu.memory_space<hbm>>
          tpu.wait_dma2 semaphore(%arg49 : memref<!tpu.dma_semaphore, #tpu.memory_space<semaphore_mem>>) src(%dma_wait3A_288 : memref<128xf32, #tpu.memory_space<hbm>>) dst(%arg35 : memref<128xf32, #tpu.memory_space<vmem>>)
          %dma_wait3A_289 = arith.constant 0 : i32
          %dma_wait3A_290 = tpu.memref_slice %arg6[%dma_wait3A_289] : memref<50000xf32, #tpu.memory_space<hbm>> -> memref<128xf32, #tpu.memory_space<hbm>>
          %dma_wait3A_291 = arith.constant 0 : i32
          %dma_wait3A_292 = tpu.memref_slice %arg6[%dma_wait3A_291] : memref<50000xf32, #tpu.memory_space<hbm>> -> memref<128xf32, #tpu.memory_space<hbm>>
          tpu.wait_dma2 semaphore(%arg49 : memref<!tpu.dma_semaphore, #tpu.memory_space<semaphore_mem>>) src(%dma_wait3A_292 : memref<128xf32, #tpu.memory_space<hbm>>) dst(%arg35 : memref<128xf32, #tpu.memory_space<vmem>>)
          %dma_wait3A_293 = arith.constant 0 : i32
          %dma_wait3A_294 = tpu.memref_slice %arg6[%dma_wait3A_293] : memref<50000xf32, #tpu.memory_space<hbm>> -> memref<128xf32, #tpu.memory_space<hbm>>
          %dma_wait3A_295 = arith.constant 0 : i32
          %dma_wait3A_296 = tpu.memref_slice %arg6[%dma_wait3A_295] : memref<50000xf32, #tpu.memory_space<hbm>> -> memref<128xf32, #tpu.memory_space<hbm>>
          tpu.wait_dma2 semaphore(%arg49 : memref<!tpu.dma_semaphore, #tpu.memory_space<semaphore_mem>>) src(%dma_wait3A_296 : memref<128xf32, #tpu.memory_space<hbm>>) dst(%arg35 : memref<128xf32, #tpu.memory_space<vmem>>)
          %dma_wait3A_297 = arith.constant 0 : i32
          %dma_wait3A_298 = tpu.memref_slice %arg6[%dma_wait3A_297] : memref<50000xf32, #tpu.memory_space<hbm>> -> memref<128xf32, #tpu.memory_space<hbm>>
          %dma_wait3A_299 = arith.constant 0 : i32
          %dma_wait3A_300 = tpu.memref_slice %arg6[%dma_wait3A_299] : memref<50000xf32, #tpu.memory_space<hbm>> -> memref<128xf32, #tpu.memory_space<hbm>>
          tpu.wait_dma2 semaphore(%arg49 : memref<!tpu.dma_semaphore, #tpu.memory_space<semaphore_mem>>) src(%dma_wait3A_300 : memref<128xf32, #tpu.memory_space<hbm>>) dst(%arg35 : memref<128xf32, #tpu.memory_space<vmem>>)
          %dma_wait3A_301 = arith.constant 0 : i32
          %dma_wait3A_302 = tpu.memref_slice %arg6[%dma_wait3A_301] : memref<50000xf32, #tpu.memory_space<hbm>> -> memref<128xf32, #tpu.memory_space<hbm>>
          %dma_wait3A_303 = arith.constant 0 : i32
          %dma_wait3A_304 = tpu.memref_slice %arg6[%dma_wait3A_303] : memref<50000xf32, #tpu.memory_space<hbm>> -> memref<128xf32, #tpu.memory_space<hbm>>
          tpu.wait_dma2 semaphore(%arg49 : memref<!tpu.dma_semaphore, #tpu.memory_space<semaphore_mem>>) src(%dma_wait3A_304 : memref<128xf32, #tpu.memory_space<hbm>>) dst(%arg35 : memref<128xf32, #tpu.memory_space<vmem>>)
          %dma_wait3A_305 = arith.constant 0 : i32
          %dma_wait3A_306 = tpu.memref_slice %arg6[%dma_wait3A_305] : memref<50000xf32, #tpu.memory_space<hbm>> -> memref<128xf32, #tpu.memory_space<hbm>>
          %dma_wait3A_307 = arith.constant 0 : i32
          %dma_wait3A_308 = tpu.memref_slice %arg6[%dma_wait3A_307] : memref<50000xf32, #tpu.memory_space<hbm>> -> memref<128xf32, #tpu.memory_space<hbm>>
          tpu.wait_dma2 semaphore(%arg49 : memref<!tpu.dma_semaphore, #tpu.memory_space<semaphore_mem>>) src(%dma_wait3A_308 : memref<128xf32, #tpu.memory_space<hbm>>) dst(%arg35 : memref<128xf32, #tpu.memory_space<vmem>>)
          %dma_wait3A_309 = arith.constant 0 : i32
          %dma_wait3A_310 = tpu.memref_slice %arg6[%dma_wait3A_309] : memref<50000xf32, #tpu.memory_space<hbm>> -> memref<128xf32, #tpu.memory_space<hbm>>
          %dma_wait3A_311 = arith.constant 0 : i32
          %dma_wait3A_312 = tpu.memref_slice %arg6[%dma_wait3A_311] : memref<50000xf32, #tpu.memory_space<hbm>> -> memref<128xf32, #tpu.memory_space<hbm>>
          tpu.wait_dma2 semaphore(%arg49 : memref<!tpu.dma_semaphore, #tpu.memory_space<semaphore_mem>>) src(%dma_wait3A_312 : memref<128xf32, #tpu.memory_space<hbm>>) dst(%arg35 : memref<128xf32, #tpu.memory_space<vmem>>)
          %dma_wait3A_313 = arith.constant 0 : i32
          %dma_wait3A_314 = tpu.memref_slice %arg6[%dma_wait3A_313] : memref<50000xf32, #tpu.memory_space<hbm>> -> memref<128xf32, #tpu.memory_space<hbm>>
          %dma_wait3A_315 = arith.constant 0 : i32
          %dma_wait3A_316 = tpu.memref_slice %arg6[%dma_wait3A_315] : memref<50000xf32, #tpu.memory_space<hbm>> -> memref<128xf32, #tpu.memory_space<hbm>>
          tpu.wait_dma2 semaphore(%arg49 : memref<!tpu.dma_semaphore, #tpu.memory_space<semaphore_mem>>) src(%dma_wait3A_316 : memref<128xf32, #tpu.memory_space<hbm>>) dst(%arg35 : memref<128xf32, #tpu.memory_space<vmem>>)
          %dma_wait3A_317 = arith.constant 0 : i32
          %dma_wait3A_318 = tpu.memref_slice %arg6[%dma_wait3A_317] : memref<50000xf32, #tpu.memory_space<hbm>> -> memref<128xf32, #tpu.memory_space<hbm>>
          %dma_wait3A_319 = arith.constant 0 : i32
          %dma_wait3A_320 = tpu.memref_slice %arg6[%dma_wait3A_319] : memref<50000xf32, #tpu.memory_space<hbm>> -> memref<128xf32, #tpu.memory_space<hbm>>
          tpu.wait_dma2 semaphore(%arg49 : memref<!tpu.dma_semaphore, #tpu.memory_space<semaphore_mem>>) src(%dma_wait3A_320 : memref<128xf32, #tpu.memory_space<hbm>>) dst(%arg35 : memref<128xf32, #tpu.memory_space<vmem>>)
          %dma_wait3A_321 = arith.constant 0 : i32
          %dma_wait3A_322 = tpu.memref_slice %arg6[%dma_wait3A_321] : memref<50000xf32, #tpu.memory_space<hbm>> -> memref<128xf32, #tpu.memory_space<hbm>>
          %dma_wait3A_323 = arith.constant 0 : i32
          %dma_wait3A_324 = tpu.memref_slice %arg6[%dma_wait3A_323] : memref<50000xf32, #tpu.memory_space<hbm>> -> memref<128xf32, #tpu.memory_space<hbm>>
          tpu.wait_dma2 semaphore(%arg49 : memref<!tpu.dma_semaphore, #tpu.memory_space<semaphore_mem>>) src(%dma_wait3A_324 : memref<128xf32, #tpu.memory_space<hbm>>) dst(%arg35 : memref<128xf32, #tpu.memory_space<vmem>>)
          %dma_wait3A_325 = arith.constant 0 : i32
          %dma_wait3A_326 = tpu.memref_slice %arg6[%dma_wait3A_325] : memref<50000xf32, #tpu.memory_space<hbm>> -> memref<128xf32, #tpu.memory_space<hbm>>
          %dma_wait3A_327 = arith.constant 0 : i32
          %dma_wait3A_328 = tpu.memref_slice %arg6[%dma_wait3A_327] : memref<50000xf32, #tpu.memory_space<hbm>> -> memref<128xf32, #tpu.memory_space<hbm>>
          tpu.wait_dma2 semaphore(%arg49 : memref<!tpu.dma_semaphore, #tpu.memory_space<semaphore_mem>>) src(%dma_wait3A_328 : memref<128xf32, #tpu.memory_space<hbm>>) dst(%arg35 : memref<128xf32, #tpu.memory_space<vmem>>)
          %dma_wait3A_329 = arith.constant 0 : i32
          %dma_wait3A_330 = tpu.memref_slice %arg6[%dma_wait3A_329] : memref<50000xf32, #tpu.memory_space<hbm>> -> memref<128xf32, #tpu.memory_space<hbm>>
          %dma_wait3A_331 = arith.constant 0 : i32
          %dma_wait3A_332 = tpu.memref_slice %arg6[%dma_wait3A_331] : memref<50000xf32, #tpu.memory_space<hbm>> -> memref<128xf32, #tpu.memory_space<hbm>>
          tpu.wait_dma2 semaphore(%arg49 : memref<!tpu.dma_semaphore, #tpu.memory_space<semaphore_mem>>) src(%dma_wait3A_332 : memref<128xf32, #tpu.memory_space<hbm>>) dst(%arg35 : memref<128xf32, #tpu.memory_space<vmem>>)
          %dma_wait3A_333 = arith.constant 0 : i32
          %dma_wait3A_334 = tpu.memref_slice %arg6[%dma_wait3A_333] : memref<50000xf32, #tpu.memory_space<hbm>> -> memref<128xf32, #tpu.memory_space<hbm>>
          %dma_wait3A_335 = arith.constant 0 : i32
          %dma_wait3A_336 = tpu.memref_slice %arg6[%dma_wait3A_335] : memref<50000xf32, #tpu.memory_space<hbm>> -> memref<128xf32, #tpu.memory_space<hbm>>
          tpu.wait_dma2 semaphore(%arg49 : memref<!tpu.dma_semaphore, #tpu.memory_space<semaphore_mem>>) src(%dma_wait3A_336 : memref<128xf32, #tpu.memory_space<hbm>>) dst(%arg35 : memref<128xf32, #tpu.memory_space<vmem>>)
          %dma_wait3A_337 = arith.constant 0 : i32
          %dma_wait3A_338 = tpu.memref_slice %arg6[%dma_wait3A_337] : memref<50000xf32, #tpu.memory_space<hbm>> -> memref<128xf32, #tpu.memory_space<hbm>>
          %dma_wait3A_339 = arith.constant 0 : i32
          %dma_wait3A_340 = tpu.memref_slice %arg6[%dma_wait3A_339] : memref<50000xf32, #tpu.memory_space<hbm>> -> memref<128xf32, #tpu.memory_space<hbm>>
          tpu.wait_dma2 semaphore(%arg49 : memref<!tpu.dma_semaphore, #tpu.memory_space<semaphore_mem>>) src(%dma_wait3A_340 : memref<128xf32, #tpu.memory_space<hbm>>) dst(%arg35 : memref<128xf32, #tpu.memory_space<vmem>>)
          %dma_wait3A_341 = arith.constant 0 : i32
          %dma_wait3A_342 = tpu.memref_slice %arg6[%dma_wait3A_341] : memref<50000xf32, #tpu.memory_space<hbm>> -> memref<128xf32, #tpu.memory_space<hbm>>
          %dma_wait3A_343 = arith.constant 0 : i32
          %dma_wait3A_344 = tpu.memref_slice %arg6[%dma_wait3A_343] : memref<50000xf32, #tpu.memory_space<hbm>> -> memref<128xf32, #tpu.memory_space<hbm>>
          tpu.wait_dma2 semaphore(%arg49 : memref<!tpu.dma_semaphore, #tpu.memory_space<semaphore_mem>>) src(%dma_wait3A_344 : memref<128xf32, #tpu.memory_space<hbm>>) dst(%arg35 : memref<128xf32, #tpu.memory_space<vmem>>)
        } else {
        }
      }
      %scan3A_162 = arith.constant 25 : i32
      %barrier3A_163 = arith.constant 0 : index
      tpu.barrier barrier_id(%barrier3A_163)
      %lt3A_164 = arith.constant 15 : i32
      %lt3A_165 = arith.cmpi slt, %arg1, %lt3A_164 : i32
      %convert_element_type3A_166 = arith.extui %lt3A_165 : i1 to i32
      %cond3A_167 = arith.constant 0 : i32
      %cond3A_168 = arith.cmpi ne, %convert_element_type3A_166, %cond3A_167 : i32
      scf.if %cond3A_168 {
        "tpu.region"() ({
          %run_scoped3A = tpu.sem_alloc : memref<!tpu.dma_semaphore, #tpu.memory_space<semaphore_mem>>
          %dma_start3A_174 = tpu.memref_slice %arg11[%mul3A_140] : memref<50048xf32, #tpu.memory_space<hbm>> -> memref<3200xf32, #tpu.memory_space<hbm>>
          %dma_start3A_175 = tpu.memref_slice %arg38[%mul3A_140] : memref<50048xf32, #tpu.memory_space<vmem_shared>> -> memref<3200xf32, #tpu.memory_space<vmem_shared>>
          tpu.enqueue_dma source(%dma_start3A_175 : memref<3200xf32, #tpu.memory_space<vmem_shared>>) target(%dma_start3A_174 : memref<3200xf32, #tpu.memory_space<hbm>>) target_semaphore(%run_scoped3A : memref<!tpu.dma_semaphore, #tpu.memory_space<semaphore_mem>>)
          %dma_wait3A_176 = tpu.memref_slice %arg11[%mul3A_140] : memref<50048xf32, #tpu.memory_space<hbm>> -> memref<3200xf32, #tpu.memory_space<hbm>>
          %dma_wait3A_177 = tpu.memref_slice %arg38[%mul3A_140] : memref<50048xf32, #tpu.memory_space<vmem_shared>> -> memref<3200xf32, #tpu.memory_space<vmem_shared>>
          tpu.wait_dma2 semaphore(%run_scoped3A : memref<!tpu.dma_semaphore, #tpu.memory_space<semaphore_mem>>) src(%dma_wait3A_177 : memref<3200xf32, #tpu.memory_space<vmem_shared>>) dst(%dma_wait3A_176 : memref<3200xf32, #tpu.memory_space<hbm>>)
          tpu.yield
        }) : () -> ()
      } else {
      }
      %eq3A_169 = arith.constant 15 : i32
      %eq3A_170 = arith.cmpi eq, %arg1, %eq3A_169 : i32
      %convert_element_type3A_171 = arith.extui %eq3A_170 : i1 to i32
      %cond3A_172 = arith.constant 0 : i32
      %cond3A_173 = arith.cmpi ne, %convert_element_type3A_171, %cond3A_172 : i32
      scf.if %cond3A_173 {
        "tpu.region"() ({
          %run_scoped3A = tpu.sem_alloc : memref<!tpu.dma_semaphore, #tpu.memory_space<semaphore_mem>>
          %dma_start3A_174 = tpu.memref_slice %arg11[%mul3A_140] : memref<50048xf32, #tpu.memory_space<hbm>> -> memref<2048xf32, #tpu.memory_space<hbm>>
          %dma_start3A_175 = tpu.memref_slice %arg38[%mul3A_140] : memref<50048xf32, #tpu.memory_space<vmem_shared>> -> memref<2048xf32, #tpu.memory_space<vmem_shared>>
          tpu.enqueue_dma source(%dma_start3A_175 : memref<2048xf32, #tpu.memory_space<vmem_shared>>) target(%dma_start3A_174 : memref<2048xf32, #tpu.memory_space<hbm>>) target_semaphore(%run_scoped3A : memref<!tpu.dma_semaphore, #tpu.memory_space<semaphore_mem>>)
          %dma_wait3A_176 = tpu.memref_slice %arg11[%mul3A_140] : memref<50048xf32, #tpu.memory_space<hbm>> -> memref<2048xf32, #tpu.memory_space<hbm>>
          %dma_wait3A_177 = tpu.memref_slice %arg38[%mul3A_140] : memref<50048xf32, #tpu.memory_space<vmem_shared>> -> memref<2048xf32, #tpu.memory_space<vmem_shared>>
          tpu.wait_dma2 semaphore(%run_scoped3A : memref<!tpu.dma_semaphore, #tpu.memory_space<semaphore_mem>>) src(%dma_wait3A_177 : memref<2048xf32, #tpu.memory_space<vmem_shared>>) dst(%dma_wait3A_176 : memref<2048xf32, #tpu.memory_space<hbm>>)
          tpu.yield
        }) : () -> ()
      } else {
      }
    } else {
    }
    %eq3A_23 = arith.constant 1 : i32
    %eq3A_24 = arith.cmpi eq, %arg0, %eq3A_23 : i32
    %convert_element_type3A_25 = arith.extui %eq3A_24 : i1 to i32
    %cond3A_26 = arith.constant 0 : i32
    %cond3A_27 = arith.cmpi ne, %convert_element_type3A_25, %cond3A_26 : i32
    scf.if %cond3A_27 {
      %scan3A_133 = arith.constant 0 : i32
      %scan3A_134 = arith.constant 0 : i32
      %scan3A_135 = arith.constant 13 : i32
      %scan3A_136 = arith.addi %scan3A_134, %scan3A_135 : i32
      %scan3A_137 = arith.constant 1 : i32
      scf.for %scan3A_139 = %scan3A_134 to %scan3A_136 step %scan3A_137  : i32 {
        %mul3A_140 = arith.constant 16 : i32
        %mul3A_141 = arith.muli %scan3A_139, %mul3A_140 : i32
        %add3A_142 = arith.addi %arg1, %mul3A_141 : i32
        %lt3A = arith.constant 195 : i32
        %lt3A_143 = arith.cmpi slt, %add3A_142, %lt3A : i32
        %convert_element_type3A_144 = arith.extui %lt3A_143 : i1 to i32
        %cond3A_145 = arith.constant 0 : i32
        %cond3A_146 = arith.cmpi ne, %convert_element_type3A_144, %cond3A_145 : i32
        scf.if %cond3A_146 {
          %mul3A_152 = arith.constant 256 : i32
          %mul3A_153 = arith.muli %add3A_142, %mul3A_152 : i32
          "tpu.region"() ({
            %run_scoped3A = tpu.sem_alloc : memref<!tpu.dma_semaphore, #tpu.memory_space<semaphore_mem>>
            %dma_start3A_186 = tpu.memref_slice %arg2[%mul3A_153] : memref<50048xi32, #tpu.memory_space<hbm>> -> memref<256xi32, #tpu.memory_space<hbm>>
            %dma_start3A_187 = tpu.memref_slice %arg2[%mul3A_153] : memref<50048xi32, #tpu.memory_space<hbm>> -> memref<256xi32, #tpu.memory_space<hbm>>
            tpu.enqueue_dma source(%dma_start3A_187 : memref<256xi32, #tpu.memory_space<hbm>>) target(%arg13 : memref<256xi32, #tpu.memory_space<vmem>>) target_semaphore(%run_scoped3A : memref<!tpu.dma_semaphore, #tpu.memory_space<semaphore_mem>>)
            %dma_wait3A_188 = tpu.memref_slice %arg2[%mul3A_153] : memref<50048xi32, #tpu.memory_space<hbm>> -> memref<256xi32, #tpu.memory_space<hbm>>
            %dma_wait3A_189 = tpu.memref_slice %arg2[%mul3A_153] : memref<50048xi32, #tpu.memory_space<hbm>> -> memref<256xi32, #tpu.memory_space<hbm>>
            tpu.wait_dma2 semaphore(%run_scoped3A : memref<!tpu.dma_semaphore, #tpu.memory_space<semaphore_mem>>) src(%dma_wait3A_189 : memref<256xi32, #tpu.memory_space<hbm>>) dst(%arg13 : memref<256xi32, #tpu.memory_space<vmem>>)
            tpu.yield
          }) : () -> ()
          %dma_start3A_154 = arith.constant 0 : i32
          %dma_start3A_155 = arith.constant 0 : i32
          %dma_start3A_156 = tpu.memref_slice %arg19[%dma_start3A_154, %dma_start3A_155] : memref<256x64xf32, #tpu.memory_space<vmem>> -> memref<128x64xf32, #tpu.memory_space<vmem>>
          %dma_start3A_157 = arith.constant 0 : i32
          %dma_start3A_158 = tpu.memref_slice %arg13[%dma_start3A_157] : memref<256xi32, #tpu.memory_space<vmem>> -> memref<128xi32, #tpu.memory_space<vmem>>
          %dma_start3A_159 = arith.constant 0 : i32
          %dma_start3A_160 = arith.constant 0 : i32
          %dma_start3A_161 = tpu.memref_slice %arg39[%dma_start3A_159, %dma_start3A_160] : memref<119x64xf32, #tpu.memory_space<vmem_shared>> -> memref<119x64xf32, #tpu.memory_space<vmem_shared>>
          tpu.enqueue_indirect_dma source(%dma_start3A_161 : memref<119x64xf32, #tpu.memory_space<vmem_shared>>) target(%dma_start3A_156 : memref<128x64xf32, #tpu.memory_space<vmem>>) offsets(%dma_start3A_158 : memref<128xi32, #tpu.memory_space<vmem>>) semaphore(%arg45 : memref<!tpu.dma_semaphore, #tpu.memory_space<semaphore_mem>>)
          %dma_start3A_162 = arith.constant 128 : i32
          %dma_start3A_163 = arith.constant 0 : i32
          %dma_start3A_164 = tpu.memref_slice %arg19[%dma_start3A_162, %dma_start3A_163] : memref<256x64xf32, #tpu.memory_space<vmem>> -> memref<128x64xf32, #tpu.memory_space<vmem>>
          %dma_start3A_165 = arith.constant 128 : i32
          %dma_start3A_166 = tpu.memref_slice %arg13[%dma_start3A_165] : memref<256xi32, #tpu.memory_space<vmem>> -> memref<128xi32, #tpu.memory_space<vmem>>
          %dma_start3A_167 = arith.constant 0 : i32
          %dma_start3A_168 = arith.constant 0 : i32
          %dma_start3A_169 = tpu.memref_slice %arg39[%dma_start3A_167, %dma_start3A_168] : memref<119x64xf32, #tpu.memory_space<vmem_shared>> -> memref<119x64xf32, #tpu.memory_space<vmem_shared>>
          tpu.enqueue_indirect_dma source(%dma_start3A_169 : memref<119x64xf32, #tpu.memory_space<vmem_shared>>) target(%dma_start3A_164 : memref<128x64xf32, #tpu.memory_space<vmem>>) offsets(%dma_start3A_166 : memref<128xi32, #tpu.memory_space<vmem>>) semaphore(%arg45 : memref<!tpu.dma_semaphore, #tpu.memory_space<semaphore_mem>>)
          %dma_wait3A_170 = arith.constant 0 : i32
          %dma_wait3A_171 = arith.constant 0 : i32
          %dma_wait3A_172 = tpu.memref_slice %arg19[%dma_wait3A_170, %dma_wait3A_171] : memref<256x64xf32, #tpu.memory_space<vmem>> -> memref<128x64xf32, #tpu.memory_space<vmem>>
          %dma_wait3A_173 = arith.constant 0 : i32
          %dma_wait3A_174 = tpu.memref_slice %arg13[%dma_wait3A_173] : memref<256xi32, #tpu.memory_space<vmem>> -> memref<128xi32, #tpu.memory_space<vmem>>
          %dma_wait3A_175 = arith.constant 0 : i32
          %dma_wait3A_176 = arith.constant 0 : i32
          %dma_wait3A_177 = tpu.memref_slice %arg39[%dma_wait3A_175, %dma_wait3A_176] : memref<119x64xf32, #tpu.memory_space<vmem_shared>> -> memref<119x64xf32, #tpu.memory_space<vmem_shared>>
          tpu.wait_indirect_dma semaphore(%arg45 : memref<!tpu.dma_semaphore, #tpu.memory_space<semaphore_mem>>) src(%dma_wait3A_177 : memref<119x64xf32, #tpu.memory_space<vmem_shared>>) dst(%dma_wait3A_172 : memref<128x64xf32, #tpu.memory_space<vmem>>)
          %dma_wait3A_178 = arith.constant 128 : i32
          %dma_wait3A_179 = arith.constant 0 : i32
          %dma_wait3A_180 = tpu.memref_slice %arg19[%dma_wait3A_178, %dma_wait3A_179] : memref<256x64xf32, #tpu.memory_space<vmem>> -> memref<128x64xf32, #tpu.memory_space<vmem>>
          %dma_wait3A_181 = arith.constant 128 : i32
          %dma_wait3A_182 = tpu.memref_slice %arg13[%dma_wait3A_181] : memref<256xi32, #tpu.memory_space<vmem>> -> memref<128xi32, #tpu.memory_space<vmem>>
          %dma_wait3A_183 = arith.constant 0 : i32
          %dma_wait3A_184 = arith.constant 0 : i32
          %dma_wait3A_185 = tpu.memref_slice %arg39[%dma_wait3A_183, %dma_wait3A_184] : memref<119x64xf32, #tpu.memory_space<vmem_shared>> -> memref<119x64xf32, #tpu.memory_space<vmem_shared>>
          tpu.wait_indirect_dma semaphore(%arg45 : memref<!tpu.dma_semaphore, #tpu.memory_space<semaphore_mem>>) src(%dma_wait3A_185 : memref<119x64xf32, #tpu.memory_space<vmem_shared>>) dst(%dma_wait3A_180 : memref<128x64xf32, #tpu.memory_space<vmem>>)
          "tpu.region"() ({
            %run_scoped3A = tpu.sem_alloc : memref<!tpu.dma_semaphore, #tpu.memory_space<semaphore_mem>>
            %dma_start3A_186 = arith.constant 0 : i32
            %dma_start3A_187 = tpu.memref_slice %arg10[%mul3A_153, %dma_start3A_186] : memref<50000x64xf32, #tpu.memory_space<hbm>> -> memref<256x64xf32, #tpu.memory_space<hbm>>
            %dma_start3A_188 = arith.constant 0 : i32
            %dma_start3A_189 = tpu.memref_slice %arg10[%mul3A_153, %dma_start3A_188] : memref<50000x64xf32, #tpu.memory_space<hbm>> -> memref<256x64xf32, #tpu.memory_space<hbm>>
            tpu.enqueue_dma source(%arg19 : memref<256x64xf32, #tpu.memory_space<vmem>>) target(%dma_start3A_189 : memref<256x64xf32, #tpu.memory_space<hbm>>) target_semaphore(%run_scoped3A : memref<!tpu.dma_semaphore, #tpu.memory_space<semaphore_mem>>)
            %dma_wait3A_190 = arith.constant 0 : i32
            %dma_wait3A_191 = tpu.memref_slice %arg10[%mul3A_153, %dma_wait3A_190] : memref<50000x64xf32, #tpu.memory_space<hbm>> -> memref<256x64xf32, #tpu.memory_space<hbm>>
            %dma_wait3A_192 = arith.constant 0 : i32
            %dma_wait3A_193 = tpu.memref_slice %arg10[%mul3A_153, %dma_wait3A_192] : memref<50000x64xf32, #tpu.memory_space<hbm>> -> memref<256x64xf32, #tpu.memory_space<hbm>>
            tpu.wait_dma2 semaphore(%run_scoped3A : memref<!tpu.dma_semaphore, #tpu.memory_space<semaphore_mem>>) src(%arg19 : memref<256x64xf32, #tpu.memory_space<vmem>>) dst(%dma_wait3A_193 : memref<256x64xf32, #tpu.memory_space<hbm>>)
            tpu.yield
          }) : () -> ()
        } else {
        }
        %eq3A_147 = arith.constant 195 : i32
        %eq3A_148 = arith.cmpi eq, %add3A_142, %eq3A_147 : i32
        %convert_element_type3A_149 = arith.extui %eq3A_148 : i1 to i32
        %cond3A_150 = arith.constant 0 : i32
        %cond3A_151 = arith.cmpi ne, %convert_element_type3A_149, %cond3A_150 : i32
        scf.if %cond3A_151 {
          "tpu.region"() ({
            %run_scoped3A = tpu.sem_alloc : memref<!tpu.dma_semaphore, #tpu.memory_space<semaphore_mem>>
            %dma_start3A_168 = arith.constant 0 : i32
            %dma_start3A_169 = tpu.memref_slice %arg13[%dma_start3A_168] : memref<256xi32, #tpu.memory_space<vmem>> -> memref<128xi32, #tpu.memory_space<vmem>>
            %dma_start3A_170 = arith.constant 49920 : i32
            %dma_start3A_171 = tpu.memref_slice %arg2[%dma_start3A_170] : memref<50048xi32, #tpu.memory_space<hbm>> -> memref<128xi32, #tpu.memory_space<hbm>>
            %dma_start3A_172 = arith.constant 0 : i32
            %dma_start3A_173 = tpu.memref_slice %arg13[%dma_start3A_172] : memref<256xi32, #tpu.memory_space<vmem>> -> memref<128xi32, #tpu.memory_space<vmem>>
            %dma_start3A_174 = arith.constant 49920 : i32
            %dma_start3A_175 = tpu.memref_slice %arg2[%dma_start3A_174] : memref<50048xi32, #tpu.memory_space<hbm>> -> memref<128xi32, #tpu.memory_space<hbm>>
            tpu.enqueue_dma source(%dma_start3A_175 : memref<128xi32, #tpu.memory_space<hbm>>) target(%dma_start3A_173 : memref<128xi32, #tpu.memory_space<vmem>>) target_semaphore(%run_scoped3A : memref<!tpu.dma_semaphore, #tpu.memory_space<semaphore_mem>>)
            %dma_wait3A_176 = arith.constant 0 : i32
            %dma_wait3A_177 = tpu.memref_slice %arg13[%dma_wait3A_176] : memref<256xi32, #tpu.memory_space<vmem>> -> memref<128xi32, #tpu.memory_space<vmem>>
            %dma_wait3A_178 = arith.constant 49920 : i32
            %dma_wait3A_179 = tpu.memref_slice %arg2[%dma_wait3A_178] : memref<50048xi32, #tpu.memory_space<hbm>> -> memref<128xi32, #tpu.memory_space<hbm>>
            %dma_wait3A_180 = arith.constant 0 : i32
            %dma_wait3A_181 = tpu.memref_slice %arg13[%dma_wait3A_180] : memref<256xi32, #tpu.memory_space<vmem>> -> memref<128xi32, #tpu.memory_space<vmem>>
            %dma_wait3A_182 = arith.constant 49920 : i32
            %dma_wait3A_183 = tpu.memref_slice %arg2[%dma_wait3A_182] : memref<50048xi32, #tpu.memory_space<hbm>> -> memref<128xi32, #tpu.memory_space<hbm>>
            tpu.wait_dma2 semaphore(%run_scoped3A : memref<!tpu.dma_semaphore, #tpu.memory_space<semaphore_mem>>) src(%dma_wait3A_183 : memref<128xi32, #tpu.memory_space<hbm>>) dst(%dma_wait3A_181 : memref<128xi32, #tpu.memory_space<vmem>>)
            tpu.yield
          }) : () -> ()
          %dma_start3A_152 = arith.constant 0 : i32
          %dma_start3A_153 = arith.constant 0 : i32
          %dma_start3A_154 = tpu.memref_slice %arg19[%dma_start3A_152, %dma_start3A_153] : memref<256x64xf32, #tpu.memory_space<vmem>> -> memref<128x64xf32, #tpu.memory_space<vmem>>
          %dma_start3A_155 = arith.constant 0 : i32
          %dma_start3A_156 = tpu.memref_slice %arg13[%dma_start3A_155] : memref<256xi32, #tpu.memory_space<vmem>> -> memref<128xi32, #tpu.memory_space<vmem>>
          %dma_start3A_157 = arith.constant 0 : i32
          %dma_start3A_158 = arith.constant 0 : i32
          %dma_start3A_159 = tpu.memref_slice %arg39[%dma_start3A_157, %dma_start3A_158] : memref<119x64xf32, #tpu.memory_space<vmem_shared>> -> memref<119x64xf32, #tpu.memory_space<vmem_shared>>
          tpu.enqueue_indirect_dma source(%dma_start3A_159 : memref<119x64xf32, #tpu.memory_space<vmem_shared>>) target(%dma_start3A_154 : memref<128x64xf32, #tpu.memory_space<vmem>>) offsets(%dma_start3A_156 : memref<128xi32, #tpu.memory_space<vmem>>) semaphore(%arg45 : memref<!tpu.dma_semaphore, #tpu.memory_space<semaphore_mem>>)
          %dma_wait3A_160 = arith.constant 0 : i32
          %dma_wait3A_161 = arith.constant 0 : i32
          %dma_wait3A_162 = tpu.memref_slice %arg19[%dma_wait3A_160, %dma_wait3A_161] : memref<256x64xf32, #tpu.memory_space<vmem>> -> memref<128x64xf32, #tpu.memory_space<vmem>>
          %dma_wait3A_163 = arith.constant 0 : i32
          %dma_wait3A_164 = tpu.memref_slice %arg13[%dma_wait3A_163] : memref<256xi32, #tpu.memory_space<vmem>> -> memref<128xi32, #tpu.memory_space<vmem>>
          %dma_wait3A_165 = arith.constant 0 : i32
          %dma_wait3A_166 = arith.constant 0 : i32
          %dma_wait3A_167 = tpu.memref_slice %arg39[%dma_wait3A_165, %dma_wait3A_166] : memref<119x64xf32, #tpu.memory_space<vmem_shared>> -> memref<119x64xf32, #tpu.memory_space<vmem_shared>>
          tpu.wait_indirect_dma semaphore(%arg45 : memref<!tpu.dma_semaphore, #tpu.memory_space<semaphore_mem>>) src(%dma_wait3A_167 : memref<119x64xf32, #tpu.memory_space<vmem_shared>>) dst(%dma_wait3A_162 : memref<128x64xf32, #tpu.memory_space<vmem>>)
          "tpu.region"() ({
            %run_scoped3A = tpu.sem_alloc : memref<!tpu.dma_semaphore, #tpu.memory_space<semaphore_mem>>
            %dma_start3A_168 = arith.constant 0 : i32
            %dma_start3A_169 = arith.constant 0 : i32
            %dma_start3A_170 = tpu.memref_slice %arg19[%dma_start3A_168, %dma_start3A_169] : memref<256x64xf32, #tpu.memory_space<vmem>> -> memref<80x64xf32, #tpu.memory_space<vmem>>
            %dma_start3A_171 = arith.constant 49920 : i32
            %dma_start3A_172 = arith.constant 0 : i32
            %dma_start3A_173 = tpu.memref_slice %arg10[%dma_start3A_171, %dma_start3A_172] : memref<50000x64xf32, #tpu.memory_space<hbm>> -> memref<80x64xf32, #tpu.memory_space<hbm>>
            %dma_start3A_174 = arith.constant 49920 : i32
            %dma_start3A_175 = arith.constant 0 : i32
            %dma_start3A_176 = tpu.memref_slice %arg10[%dma_start3A_174, %dma_start3A_175] : memref<50000x64xf32, #tpu.memory_space<hbm>> -> memref<80x64xf32, #tpu.memory_space<hbm>>
            %dma_start3A_177 = arith.constant 0 : i32
            %dma_start3A_178 = arith.constant 0 : i32
            %dma_start3A_179 = tpu.memref_slice %arg19[%dma_start3A_177, %dma_start3A_178] : memref<256x64xf32, #tpu.memory_space<vmem>> -> memref<80x64xf32, #tpu.memory_space<vmem>>
            tpu.enqueue_dma source(%dma_start3A_179 : memref<80x64xf32, #tpu.memory_space<vmem>>) target(%dma_start3A_176 : memref<80x64xf32, #tpu.memory_space<hbm>>) target_semaphore(%run_scoped3A : memref<!tpu.dma_semaphore, #tpu.memory_space<semaphore_mem>>)
            %dma_wait3A_180 = arith.constant 0 : i32
            %dma_wait3A_181 = arith.constant 0 : i32
            %dma_wait3A_182 = tpu.memref_slice %arg19[%dma_wait3A_180, %dma_wait3A_181] : memref<256x64xf32, #tpu.memory_space<vmem>> -> memref<80x64xf32, #tpu.memory_space<vmem>>
            %dma_wait3A_183 = arith.constant 49920 : i32
            %dma_wait3A_184 = arith.constant 0 : i32
            %dma_wait3A_185 = tpu.memref_slice %arg10[%dma_wait3A_183, %dma_wait3A_184] : memref<50000x64xf32, #tpu.memory_space<hbm>> -> memref<80x64xf32, #tpu.memory_space<hbm>>
            %dma_wait3A_186 = arith.constant 49920 : i32
            %dma_wait3A_187 = arith.constant 0 : i32
            %dma_wait3A_188 = tpu.memref_slice %arg10[%dma_wait3A_186, %dma_wait3A_187] : memref<50000x64xf32, #tpu.memory_space<hbm>> -> memref<80x64xf32, #tpu.memory_space<hbm>>
            %dma_wait3A_189 = arith.constant 0 : i32
            %dma_wait3A_190 = arith.constant 0 : i32
            %dma_wait3A_191 = tpu.memref_slice %arg19[%dma_wait3A_189, %dma_wait3A_190] : memref<256x64xf32, #tpu.memory_space<vmem>> -> memref<80x64xf32, #tpu.memory_space<vmem>>
            tpu.wait_dma2 semaphore(%run_scoped3A : memref<!tpu.dma_semaphore, #tpu.memory_space<semaphore_mem>>) src(%dma_wait3A_191 : memref<80x64xf32, #tpu.memory_space<vmem>>) dst(%dma_wait3A_188 : memref<80x64xf32, #tpu.memory_space<hbm>>)
            tpu.yield
          }) : () -> ()
        } else {
        }
      }
      %scan3A_138 = arith.constant 13 : i32
    } else {
    }
    %mul3A_28 = arith.constant 256 : i32
    %mul3A_29 = arith.muli %add3A, %mul3A_28 : i32
    %dma_start3A = tpu.memref_slice %arg3[%mul3A_29] : memref<800000xi32, #tpu.memory_space<hbm>> -> memref<256xi32, #tpu.memory_space<hbm>>
    %dma_start3A_30 = tpu.memref_slice %arg3[%mul3A_29] : memref<800000xi32, #tpu.memory_space<hbm>> -> memref<256xi32, #tpu.memory_space<hbm>>
    tpu.enqueue_dma source(%dma_start3A_30 : memref<256xi32, #tpu.memory_space<hbm>>) target(%arg14 : memref<256xi32, #tpu.memory_space<vmem>>) target_semaphore(%arg43 : memref<!tpu.dma_semaphore, #tpu.memory_space<semaphore_mem>>)
    %dma_start3A_31 = tpu.memref_slice %arg4[%mul3A_29] : memref<800000xi32, #tpu.memory_space<hbm>> -> memref<256xi32, #tpu.memory_space<hbm>>
    %dma_start3A_32 = tpu.memref_slice %arg4[%mul3A_29] : memref<800000xi32, #tpu.memory_space<hbm>> -> memref<256xi32, #tpu.memory_space<hbm>>
    tpu.enqueue_dma source(%dma_start3A_32 : memref<256xi32, #tpu.memory_space<hbm>>) target(%arg15 : memref<256xi32, #tpu.memory_space<vmem>>) target_semaphore(%arg43 : memref<!tpu.dma_semaphore, #tpu.memory_space<semaphore_mem>>)
    %add3A_33 = arith.constant 32 : i32
    %add3A_34 = arith.addi %add3A, %add3A_33 : i32
    %mul3A_35 = arith.constant 256 : i32
    %mul3A_36 = arith.muli %add3A_34, %mul3A_35 : i32
    %dma_start3A_37 = tpu.memref_slice %arg3[%mul3A_36] : memref<800000xi32, #tpu.memory_space<hbm>> -> memref<256xi32, #tpu.memory_space<hbm>>
    %dma_start3A_38 = tpu.memref_slice %arg3[%mul3A_36] : memref<800000xi32, #tpu.memory_space<hbm>> -> memref<256xi32, #tpu.memory_space<hbm>>
    tpu.enqueue_dma source(%dma_start3A_38 : memref<256xi32, #tpu.memory_space<hbm>>) target(%arg17 : memref<256xi32, #tpu.memory_space<vmem>>) target_semaphore(%arg44 : memref<!tpu.dma_semaphore, #tpu.memory_space<semaphore_mem>>)
    %dma_start3A_39 = tpu.memref_slice %arg4[%mul3A_36] : memref<800000xi32, #tpu.memory_space<hbm>> -> memref<256xi32, #tpu.memory_space<hbm>>
    %dma_start3A_40 = tpu.memref_slice %arg4[%mul3A_36] : memref<800000xi32, #tpu.memory_space<hbm>> -> memref<256xi32, #tpu.memory_space<hbm>>
    tpu.enqueue_dma source(%dma_start3A_40 : memref<256xi32, #tpu.memory_space<hbm>>) target(%arg18 : memref<256xi32, #tpu.memory_space<vmem>>) target_semaphore(%arg44 : memref<!tpu.dma_semaphore, #tpu.memory_space<semaphore_mem>>)
    %dma_wait3A = arith.constant 0 : i32
    %dma_wait3A_41 = tpu.memref_slice %arg3[%dma_wait3A] : memref<800000xi32, #tpu.memory_space<hbm>> -> memref<256xi32, #tpu.memory_space<hbm>>
    %dma_wait3A_42 = arith.constant 0 : i32
    %dma_wait3A_43 = tpu.memref_slice %arg3[%dma_wait3A_42] : memref<800000xi32, #tpu.memory_space<hbm>> -> memref<256xi32, #tpu.memory_space<hbm>>
    tpu.wait_dma2 semaphore(%arg43 : memref<!tpu.dma_semaphore, #tpu.memory_space<semaphore_mem>>) src(%dma_wait3A_43 : memref<256xi32, #tpu.memory_space<hbm>>) dst(%arg14 : memref<256xi32, #tpu.memory_space<vmem>>)
    %dma_wait3A_44 = arith.constant 0 : i32
    %dma_wait3A_45 = tpu.memref_slice %arg4[%dma_wait3A_44] : memref<800000xi32, #tpu.memory_space<hbm>> -> memref<256xi32, #tpu.memory_space<hbm>>
    %dma_wait3A_46 = arith.constant 0 : i32
    %dma_wait3A_47 = tpu.memref_slice %arg4[%dma_wait3A_46] : memref<800000xi32, #tpu.memory_space<hbm>> -> memref<256xi32, #tpu.memory_space<hbm>>
    tpu.wait_dma2 semaphore(%arg43 : memref<!tpu.dma_semaphore, #tpu.memory_space<semaphore_mem>>) src(%dma_wait3A_47 : memref<256xi32, #tpu.memory_space<hbm>>) dst(%arg15 : memref<256xi32, #tpu.memory_space<vmem>>)
    %dma_start3A_48 = arith.constant 0 : i32
    %dma_start3A_49 = tpu.memref_slice %arg21[%dma_start3A_48] : memref<256xf32, #tpu.memory_space<vmem>> -> memref<128xf32, #tpu.memory_space<vmem>>
    %dma_start3A_50 = arith.constant 0 : i32
    %dma_start3A_51 = tpu.memref_slice %arg15[%dma_start3A_50] : memref<256xi32, #tpu.memory_space<vmem>> -> memref<128xi32, #tpu.memory_space<vmem>>
    %dma_start3A_52 = arith.constant 0 : i32
    %dma_start3A_53 = tpu.memref_slice %arg40[%dma_start3A_52] : memref<50000xf32, #tpu.memory_space<vmem_shared>> -> memref<50000xf32, #tpu.memory_space<vmem_shared>>
    tpu.enqueue_indirect_dma source(%dma_start3A_53 : memref<50000xf32, #tpu.memory_space<vmem_shared>>) target(%dma_start3A_49 : memref<128xf32, #tpu.memory_space<vmem>>) offsets(%dma_start3A_51 : memref<128xi32, #tpu.memory_space<vmem>>) semaphore(%arg45 : memref<!tpu.dma_semaphore, #tpu.memory_space<semaphore_mem>>)
    %dma_start3A_54 = arith.constant 0 : i32
    %dma_start3A_55 = tpu.memref_slice %arg22[%dma_start3A_54] : memref<256xf32, #tpu.memory_space<vmem>> -> memref<128xf32, #tpu.memory_space<vmem>>
    %dma_start3A_56 = arith.constant 0 : i32
    %dma_start3A_57 = tpu.memref_slice %arg15[%dma_start3A_56] : memref<256xi32, #tpu.memory_space<vmem>> -> memref<128xi32, #tpu.memory_space<vmem>>
    %dma_start3A_58 = arith.constant 0 : i32
    %dma_start3A_59 = tpu.memref_slice %arg41[%dma_start3A_58] : memref<50000xf32, #tpu.memory_space<vmem_shared>> -> memref<50000xf32, #tpu.memory_space<vmem_shared>>
    tpu.enqueue_indirect_dma source(%dma_start3A_59 : memref<50000xf32, #tpu.memory_space<vmem_shared>>) target(%dma_start3A_55 : memref<128xf32, #tpu.memory_space<vmem>>) offsets(%dma_start3A_57 : memref<128xi32, #tpu.memory_space<vmem>>) semaphore(%arg45 : memref<!tpu.dma_semaphore, #tpu.memory_space<semaphore_mem>>)
    %dma_start3A_60 = arith.constant 0 : i32
    %dma_start3A_61 = tpu.memref_slice %arg23[%dma_start3A_60] : memref<256xf32, #tpu.memory_space<vmem>> -> memref<128xf32, #tpu.memory_space<vmem>>
    %dma_start3A_62 = arith.constant 0 : i32
    %dma_start3A_63 = tpu.memref_slice %arg15[%dma_start3A_62] : memref<256xi32, #tpu.memory_space<vmem>> -> memref<128xi32, #tpu.memory_space<vmem>>
    %dma_start3A_64 = arith.constant 0 : i32
    %dma_start3A_65 = tpu.memref_slice %arg42[%dma_start3A_64] : memref<50000xf32, #tpu.memory_space<vmem_shared>> -> memref<50000xf32, #tpu.memory_space<vmem_shared>>
    tpu.enqueue_indirect_dma source(%dma_start3A_65 : memref<50000xf32, #tpu.memory_space<vmem_shared>>) target(%dma_start3A_61 : memref<128xf32, #tpu.memory_space<vmem>>) offsets(%dma_start3A_63 : memref<128xi32, #tpu.memory_space<vmem>>) semaphore(%arg45 : memref<!tpu.dma_semaphore, #tpu.memory_space<semaphore_mem>>)
    %dma_start3A_66 = arith.constant 0 : i32
    %dma_start3A_67 = tpu.memref_slice %arg24[%dma_start3A_66] : memref<256xf32, #tpu.memory_space<vmem>> -> memref<128xf32, #tpu.memory_space<vmem>>
    %dma_start3A_68 = arith.constant 0 : i32
    %dma_start3A_69 = tpu.memref_slice %arg14[%dma_start3A_68] : memref<256xi32, #tpu.memory_space<vmem>> -> memref<128xi32, #tpu.memory_space<vmem>>
    %dma_start3A_70 = arith.constant 0 : i32
    %dma_start3A_71 = tpu.memref_slice %arg40[%dma_start3A_70] : memref<50000xf32, #tpu.memory_space<vmem_shared>> -> memref<50000xf32, #tpu.memory_space<vmem_shared>>
    tpu.enqueue_indirect_dma source(%dma_start3A_71 : memref<50000xf32, #tpu.memory_space<vmem_shared>>) target(%dma_start3A_67 : memref<128xf32, #tpu.memory_space<vmem>>) offsets(%dma_start3A_69 : memref<128xi32, #tpu.memory_space<vmem>>) semaphore(%arg45 : memref<!tpu.dma_semaphore, #tpu.memory_space<semaphore_mem>>)
    %dma_start3A_72 = arith.constant 0 : i32
    %dma_start3A_73 = tpu.memref_slice %arg25[%dma_start3A_72] : memref<256xf32, #tpu.memory_space<vmem>> -> memref<128xf32, #tpu.memory_space<vmem>>
    %dma_start3A_74 = arith.constant 0 : i32
    %dma_start3A_75 = tpu.memref_slice %arg14[%dma_start3A_74] : memref<256xi32, #tpu.memory_space<vmem>> -> memref<128xi32, #tpu.memory_space<vmem>>
    %dma_start3A_76 = arith.constant 0 : i32
    %dma_start3A_77 = tpu.memref_slice %arg41[%dma_start3A_76] : memref<50000xf32, #tpu.memory_space<vmem_shared>> -> memref<50000xf32, #tpu.memory_space<vmem_shared>>
    tpu.enqueue_indirect_dma source(%dma_start3A_77 : memref<50000xf32, #tpu.memory_space<vmem_shared>>) target(%dma_start3A_73 : memref<128xf32, #tpu.memory_space<vmem>>) offsets(%dma_start3A_75 : memref<128xi32, #tpu.memory_space<vmem>>) semaphore(%arg45 : memref<!tpu.dma_semaphore, #tpu.memory_space<semaphore_mem>>)
    %dma_start3A_78 = arith.constant 0 : i32
    %dma_start3A_79 = tpu.memref_slice %arg26[%dma_start3A_78] : memref<256xf32, #tpu.memory_space<vmem>> -> memref<128xf32, #tpu.memory_space<vmem>>
    %dma_start3A_80 = arith.constant 0 : i32
    %dma_start3A_81 = tpu.memref_slice %arg14[%dma_start3A_80] : memref<256xi32, #tpu.memory_space<vmem>> -> memref<128xi32, #tpu.memory_space<vmem>>
    %dma_start3A_82 = arith.constant 0 : i32
    %dma_start3A_83 = tpu.memref_slice %arg42[%dma_start3A_82] : memref<50000xf32, #tpu.memory_space<vmem_shared>> -> memref<50000xf32, #tpu.memory_space<vmem_shared>>
    tpu.enqueue_indirect_dma source(%dma_start3A_83 : memref<50000xf32, #tpu.memory_space<vmem_shared>>) target(%dma_start3A_79 : memref<128xf32, #tpu.memory_space<vmem>>) offsets(%dma_start3A_81 : memref<128xi32, #tpu.memory_space<vmem>>) semaphore(%arg45 : memref<!tpu.dma_semaphore, #tpu.memory_space<semaphore_mem>>)
    %dma_start3A_84 = arith.constant 128 : i32
    %dma_start3A_85 = tpu.memref_slice %arg21[%dma_start3A_84] : memref<256xf32, #tpu.memory_space<vmem>> -> memref<128xf32, #tpu.memory_space<vmem>>
    %dma_start3A_86 = arith.constant 128 : i32
    %dma_start3A_87 = tpu.memref_slice %arg15[%dma_start3A_86] : memref<256xi32, #tpu.memory_space<vmem>> -> memref<128xi32, #tpu.memory_space<vmem>>
    %dma_start3A_88 = arith.constant 0 : i32
    %dma_start3A_89 = tpu.memref_slice %arg40[%dma_start3A_88] : memref<50000xf32, #tpu.memory_space<vmem_shared>> -> memref<50000xf32, #tpu.memory_space<vmem_shared>>
    tpu.enqueue_indirect_dma source(%dma_start3A_89 : memref<50000xf32, #tpu.memory_space<vmem_shared>>) target(%dma_start3A_85 : memref<128xf32, #tpu.memory_space<vmem>>) offsets(%dma_start3A_87 : memref<128xi32, #tpu.memory_space<vmem>>) semaphore(%arg45 : memref<!tpu.dma_semaphore, #tpu.memory_space<semaphore_mem>>)
    %dma_start3A_90 = arith.constant 128 : i32
    %dma_start3A_91 = tpu.memref_slice %arg22[%dma_start3A_90] : memref<256xf32, #tpu.memory_space<vmem>> -> memref<128xf32, #tpu.memory_space<vmem>>
    %dma_start3A_92 = arith.constant 128 : i32
    %dma_start3A_93 = tpu.memref_slice %arg15[%dma_start3A_92] : memref<256xi32, #tpu.memory_space<vmem>> -> memref<128xi32, #tpu.memory_space<vmem>>
    %dma_start3A_94 = arith.constant 0 : i32
    %dma_start3A_95 = tpu.memref_slice %arg41[%dma_start3A_94] : memref<50000xf32, #tpu.memory_space<vmem_shared>> -> memref<50000xf32, #tpu.memory_space<vmem_shared>>
    tpu.enqueue_indirect_dma source(%dma_start3A_95 : memref<50000xf32, #tpu.memory_space<vmem_shared>>) target(%dma_start3A_91 : memref<128xf32, #tpu.memory_space<vmem>>) offsets(%dma_start3A_93 : memref<128xi32, #tpu.memory_space<vmem>>) semaphore(%arg45 : memref<!tpu.dma_semaphore, #tpu.memory_space<semaphore_mem>>)
    %dma_start3A_96 = arith.constant 128 : i32
    %dma_start3A_97 = tpu.memref_slice %arg23[%dma_start3A_96] : memref<256xf32, #tpu.memory_space<vmem>> -> memref<128xf32, #tpu.memory_space<vmem>>
    %dma_start3A_98 = arith.constant 128 : i32
    %dma_start3A_99 = tpu.memref_slice %arg15[%dma_start3A_98] : memref<256xi32, #tpu.memory_space<vmem>> -> memref<128xi32, #tpu.memory_space<vmem>>
    %dma_start3A_100 = arith.constant 0 : i32
    %dma_start3A_101 = tpu.memref_slice %arg42[%dma_start3A_100] : memref<50000xf32, #tpu.memory_space<vmem_shared>> -> memref<50000xf32, #tpu.memory_space<vmem_shared>>
    tpu.enqueue_indirect_dma source(%dma_start3A_101 : memref<50000xf32, #tpu.memory_space<vmem_shared>>) target(%dma_start3A_97 : memref<128xf32, #tpu.memory_space<vmem>>) offsets(%dma_start3A_99 : memref<128xi32, #tpu.memory_space<vmem>>) semaphore(%arg45 : memref<!tpu.dma_semaphore, #tpu.memory_space<semaphore_mem>>)
    %dma_start3A_102 = arith.constant 128 : i32
    %dma_start3A_103 = tpu.memref_slice %arg24[%dma_start3A_102] : memref<256xf32, #tpu.memory_space<vmem>> -> memref<128xf32, #tpu.memory_space<vmem>>
    %dma_start3A_104 = arith.constant 128 : i32
    %dma_start3A_105 = tpu.memref_slice %arg14[%dma_start3A_104] : memref<256xi32, #tpu.memory_space<vmem>> -> memref<128xi32, #tpu.memory_space<vmem>>
    %dma_start3A_106 = arith.constant 0 : i32
    %dma_start3A_107 = tpu.memref_slice %arg40[%dma_start3A_106] : memref<50000xf32, #tpu.memory_space<vmem_shared>> -> memref<50000xf32, #tpu.memory_space<vmem_shared>>
    tpu.enqueue_indirect_dma source(%dma_start3A_107 : memref<50000xf32, #tpu.memory_space<vmem_shared>>) target(%dma_start3A_103 : memref<128xf32, #tpu.memory_space<vmem>>) offsets(%dma_start3A_105 : memref<128xi32, #tpu.memory_space<vmem>>) semaphore(%arg45 : memref<!tpu.dma_semaphore, #tpu.memory_space<semaphore_mem>>)
    %dma_start3A_108 = arith.constant 128 : i32
    %dma_start3A_109 = tpu.memref_slice %arg25[%dma_start3A_108] : memref<256xf32, #tpu.memory_space<vmem>> -> memref<128xf32, #tpu.memory_space<vmem>>
    %dma_start3A_110 = arith.constant 128 : i32
    %dma_start3A_111 = tpu.memref_slice %arg14[%dma_start3A_110] : memref<256xi32, #tpu.memory_space<vmem>> -> memref<128xi32, #tpu.memory_space<vmem>>
    %dma_start3A_112 = arith.constant 0 : i32
    %dma_start3A_113 = tpu.memref_slice %arg41[%dma_start3A_112] : memref<50000xf32, #tpu.memory_space<vmem_shared>> -> memref<50000xf32, #tpu.memory_space<vmem_shared>>
    tpu.enqueue_indirect_dma source(%dma_start3A_113 : memref<50000xf32, #tpu.memory_space<vmem_shared>>) target(%dma_start3A_109 : memref<128xf32, #tpu.memory_space<vmem>>) offsets(%dma_start3A_111 : memref<128xi32, #tpu.memory_space<vmem>>) semaphore(%arg45 : memref<!tpu.dma_semaphore, #tpu.memory_space<semaphore_mem>>)
    %dma_start3A_114 = arith.constant 128 : i32
    %dma_start3A_115 = tpu.memref_slice %arg26[%dma_start3A_114] : memref<256xf32, #tpu.memory_space<vmem>> -> memref<128xf32, #tpu.memory_space<vmem>>
    %dma_start3A_116 = arith.constant 128 : i32
    %dma_start3A_117 = tpu.memref_slice %arg14[%dma_start3A_116] : memref<256xi32, #tpu.memory_space<vmem>> -> memref<128xi32, #tpu.memory_space<vmem>>
    %dma_start3A_118 = arith.constant 0 : i32
    %dma_start3A_119 = tpu.memref_slice %arg42[%dma_start3A_118] : memref<50000xf32, #tpu.memory_space<vmem_shared>> -> memref<50000xf32, #tpu.memory_space<vmem_shared>>
    tpu.enqueue_indirect_dma source(%dma_start3A_119 : memref<50000xf32, #tpu.memory_space<vmem_shared>>) target(%dma_start3A_115 : memref<128xf32, #tpu.memory_space<vmem>>) offsets(%dma_start3A_117 : memref<128xi32, #tpu.memory_space<vmem>>) semaphore(%arg45 : memref<!tpu.dma_semaphore, #tpu.memory_space<semaphore_mem>>)
    %scan3A = arith.constant 0 : i32
    %scan3A_120 = arith.constant 0 : i32
    %scan3A_121 = arith.constant 49 : i32
    %scan3A_122 = arith.addi %scan3A_120, %scan3A_121 : i32
    %scan3A_123 = arith.constant 1 : i32
    scf.for %scan3A_133 = %scan3A_120 to %scan3A_122 step %scan3A_123  : i32 {
      %mul3A_134 = arith.constant 2 : i32
      %mul3A_135 = arith.muli %mul3A_134, %scan3A_133 : i32
      %add3A_136 = arith.constant 0 : i32
      %add3A_137 = arith.addi %mul3A_135, %add3A_136 : i32
      %mul3A_138 = arith.constant 32 : i32
      %mul3A_139 = arith.muli %add3A_137, %mul3A_138 : i32
      %add3A_140 = arith.addi %add3A, %mul3A_139 : i32
      %lt3A = arith.constant 3125 : i32
      %lt3A_141 = arith.cmpi slt, %add3A_140, %lt3A : i32
      %convert_element_type3A_142 = arith.extui %lt3A_141 : i1 to i32
      %cond3A_143 = arith.constant 0 : i32
      %cond3A_144 = arith.cmpi ne, %convert_element_type3A_142, %cond3A_143 : i32
      scf.if %cond3A_144 {
        %dma_wait3A_157 = arith.constant 0 : i32
        %dma_wait3A_158 = tpu.memref_slice %arg21[%dma_wait3A_157] : memref<256xf32, #tpu.memory_space<vmem>> -> memref<128xf32, #tpu.memory_space<vmem>>
        %dma_wait3A_159 = arith.constant 0 : i32
        %dma_wait3A_160 = tpu.memref_slice %arg6[%dma_wait3A_159] : memref<50000xf32, #tpu.memory_space<hbm>> -> memref<128xf32, #tpu.memory_space<hbm>>
        %dma_wait3A_161 = arith.constant 0 : i32
        %dma_wait3A_162 = tpu.memref_slice %arg21[%dma_wait3A_161] : memref<256xf32, #tpu.memory_space<vmem>> -> memref<128xf32, #tpu.memory_space<vmem>>
        %dma_wait3A_163 = arith.constant 0 : i32
        %dma_wait3A_164 = tpu.memref_slice %arg6[%dma_wait3A_163] : memref<50000xf32, #tpu.memory_space<hbm>> -> memref<128xf32, #tpu.memory_space<hbm>>
        tpu.wait_dma2 semaphore(%arg45 : memref<!tpu.dma_semaphore, #tpu.memory_space<semaphore_mem>>) src(%dma_wait3A_164 : memref<128xf32, #tpu.memory_space<hbm>>) dst(%dma_wait3A_162 : memref<128xf32, #tpu.memory_space<vmem>>)
        %dma_wait3A_165 = arith.constant 0 : i32
        %dma_wait3A_166 = tpu.memref_slice %arg22[%dma_wait3A_165] : memref<256xf32, #tpu.memory_space<vmem>> -> memref<128xf32, #tpu.memory_space<vmem>>
        %dma_wait3A_167 = arith.constant 0 : i32
        %dma_wait3A_168 = tpu.memref_slice %arg6[%dma_wait3A_167] : memref<50000xf32, #tpu.memory_space<hbm>> -> memref<128xf32, #tpu.memory_space<hbm>>
        %dma_wait3A_169 = arith.constant 0 : i32
        %dma_wait3A_170 = tpu.memref_slice %arg22[%dma_wait3A_169] : memref<256xf32, #tpu.memory_space<vmem>> -> memref<128xf32, #tpu.memory_space<vmem>>
        %dma_wait3A_171 = arith.constant 0 : i32
        %dma_wait3A_172 = tpu.memref_slice %arg6[%dma_wait3A_171] : memref<50000xf32, #tpu.memory_space<hbm>> -> memref<128xf32, #tpu.memory_space<hbm>>
        tpu.wait_dma2 semaphore(%arg45 : memref<!tpu.dma_semaphore, #tpu.memory_space<semaphore_mem>>) src(%dma_wait3A_172 : memref<128xf32, #tpu.memory_space<hbm>>) dst(%dma_wait3A_170 : memref<128xf32, #tpu.memory_space<vmem>>)
        %dma_wait3A_173 = arith.constant 0 : i32
        %dma_wait3A_174 = tpu.memref_slice %arg23[%dma_wait3A_173] : memref<256xf32, #tpu.memory_space<vmem>> -> memref<128xf32, #tpu.memory_space<vmem>>
        %dma_wait3A_175 = arith.constant 0 : i32
        %dma_wait3A_176 = tpu.memref_slice %arg6[%dma_wait3A_175] : memref<50000xf32, #tpu.memory_space<hbm>> -> memref<128xf32, #tpu.memory_space<hbm>>
        %dma_wait3A_177 = arith.constant 0 : i32
        %dma_wait3A_178 = tpu.memref_slice %arg23[%dma_wait3A_177] : memref<256xf32, #tpu.memory_space<vmem>> -> memref<128xf32, #tpu.memory_space<vmem>>
        %dma_wait3A_179 = arith.constant 0 : i32
        %dma_wait3A_180 = tpu.memref_slice %arg6[%dma_wait3A_179] : memref<50000xf32, #tpu.memory_space<hbm>> -> memref<128xf32, #tpu.memory_space<hbm>>
        tpu.wait_dma2 semaphore(%arg45 : memref<!tpu.dma_semaphore, #tpu.memory_space<semaphore_mem>>) src(%dma_wait3A_180 : memref<128xf32, #tpu.memory_space<hbm>>) dst(%dma_wait3A_178 : memref<128xf32, #tpu.memory_space<vmem>>)
        %dma_wait3A_181 = arith.constant 0 : i32
        %dma_wait3A_182 = tpu.memref_slice %arg24[%dma_wait3A_181] : memref<256xf32, #tpu.memory_space<vmem>> -> memref<128xf32, #tpu.memory_space<vmem>>
        %dma_wait3A_183 = arith.constant 0 : i32
        %dma_wait3A_184 = tpu.memref_slice %arg6[%dma_wait3A_183] : memref<50000xf32, #tpu.memory_space<hbm>> -> memref<128xf32, #tpu.memory_space<hbm>>
        %dma_wait3A_185 = arith.constant 0 : i32
        %dma_wait3A_186 = tpu.memref_slice %arg24[%dma_wait3A_185] : memref<256xf32, #tpu.memory_space<vmem>> -> memref<128xf32, #tpu.memory_space<vmem>>
        %dma_wait3A_187 = arith.constant 0 : i32
        %dma_wait3A_188 = tpu.memref_slice %arg6[%dma_wait3A_187] : memref<50000xf32, #tpu.memory_space<hbm>> -> memref<128xf32, #tpu.memory_space<hbm>>
        tpu.wait_dma2 semaphore(%arg45 : memref<!tpu.dma_semaphore, #tpu.memory_space<semaphore_mem>>) src(%dma_wait3A_188 : memref<128xf32, #tpu.memory_space<hbm>>) dst(%dma_wait3A_186 : memref<128xf32, #tpu.memory_space<vmem>>)
        %dma_wait3A_189 = arith.constant 0 : i32
        %dma_wait3A_190 = tpu.memref_slice %arg25[%dma_wait3A_189] : memref<256xf32, #tpu.memory_space<vmem>> -> memref<128xf32, #tpu.memory_space<vmem>>
        %dma_wait3A_191 = arith.constant 0 : i32
        %dma_wait3A_192 = tpu.memref_slice %arg6[%dma_wait3A_191] : memref<50000xf32, #tpu.memory_space<hbm>> -> memref<128xf32, #tpu.memory_space<hbm>>
        %dma_wait3A_193 = arith.constant 0 : i32
        %dma_wait3A_194 = tpu.memref_slice %arg25[%dma_wait3A_193] : memref<256xf32, #tpu.memory_space<vmem>> -> memref<128xf32, #tpu.memory_space<vmem>>
        %dma_wait3A_195 = arith.constant 0 : i32
        %dma_wait3A_196 = tpu.memref_slice %arg6[%dma_wait3A_195] : memref<50000xf32, #tpu.memory_space<hbm>> -> memref<128xf32, #tpu.memory_space<hbm>>
        tpu.wait_dma2 semaphore(%arg45 : memref<!tpu.dma_semaphore, #tpu.memory_space<semaphore_mem>>) src(%dma_wait3A_196 : memref<128xf32, #tpu.memory_space<hbm>>) dst(%dma_wait3A_194 : memref<128xf32, #tpu.memory_space<vmem>>)
        %dma_wait3A_197 = arith.constant 0 : i32
        %dma_wait3A_198 = tpu.memref_slice %arg26[%dma_wait3A_197] : memref<256xf32, #tpu.memory_space<vmem>> -> memref<128xf32, #tpu.memory_space<vmem>>
        %dma_wait3A_199 = arith.constant 0 : i32
        %dma_wait3A_200 = tpu.memref_slice %arg6[%dma_wait3A_199] : memref<50000xf32, #tpu.memory_space<hbm>> -> memref<128xf32, #tpu.memory_space<hbm>>
        %dma_wait3A_201 = arith.constant 0 : i32
        %dma_wait3A_202 = tpu.memref_slice %arg26[%dma_wait3A_201] : memref<256xf32, #tpu.memory_space<vmem>> -> memref<128xf32, #tpu.memory_space<vmem>>
        %dma_wait3A_203 = arith.constant 0 : i32
        %dma_wait3A_204 = tpu.memref_slice %arg6[%dma_wait3A_203] : memref<50000xf32, #tpu.memory_space<hbm>> -> memref<128xf32, #tpu.memory_space<hbm>>
        tpu.wait_dma2 semaphore(%arg45 : memref<!tpu.dma_semaphore, #tpu.memory_space<semaphore_mem>>) src(%dma_wait3A_204 : memref<128xf32, #tpu.memory_space<hbm>>) dst(%dma_wait3A_202 : memref<128xf32, #tpu.memory_space<vmem>>)
        %dma_wait3A_205 = arith.constant 128 : i32
        %dma_wait3A_206 = tpu.memref_slice %arg21[%dma_wait3A_205] : memref<256xf32, #tpu.memory_space<vmem>> -> memref<128xf32, #tpu.memory_space<vmem>>
        %dma_wait3A_207 = arith.constant 0 : i32
        %dma_wait3A_208 = tpu.memref_slice %arg6[%dma_wait3A_207] : memref<50000xf32, #tpu.memory_space<hbm>> -> memref<128xf32, #tpu.memory_space<hbm>>
        %dma_wait3A_209 = arith.constant 128 : i32
        %dma_wait3A_210 = tpu.memref_slice %arg21[%dma_wait3A_209] : memref<256xf32, #tpu.memory_space<vmem>> -> memref<128xf32, #tpu.memory_space<vmem>>
        %dma_wait3A_211 = arith.constant 0 : i32
        %dma_wait3A_212 = tpu.memref_slice %arg6[%dma_wait3A_211] : memref<50000xf32, #tpu.memory_space<hbm>> -> memref<128xf32, #tpu.memory_space<hbm>>
        tpu.wait_dma2 semaphore(%arg45 : memref<!tpu.dma_semaphore, #tpu.memory_space<semaphore_mem>>) src(%dma_wait3A_212 : memref<128xf32, #tpu.memory_space<hbm>>) dst(%dma_wait3A_210 : memref<128xf32, #tpu.memory_space<vmem>>)
        %dma_wait3A_213 = arith.constant 128 : i32
        %dma_wait3A_214 = tpu.memref_slice %arg22[%dma_wait3A_213] : memref<256xf32, #tpu.memory_space<vmem>> -> memref<128xf32, #tpu.memory_space<vmem>>
        %dma_wait3A_215 = arith.constant 0 : i32
        %dma_wait3A_216 = tpu.memref_slice %arg6[%dma_wait3A_215] : memref<50000xf32, #tpu.memory_space<hbm>> -> memref<128xf32, #tpu.memory_space<hbm>>
        %dma_wait3A_217 = arith.constant 128 : i32
        %dma_wait3A_218 = tpu.memref_slice %arg22[%dma_wait3A_217] : memref<256xf32, #tpu.memory_space<vmem>> -> memref<128xf32, #tpu.memory_space<vmem>>
        %dma_wait3A_219 = arith.constant 0 : i32
        %dma_wait3A_220 = tpu.memref_slice %arg6[%dma_wait3A_219] : memref<50000xf32, #tpu.memory_space<hbm>> -> memref<128xf32, #tpu.memory_space<hbm>>
        tpu.wait_dma2 semaphore(%arg45 : memref<!tpu.dma_semaphore, #tpu.memory_space<semaphore_mem>>) src(%dma_wait3A_220 : memref<128xf32, #tpu.memory_space<hbm>>) dst(%dma_wait3A_218 : memref<128xf32, #tpu.memory_space<vmem>>)
        %dma_wait3A_221 = arith.constant 128 : i32
        %dma_wait3A_222 = tpu.memref_slice %arg23[%dma_wait3A_221] : memref<256xf32, #tpu.memory_space<vmem>> -> memref<128xf32, #tpu.memory_space<vmem>>
        %dma_wait3A_223 = arith.constant 0 : i32
        %dma_wait3A_224 = tpu.memref_slice %arg6[%dma_wait3A_223] : memref<50000xf32, #tpu.memory_space<hbm>> -> memref<128xf32, #tpu.memory_space<hbm>>
        %dma_wait3A_225 = arith.constant 128 : i32
        %dma_wait3A_226 = tpu.memref_slice %arg23[%dma_wait3A_225] : memref<256xf32, #tpu.memory_space<vmem>> -> memref<128xf32, #tpu.memory_space<vmem>>
        %dma_wait3A_227 = arith.constant 0 : i32
        %dma_wait3A_228 = tpu.memref_slice %arg6[%dma_wait3A_227] : memref<50000xf32, #tpu.memory_space<hbm>> -> memref<128xf32, #tpu.memory_space<hbm>>
        tpu.wait_dma2 semaphore(%arg45 : memref<!tpu.dma_semaphore, #tpu.memory_space<semaphore_mem>>) src(%dma_wait3A_228 : memref<128xf32, #tpu.memory_space<hbm>>) dst(%dma_wait3A_226 : memref<128xf32, #tpu.memory_space<vmem>>)
        %dma_wait3A_229 = arith.constant 128 : i32
        %dma_wait3A_230 = tpu.memref_slice %arg24[%dma_wait3A_229] : memref<256xf32, #tpu.memory_space<vmem>> -> memref<128xf32, #tpu.memory_space<vmem>>
        %dma_wait3A_231 = arith.constant 0 : i32
        %dma_wait3A_232 = tpu.memref_slice %arg6[%dma_wait3A_231] : memref<50000xf32, #tpu.memory_space<hbm>> -> memref<128xf32, #tpu.memory_space<hbm>>
        %dma_wait3A_233 = arith.constant 128 : i32
        %dma_wait3A_234 = tpu.memref_slice %arg24[%dma_wait3A_233] : memref<256xf32, #tpu.memory_space<vmem>> -> memref<128xf32, #tpu.memory_space<vmem>>
        %dma_wait3A_235 = arith.constant 0 : i32
        %dma_wait3A_236 = tpu.memref_slice %arg6[%dma_wait3A_235] : memref<50000xf32, #tpu.memory_space<hbm>> -> memref<128xf32, #tpu.memory_space<hbm>>
        tpu.wait_dma2 semaphore(%arg45 : memref<!tpu.dma_semaphore, #tpu.memory_space<semaphore_mem>>) src(%dma_wait3A_236 : memref<128xf32, #tpu.memory_space<hbm>>) dst(%dma_wait3A_234 : memref<128xf32, #tpu.memory_space<vmem>>)
        %dma_wait3A_237 = arith.constant 128 : i32
        %dma_wait3A_238 = tpu.memref_slice %arg25[%dma_wait3A_237] : memref<256xf32, #tpu.memory_space<vmem>> -> memref<128xf32, #tpu.memory_space<vmem>>
        %dma_wait3A_239 = arith.constant 0 : i32
        %dma_wait3A_240 = tpu.memref_slice %arg6[%dma_wait3A_239] : memref<50000xf32, #tpu.memory_space<hbm>> -> memref<128xf32, #tpu.memory_space<hbm>>
        %dma_wait3A_241 = arith.constant 128 : i32
        %dma_wait3A_242 = tpu.memref_slice %arg25[%dma_wait3A_241] : memref<256xf32, #tpu.memory_space<vmem>> -> memref<128xf32, #tpu.memory_space<vmem>>
        %dma_wait3A_243 = arith.constant 0 : i32
        %dma_wait3A_244 = tpu.memref_slice %arg6[%dma_wait3A_243] : memref<50000xf32, #tpu.memory_space<hbm>> -> memref<128xf32, #tpu.memory_space<hbm>>
        tpu.wait_dma2 semaphore(%arg45 : memref<!tpu.dma_semaphore, #tpu.memory_space<semaphore_mem>>) src(%dma_wait3A_244 : memref<128xf32, #tpu.memory_space<hbm>>) dst(%dma_wait3A_242 : memref<128xf32, #tpu.memory_space<vmem>>)
        %dma_wait3A_245 = arith.constant 128 : i32
        %dma_wait3A_246 = tpu.memref_slice %arg26[%dma_wait3A_245] : memref<256xf32, #tpu.memory_space<vmem>> -> memref<128xf32, #tpu.memory_space<vmem>>
        %dma_wait3A_247 = arith.constant 0 : i32
        %dma_wait3A_248 = tpu.memref_slice %arg6[%dma_wait3A_247] : memref<50000xf32, #tpu.memory_space<hbm>> -> memref<128xf32, #tpu.memory_space<hbm>>
        %dma_wait3A_249 = arith.constant 128 : i32
        %dma_wait3A_250 = tpu.memref_slice %arg26[%dma_wait3A_249] : memref<256xf32, #tpu.memory_space<vmem>> -> memref<128xf32, #tpu.memory_space<vmem>>
        %dma_wait3A_251 = arith.constant 0 : i32
        %dma_wait3A_252 = tpu.memref_slice %arg6[%dma_wait3A_251] : memref<50000xf32, #tpu.memory_space<hbm>> -> memref<128xf32, #tpu.memory_space<hbm>>
        tpu.wait_dma2 semaphore(%arg45 : memref<!tpu.dma_semaphore, #tpu.memory_space<semaphore_mem>>) src(%dma_wait3A_252 : memref<128xf32, #tpu.memory_space<hbm>>) dst(%dma_wait3A_250 : memref<128xf32, #tpu.memory_space<vmem>>)
        %add3A_253 = arith.constant 32 : i32
        %add3A_254 = arith.addi %add3A_140, %add3A_253 : i32
        %lt3A_255 = arith.constant 3125 : i32
        %lt3A_256 = arith.cmpi slt, %add3A_254, %lt3A_255 : i32
        %convert_element_type3A_257 = arith.extui %lt3A_256 : i1 to i32
        %cond3A_258 = arith.constant 0 : i32
        %cond3A_259 = arith.cmpi ne, %convert_element_type3A_257, %cond3A_258 : i32
        scf.if %cond3A_259 {
          %dma_wait3A_279 = arith.constant 0 : i32
          %dma_wait3A_280 = tpu.memref_slice %arg3[%dma_wait3A_279] : memref<800000xi32, #tpu.memory_space<hbm>> -> memref<256xi32, #tpu.memory_space<hbm>>
          %dma_wait3A_281 = arith.constant 0 : i32
          %dma_wait3A_282 = tpu.memref_slice %arg3[%dma_wait3A_281] : memref<800000xi32, #tpu.memory_space<hbm>> -> memref<256xi32, #tpu.memory_space<hbm>>
          tpu.wait_dma2 semaphore(%arg44 : memref<!tpu.dma_semaphore, #tpu.memory_space<semaphore_mem>>) src(%dma_wait3A_282 : memref<256xi32, #tpu.memory_space<hbm>>) dst(%arg17 : memref<256xi32, #tpu.memory_space<vmem>>)
          %dma_wait3A_283 = arith.constant 0 : i32
          %dma_wait3A_284 = tpu.memref_slice %arg4[%dma_wait3A_283] : memref<800000xi32, #tpu.memory_space<hbm>> -> memref<256xi32, #tpu.memory_space<hbm>>
          %dma_wait3A_285 = arith.constant 0 : i32
          %dma_wait3A_286 = tpu.memref_slice %arg4[%dma_wait3A_285] : memref<800000xi32, #tpu.memory_space<hbm>> -> memref<256xi32, #tpu.memory_space<hbm>>
          tpu.wait_dma2 semaphore(%arg44 : memref<!tpu.dma_semaphore, #tpu.memory_space<semaphore_mem>>) src(%dma_wait3A_286 : memref<256xi32, #tpu.memory_space<hbm>>) dst(%arg18 : memref<256xi32, #tpu.memory_space<vmem>>)
          %gt3A = arith.constant 0 : i32
          %gt3A_287 = arith.cmpi sgt, %scan3A_133, %gt3A : i32
          %convert_element_type3A_288 = arith.extui %gt3A_287 : i1 to i32
          %cond3A_289 = arith.constant 0 : i32
          %cond3A_290 = arith.cmpi ne, %convert_element_type3A_288, %cond3A_289 : i32
          scf.if %cond3A_290 {
            %dma_wait3A_363 = arith.constant 0 : i32
            %dma_wait3A_364 = tpu.memref_slice %arg12[%dma_wait3A_363] : memref<2400000xf32, #tpu.memory_space<hbm>> -> memref<768xf32, #tpu.memory_space<hbm>>
            %dma_wait3A_365 = arith.constant 0 : i32
            %dma_wait3A_366 = tpu.memref_slice %arg12[%dma_wait3A_365] : memref<2400000xf32, #tpu.memory_space<hbm>> -> memref<768xf32, #tpu.memory_space<hbm>>
            tpu.wait_dma2 semaphore(%arg48 : memref<!tpu.dma_semaphore, #tpu.memory_space<semaphore_mem>>) src(%arg34 : memref<768xf32, #tpu.memory_space<vmem>>) dst(%dma_wait3A_366 : memref<768xf32, #tpu.memory_space<hbm>>)
          } else {
          }
          %dma_start3A_291 = arith.constant 0 : i32
          %dma_start3A_292 = tpu.memref_slice %arg27[%dma_start3A_291] : memref<256xf32, #tpu.memory_space<vmem>> -> memref<128xf32, #tpu.memory_space<vmem>>
          %dma_start3A_293 = arith.constant 0 : i32
          %dma_start3A_294 = tpu.memref_slice %arg18[%dma_start3A_293] : memref<256xi32, #tpu.memory_space<vmem>> -> memref<128xi32, #tpu.memory_space<vmem>>
          %dma_start3A_295 = arith.constant 0 : i32
          %dma_start3A_296 = tpu.memref_slice %arg40[%dma_start3A_295] : memref<50000xf32, #tpu.memory_space<vmem_shared>> -> memref<50000xf32, #tpu.memory_space<vmem_shared>>
          tpu.enqueue_indirect_dma source(%dma_start3A_296 : memref<50000xf32, #tpu.memory_space<vmem_shared>>) target(%dma_start3A_292 : memref<128xf32, #tpu.memory_space<vmem>>) offsets(%dma_start3A_294 : memref<128xi32, #tpu.memory_space<vmem>>) semaphore(%arg46 : memref<!tpu.dma_semaphore, #tpu.memory_space<semaphore_mem>>)
          %dma_start3A_297 = arith.constant 0 : i32
          %dma_start3A_298 = tpu.memref_slice %arg28[%dma_start3A_297] : memref<256xf32, #tpu.memory_space<vmem>> -> memref<128xf32, #tpu.memory_space<vmem>>
          %dma_start3A_299 = arith.constant 0 : i32
          %dma_start3A_300 = tpu.memref_slice %arg18[%dma_start3A_299] : memref<256xi32, #tpu.memory_space<vmem>> -> memref<128xi32, #tpu.memory_space<vmem>>
          %dma_start3A_301 = arith.constant 0 : i32
          %dma_start3A_302 = tpu.memref_slice %arg41[%dma_start3A_301] : memref<50000xf32, #tpu.memory_space<vmem_shared>> -> memref<50000xf32, #tpu.memory_space<vmem_shared>>
          tpu.enqueue_indirect_dma source(%dma_start3A_302 : memref<50000xf32, #tpu.memory_space<vmem_shared>>) target(%dma_start3A_298 : memref<128xf32, #tpu.memory_space<vmem>>) offsets(%dma_start3A_300 : memref<128xi32, #tpu.memory_space<vmem>>) semaphore(%arg46 : memref<!tpu.dma_semaphore, #tpu.memory_space<semaphore_mem>>)
          %dma_start3A_303 = arith.constant 0 : i32
          %dma_start3A_304 = tpu.memref_slice %arg29[%dma_start3A_303] : memref<256xf32, #tpu.memory_space<vmem>> -> memref<128xf32, #tpu.memory_space<vmem>>
          %dma_start3A_305 = arith.constant 0 : i32
          %dma_start3A_306 = tpu.memref_slice %arg18[%dma_start3A_305] : memref<256xi32, #tpu.memory_space<vmem>> -> memref<128xi32, #tpu.memory_space<vmem>>
          %dma_start3A_307 = arith.constant 0 : i32
          %dma_start3A_308 = tpu.memref_slice %arg42[%dma_start3A_307] : memref<50000xf32, #tpu.memory_space<vmem_shared>> -> memref<50000xf32, #tpu.memory_space<vmem_shared>>
          tpu.enqueue_indirect_dma source(%dma_start3A_308 : memref<50000xf32, #tpu.memory_space<vmem_shared>>) target(%dma_start3A_304 : memref<128xf32, #tpu.memory_space<vmem>>) offsets(%dma_start3A_306 : memref<128xi32, #tpu.memory_space<vmem>>) semaphore(%arg46 : memref<!tpu.dma_semaphore, #tpu.memory_space<semaphore_mem>>)
          %dma_start3A_309 = arith.constant 0 : i32
          %dma_start3A_310 = tpu.memref_slice %arg30[%dma_start3A_309] : memref<256xf32, #tpu.memory_space<vmem>> -> memref<128xf32, #tpu.memory_space<vmem>>
          %dma_start3A_311 = arith.constant 0 : i32
          %dma_start3A_312 = tpu.memref_slice %arg17[%dma_start3A_311] : memref<256xi32, #tpu.memory_space<vmem>> -> memref<128xi32, #tpu.memory_space<vmem>>
          %dma_start3A_313 = arith.constant 0 : i32
          %dma_start3A_314 = tpu.memref_slice %arg40[%dma_start3A_313] : memref<50000xf32, #tpu.memory_space<vmem_shared>> -> memref<50000xf32, #tpu.memory_space<vmem_shared>>
          tpu.enqueue_indirect_dma source(%dma_start3A_314 : memref<50000xf32, #tpu.memory_space<vmem_shared>>) target(%dma_start3A_310 : memref<128xf32, #tpu.memory_space<vmem>>) offsets(%dma_start3A_312 : memref<128xi32, #tpu.memory_space<vmem>>) semaphore(%arg46 : memref<!tpu.dma_semaphore, #tpu.memory_space<semaphore_mem>>)
          %dma_start3A_315 = arith.constant 0 : i32
          %dma_start3A_316 = tpu.memref_slice %arg31[%dma_start3A_315] : memref<256xf32, #tpu.memory_space<vmem>> -> memref<128xf32, #tpu.memory_space<vmem>>
          %dma_start3A_317 = arith.constant 0 : i32
          %dma_start3A_318 = tpu.memref_slice %arg17[%dma_start3A_317] : memref<256xi32, #tpu.memory_space<vmem>> -> memref<128xi32, #tpu.memory_space<vmem>>
          %dma_start3A_319 = arith.constant 0 : i32
          %dma_start3A_320 = tpu.memref_slice %arg41[%dma_start3A_319] : memref<50000xf32, #tpu.memory_space<vmem_shared>> -> memref<50000xf32, #tpu.memory_space<vmem_shared>>
          tpu.enqueue_indirect_dma source(%dma_start3A_320 : memref<50000xf32, #tpu.memory_space<vmem_shared>>) target(%dma_start3A_316 : memref<128xf32, #tpu.memory_space<vmem>>) offsets(%dma_start3A_318 : memref<128xi32, #tpu.memory_space<vmem>>) semaphore(%arg46 : memref<!tpu.dma_semaphore, #tpu.memory_space<semaphore_mem>>)
          %dma_start3A_321 = arith.constant 0 : i32
          %dma_start3A_322 = tpu.memref_slice %arg32[%dma_start3A_321] : memref<256xf32, #tpu.memory_space<vmem>> -> memref<128xf32, #tpu.memory_space<vmem>>
          %dma_start3A_323 = arith.constant 0 : i32
          %dma_start3A_324 = tpu.memref_slice %arg17[%dma_start3A_323] : memref<256xi32, #tpu.memory_space<vmem>> -> memref<128xi32, #tpu.memory_space<vmem>>
          %dma_start3A_325 = arith.constant 0 : i32
          %dma_start3A_326 = tpu.memref_slice %arg42[%dma_start3A_325] : memref<50000xf32, #tpu.memory_space<vmem_shared>> -> memref<50000xf32, #tpu.memory_space<vmem_shared>>
          tpu.enqueue_indirect_dma source(%dma_start3A_326 : memref<50000xf32, #tpu.memory_space<vmem_shared>>) target(%dma_start3A_322 : memref<128xf32, #tpu.memory_space<vmem>>) offsets(%dma_start3A_324 : memref<128xi32, #tpu.memory_space<vmem>>) semaphore(%arg46 : memref<!tpu.dma_semaphore, #tpu.memory_space<semaphore_mem>>)
          %dma_start3A_327 = arith.constant 128 : i32
          %dma_start3A_328 = tpu.memref_slice %arg27[%dma_start3A_327] : memref<256xf32, #tpu.memory_space<vmem>> -> memref<128xf32, #tpu.memory_space<vmem>>
          %dma_start3A_329 = arith.constant 128 : i32
          %dma_start3A_330 = tpu.memref_slice %arg18[%dma_start3A_329] : memref<256xi32, #tpu.memory_space<vmem>> -> memref<128xi32, #tpu.memory_space<vmem>>
          %dma_start3A_331 = arith.constant 0 : i32
          %dma_start3A_332 = tpu.memref_slice %arg40[%dma_start3A_331] : memref<50000xf32, #tpu.memory_space<vmem_shared>> -> memref<50000xf32, #tpu.memory_space<vmem_shared>>
          tpu.enqueue_indirect_dma source(%dma_start3A_332 : memref<50000xf32, #tpu.memory_space<vmem_shared>>) target(%dma_start3A_328 : memref<128xf32, #tpu.memory_space<vmem>>) offsets(%dma_start3A_330 : memref<128xi32, #tpu.memory_space<vmem>>) semaphore(%arg46 : memref<!tpu.dma_semaphore, #tpu.memory_space<semaphore_mem>>)
          %dma_start3A_333 = arith.constant 128 : i32
          %dma_start3A_334 = tpu.memref_slice %arg28[%dma_start3A_333] : memref<256xf32, #tpu.memory_space<vmem>> -> memref<128xf32, #tpu.memory_space<vmem>>
          %dma_start3A_335 = arith.constant 128 : i32
          %dma_start3A_336 = tpu.memref_slice %arg18[%dma_start3A_335] : memref<256xi32, #tpu.memory_space<vmem>> -> memref<128xi32, #tpu.memory_space<vmem>>
          %dma_start3A_337 = arith.constant 0 : i32
          %dma_start3A_338 = tpu.memref_slice %arg41[%dma_start3A_337] : memref<50000xf32, #tpu.memory_space<vmem_shared>> -> memref<50000xf32, #tpu.memory_space<vmem_shared>>
          tpu.enqueue_indirect_dma source(%dma_start3A_338 : memref<50000xf32, #tpu.memory_space<vmem_shared>>) target(%dma_start3A_334 : memref<128xf32, #tpu.memory_space<vmem>>) offsets(%dma_start3A_336 : memref<128xi32, #tpu.memory_space<vmem>>) semaphore(%arg46 : memref<!tpu.dma_semaphore, #tpu.memory_space<semaphore_mem>>)
          %dma_start3A_339 = arith.constant 128 : i32
          %dma_start3A_340 = tpu.memref_slice %arg29[%dma_start3A_339] : memref<256xf32, #tpu.memory_space<vmem>> -> memref<128xf32, #tpu.memory_space<vmem>>
          %dma_start3A_341 = arith.constant 128 : i32
          %dma_start3A_342 = tpu.memref_slice %arg18[%dma_start3A_341] : memref<256xi32, #tpu.memory_space<vmem>> -> memref<128xi32, #tpu.memory_space<vmem>>
          %dma_start3A_343 = arith.constant 0 : i32
          %dma_start3A_344 = tpu.memref_slice %arg42[%dma_start3A_343] : memref<50000xf32, #tpu.memory_space<vmem_shared>> -> memref<50000xf32, #tpu.memory_space<vmem_shared>>
          tpu.enqueue_indirect_dma source(%dma_start3A_344 : memref<50000xf32, #tpu.memory_space<vmem_shared>>) target(%dma_start3A_340 : memref<128xf32, #tpu.memory_space<vmem>>) offsets(%dma_start3A_342 : memref<128xi32, #tpu.memory_space<vmem>>) semaphore(%arg46 : memref<!tpu.dma_semaphore, #tpu.memory_space<semaphore_mem>>)
          %dma_start3A_345 = arith.constant 128 : i32
          %dma_start3A_346 = tpu.memref_slice %arg30[%dma_start3A_345] : memref<256xf32, #tpu.memory_space<vmem>> -> memref<128xf32, #tpu.memory_space<vmem>>
          %dma_start3A_347 = arith.constant 128 : i32
          %dma_start3A_348 = tpu.memref_slice %arg17[%dma_start3A_347] : memref<256xi32, #tpu.memory_space<vmem>> -> memref<128xi32, #tpu.memory_space<vmem>>
          %dma_start3A_349 = arith.constant 0 : i32
          %dma_start3A_350 = tpu.memref_slice %arg40[%dma_start3A_349] : memref<50000xf32, #tpu.memory_space<vmem_shared>> -> memref<50000xf32, #tpu.memory_space<vmem_shared>>
          tpu.enqueue_indirect_dma source(%dma_start3A_350 : memref<50000xf32, #tpu.memory_space<vmem_shared>>) target(%dma_start3A_346 : memref<128xf32, #tpu.memory_space<vmem>>) offsets(%dma_start3A_348 : memref<128xi32, #tpu.memory_space<vmem>>) semaphore(%arg46 : memref<!tpu.dma_semaphore, #tpu.memory_space<semaphore_mem>>)
          %dma_start3A_351 = arith.constant 128 : i32
          %dma_start3A_352 = tpu.memref_slice %arg31[%dma_start3A_351] : memref<256xf32, #tpu.memory_space<vmem>> -> memref<128xf32, #tpu.memory_space<vmem>>
          %dma_start3A_353 = arith.constant 128 : i32
          %dma_start3A_354 = tpu.memref_slice %arg17[%dma_start3A_353] : memref<256xi32, #tpu.memory_space<vmem>> -> memref<128xi32, #tpu.memory_space<vmem>>
          %dma_start3A_355 = arith.constant 0 : i32
          %dma_start3A_356 = tpu.memref_slice %arg41[%dma_start3A_355] : memref<50000xf32, #tpu.memory_space<vmem_shared>> -> memref<50000xf32, #tpu.memory_space<vmem_shared>>
          tpu.enqueue_indirect_dma source(%dma_start3A_356 : memref<50000xf32, #tpu.memory_space<vmem_shared>>) target(%dma_start3A_352 : memref<128xf32, #tpu.memory_space<vmem>>) offsets(%dma_start3A_354 : memref<128xi32, #tpu.memory_space<vmem>>) semaphore(%arg46 : memref<!tpu.dma_semaphore, #tpu.memory_space<semaphore_mem>>)
          %dma_start3A_357 = arith.constant 128 : i32
          %dma_start3A_358 = tpu.memref_slice %arg32[%dma_start3A_357] : memref<256xf32, #tpu.memory_space<vmem>> -> memref<128xf32, #tpu.memory_space<vmem>>
          %dma_start3A_359 = arith.constant 128 : i32
          %dma_start3A_360 = tpu.memref_slice %arg17[%dma_start3A_359] : memref<256xi32, #tpu.memory_space<vmem>> -> memref<128xi32, #tpu.memory_space<vmem>>
          %dma_start3A_361 = arith.constant 0 : i32
          %dma_start3A_362 = tpu.memref_slice %arg42[%dma_start3A_361] : memref<50000xf32, #tpu.memory_space<vmem_shared>> -> memref<50000xf32, #tpu.memory_space<vmem_shared>>
          tpu.enqueue_indirect_dma source(%dma_start3A_362 : memref<50000xf32, #tpu.memory_space<vmem_shared>>) target(%dma_start3A_358 : memref<128xf32, #tpu.memory_space<vmem>>) offsets(%dma_start3A_360 : memref<128xi32, #tpu.memory_space<vmem>>) semaphore(%arg46 : memref<!tpu.dma_semaphore, #tpu.memory_space<semaphore_mem>>)
        } else {
        }
        %add3A_260 = arith.constant 64 : i32
        %add3A_261 = arith.addi %add3A_140, %add3A_260 : i32
        %lt3A_262 = arith.constant 3125 : i32
        %lt3A_263 = arith.cmpi slt, %add3A_261, %lt3A_262 : i32
        %convert_element_type3A_264 = arith.extui %lt3A_263 : i1 to i32
        %cond3A_265 = arith.constant 0 : i32
        %cond3A_266 = arith.cmpi ne, %convert_element_type3A_264, %cond3A_265 : i32
        scf.if %cond3A_266 {
          %add3A_279 = arith.constant 64 : i32
          %add3A_280 = arith.addi %add3A_140, %add3A_279 : i32
          %mul3A_281 = arith.constant 256 : i32
          %mul3A_282 = arith.muli %add3A_280, %mul3A_281 : i32
          %dma_start3A_283 = tpu.memref_slice %arg3[%mul3A_282] : memref<800000xi32, #tpu.memory_space<hbm>> -> memref<256xi32, #tpu.memory_space<hbm>>
          %dma_start3A_284 = tpu.memref_slice %arg3[%mul3A_282] : memref<800000xi32, #tpu.memory_space<hbm>> -> memref<256xi32, #tpu.memory_space<hbm>>
          tpu.enqueue_dma source(%dma_start3A_284 : memref<256xi32, #tpu.memory_space<hbm>>) target(%arg14 : memref<256xi32, #tpu.memory_space<vmem>>) target_semaphore(%arg43 : memref<!tpu.dma_semaphore, #tpu.memory_space<semaphore_mem>>)
          %dma_start3A_285 = tpu.memref_slice %arg4[%mul3A_282] : memref<800000xi32, #tpu.memory_space<hbm>> -> memref<256xi32, #tpu.memory_space<hbm>>
          %dma_start3A_286 = tpu.memref_slice %arg4[%mul3A_282] : memref<800000xi32, #tpu.memory_space<hbm>> -> memref<256xi32, #tpu.memory_space<hbm>>
          tpu.enqueue_dma source(%dma_start3A_286 : memref<256xi32, #tpu.memory_space<hbm>>) target(%arg15 : memref<256xi32, #tpu.memory_space<vmem>>) target_semaphore(%arg43 : memref<!tpu.dma_semaphore, #tpu.memory_space<semaphore_mem>>)
        } else {
        }
        %mul3A_267 = arith.constant 256 : i32
        %mul3A_268 = arith.muli %add3A_140, %mul3A_267 : i32
        %scan3A_269 = arith.constant 0 : i32
        %scan3A_270 = arith.constant 0 : i32
        %scan3A_271 = arith.constant 16 : i32
        %scan3A_272 = arith.addi %scan3A_270, %scan3A_271 : i32
        %scan3A_273 = arith.constant 1 : i32
        scf.for %scan3A_279 = %scan3A_270 to %scan3A_272 step %scan3A_273  : i32 {
          %mul3A_280 = arith.constant 16 : i32
          %mul3A_281 = arith.muli %scan3A_279, %mul3A_280 : i32
          %add3A_282 = vector.broadcast %mul3A_281 : i32 to vector<16xi32>
          %add3A_283 = arith.addi %add3A_282, %iota3A : vector<16xi32>
          %mul3A_284 = arith.constant 16 : i32
          %mul3A_285 = arith.muli %scan3A_279, %mul3A_284 : i32
          %get3A = arith.index_cast %mul3A_285 : i32 to index
          %get3A_286 = tpu.vector_load %arg21[%get3A] {strides = array<i32>} : memref<256xf32, #tpu.memory_space<vmem>>, vector<16xf32>,
          %get3A_287 = arith.index_cast %mul3A_285 : i32 to index
          %get3A_288 = tpu.vector_load %arg24[%get3A_287] {strides = array<i32>} : memref<256xf32, #tpu.memory_space<vmem>>, vector<16xf32>,
          %sub3A = arith.subf %get3A_286, %get3A_288 : vector<16xf32>
          %get3A_289 = arith.index_cast %mul3A_285 : i32 to index
          %get3A_290 = tpu.vector_load %arg22[%get3A_289] {strides = array<i32>} : memref<256xf32, #tpu.memory_space<vmem>>, vector<16xf32>,
          %get3A_291 = arith.index_cast %mul3A_285 : i32 to index
          %get3A_292 = tpu.vector_load %arg25[%get3A_291] {strides = array<i32>} : memref<256xf32, #tpu.memory_space<vmem>>, vector<16xf32>,
          %sub3A_293 = arith.subf %get3A_290, %get3A_292 : vector<16xf32>
          %get3A_294 = arith.index_cast %mul3A_285 : i32 to index
          %get3A_295 = tpu.vector_load %arg23[%get3A_294] {strides = array<i32>} : memref<256xf32, #tpu.memory_space<vmem>>, vector<16xf32>,
          %get3A_296 = arith.index_cast %mul3A_285 : i32 to index
          %get3A_297 = tpu.vector_load %arg26[%get3A_296] {strides = array<i32>} : memref<256xf32, #tpu.memory_space<vmem>>, vector<16xf32>,
          %sub3A_298 = arith.subf %get3A_295, %get3A_297 : vector<16xf32>
          %mul3A_299 = arith.mulf %sub3A, %sub3A : vector<16xf32>
          %mul3A_300 = arith.mulf %sub3A_293, %sub3A_293 : vector<16xf32>
          %add3A_301 = arith.addf %mul3A_299, %mul3A_300 : vector<16xf32>
          %mul3A_302 = arith.mulf %sub3A_298, %sub3A_298 : vector<16xf32>
          %add3A_303 = arith.addf %add3A_301, %mul3A_302 : vector<16xf32>
          %bitcast_convert_type3A = tpu.bitcast %add3A_303 : vector<16xf32> -> vector<16xi32>
          %shift_right_logical3A = arith.constant 1 : i32
          %shift_right_logical3A_304 = vector.broadcast %shift_right_logical3A : i32 to vector<16xi32>
          %shift_right_logical3A_305 = arith.shrui %bitcast_convert_type3A, %shift_right_logical3A_304 : vector<16xi32>
          %sub3A_306 = arith.constant 1597463007 : i32
          %sub3A_307 = vector.broadcast %sub3A_306 : i32 to vector<16xi32>
          %sub3A_308 = arith.subi %sub3A_307, %shift_right_logical3A_305 : vector<16xi32>
          %bitcast_convert_type3A_309 = tpu.bitcast %sub3A_308 : vector<16xi32> -> vector<16xf32>
          %mul3A_310 = arith.constant 5.000000e-01 : f32
          %mul3A_311 = vector.broadcast %mul3A_310 : f32 to vector<16xf32>
          %mul3A_312 = arith.mulf %add3A_303, %mul3A_311 : vector<16xf32>
          %mul3A_313 = arith.mulf %mul3A_312, %bitcast_convert_type3A_309 : vector<16xf32>
          %mul3A_314 = arith.mulf %mul3A_313, %bitcast_convert_type3A_309 : vector<16xf32>
          %sub3A_315 = arith.constant 1.500000e+00 : f32
          %sub3A_316 = vector.broadcast %sub3A_315 : f32 to vector<16xf32>
          %sub3A_317 = arith.subf %sub3A_316, %mul3A_314 : vector<16xf32>
          %mul3A_318 = arith.mulf %bitcast_convert_type3A_309, %sub3A_317 : vector<16xf32>
          %mul3A_319 = arith.mulf %mul3A_312, %mul3A_318 : vector<16xf32>
          %mul3A_320 = arith.mulf %mul3A_319, %mul3A_318 : vector<16xf32>
          %sub3A_321 = arith.constant 1.500000e+00 : f32
          %sub3A_322 = vector.broadcast %sub3A_321 : f32 to vector<16xf32>
          %sub3A_323 = arith.subf %sub3A_322, %mul3A_320 : vector<16xf32>
          %mul3A_324 = arith.mulf %mul3A_318, %sub3A_323 : vector<16xf32>
          %mul3A_325 = arith.mulf %mul3A_312, %mul3A_324 : vector<16xf32>
          %mul3A_326 = arith.mulf %mul3A_325, %mul3A_324 : vector<16xf32>
          %sub3A_327 = arith.constant 1.500000e+00 : f32
          %sub3A_328 = vector.broadcast %sub3A_327 : f32 to vector<16xf32>
          %sub3A_329 = arith.subf %sub3A_328, %mul3A_326 : vector<16xf32>
          %mul3A_330 = arith.mulf %mul3A_324, %sub3A_329 : vector<16xf32>
          %mul3A_331 = arith.mulf %add3A_303, %mul3A_330 : vector<16xf32>
          %add3A_332 = arith.constant 9.99999993E-9 : f32
          %add3A_333 = vector.broadcast %add3A_332 : f32 to vector<16xf32>
          %add3A_334 = arith.addf %mul3A_331, %add3A_333 : vector<16xf32>
          %div3A = arith.constant 1.000000e+00 : f32
          %div3A_335 = vector.broadcast %div3A : f32 to vector<16xf32>
          %div3A_336 = arith.divf %div3A_335, %add3A_334 : vector<16xf32>
          %mul3A_337 = arith.constant 3 : i32
          %mul3A_338 = vector.broadcast %mul3A_337 : i32 to vector<16xi32>
          %mul3A_339 = arith.muli %add3A_283, %mul3A_338 : vector<16xi32>
          %mul3A_340 = arith.mulf %sub3A, %div3A_336 : vector<16xf32>
          tpu.vector_store_idx %arg33[%mul3A_339], %mul3A_340 : memref<768xf32, #tpu.memory_space<vmem>>[vector<16xi32>], vector<16xf32>,
          %add3A_341 = arith.constant 1 : i32
          %add3A_342 = vector.broadcast %add3A_341 : i32 to vector<16xi32>
          %add3A_343 = arith.addi %mul3A_339, %add3A_342 : vector<16xi32>
          %mul3A_344 = arith.mulf %sub3A_293, %div3A_336 : vector<16xf32>
          tpu.vector_store_idx %arg33[%add3A_343], %mul3A_344 : memref<768xf32, #tpu.memory_space<vmem>>[vector<16xi32>], vector<16xf32>,
          %add3A_345 = arith.constant 2 : i32
          %add3A_346 = vector.broadcast %add3A_345 : i32 to vector<16xi32>
          %add3A_347 = arith.addi %mul3A_339, %add3A_346 : vector<16xi32>
          %mul3A_348 = arith.mulf %sub3A_298, %div3A_336 : vector<16xf32>
          tpu.vector_store_idx %arg33[%add3A_347], %mul3A_348 : memref<768xf32, #tpu.memory_space<vmem>>[vector<16xi32>], vector<16xf32>,
        }
        %scan3A_274 = arith.constant 16 : i32
        %mul3A_275 = arith.constant 3 : i32
        %mul3A_276 = arith.muli %mul3A_268, %mul3A_275 : i32
        %dma_start3A_277 = tpu.memref_slice %arg12[%mul3A_276] : memref<2400000xf32, #tpu.memory_space<hbm>> -> memref<768xf32, #tpu.memory_space<hbm>>
        %dma_start3A_278 = tpu.memref_slice %arg12[%mul3A_276] : memref<2400000xf32, #tpu.memory_space<hbm>> -> memref<768xf32, #tpu.memory_space<hbm>>
        tpu.enqueue_dma source(%arg33 : memref<768xf32, #tpu.memory_space<vmem>>) target(%dma_start3A_278 : memref<768xf32, #tpu.memory_space<hbm>>) target_semaphore(%arg47 : memref<!tpu.dma_semaphore, #tpu.memory_space<semaphore_mem>>)
      } else {
      }
      %mul3A_145 = arith.constant 2 : i32
      %mul3A_146 = arith.muli %mul3A_145, %scan3A_133 : i32
      %add3A_147 = arith.constant 1 : i32
      %add3A_148 = arith.addi %mul3A_146, %add3A_147 : i32
      %mul3A_149 = arith.constant 32 : i32
      %mul3A_150 = arith.muli %add3A_148, %mul3A_149 : i32
      %add3A_151 = arith.addi %add3A, %mul3A_150 : i32
      %lt3A_152 = arith.constant 3125 : i32
      %lt3A_153 = arith.cmpi slt, %add3A_151, %lt3A_152 : i32
      %convert_element_type3A_154 = arith.extui %lt3A_153 : i1 to i32
      %cond3A_155 = arith.constant 0 : i32
      %cond3A_156 = arith.cmpi ne, %convert_element_type3A_154, %cond3A_155 : i32
      scf.if %cond3A_156 {
        %dma_wait3A_157 = arith.constant 0 : i32
        %dma_wait3A_158 = tpu.memref_slice %arg27[%dma_wait3A_157] : memref<256xf32, #tpu.memory_space<vmem>> -> memref<128xf32, #tpu.memory_space<vmem>>
        %dma_wait3A_159 = arith.constant 0 : i32
        %dma_wait3A_160 = tpu.memref_slice %arg6[%dma_wait3A_159] : memref<50000xf32, #tpu.memory_space<hbm>> -> memref<128xf32, #tpu.memory_space<hbm>>
        %dma_wait3A_161 = arith.constant 0 : i32
        %dma_wait3A_162 = tpu.memref_slice %arg27[%dma_wait3A_161] : memref<256xf32, #tpu.memory_space<vmem>> -> memref<128xf32, #tpu.memory_space<vmem>>
        %dma_wait3A_163 = arith.constant 0 : i32
        %dma_wait3A_164 = tpu.memref_slice %arg6[%dma_wait3A_163] : memref<50000xf32, #tpu.memory_space<hbm>> -> memref<128xf32, #tpu.memory_space<hbm>>
        tpu.wait_dma2 semaphore(%arg46 : memref<!tpu.dma_semaphore, #tpu.memory_space<semaphore_mem>>) src(%dma_wait3A_164 : memref<128xf32, #tpu.memory_space<hbm>>) dst(%dma_wait3A_162 : memref<128xf32, #tpu.memory_space<vmem>>)
        %dma_wait3A_165 = arith.constant 0 : i32
        %dma_wait3A_166 = tpu.memref_slice %arg28[%dma_wait3A_165] : memref<256xf32, #tpu.memory_space<vmem>> -> memref<128xf32, #tpu.memory_space<vmem>>
        %dma_wait3A_167 = arith.constant 0 : i32
        %dma_wait3A_168 = tpu.memref_slice %arg6[%dma_wait3A_167] : memref<50000xf32, #tpu.memory_space<hbm>> -> memref<128xf32, #tpu.memory_space<hbm>>
        %dma_wait3A_169 = arith.constant 0 : i32
        %dma_wait3A_170 = tpu.memref_slice %arg28[%dma_wait3A_169] : memref<256xf32, #tpu.memory_space<vmem>> -> memref<128xf32, #tpu.memory_space<vmem>>
        %dma_wait3A_171 = arith.constant 0 : i32
        %dma_wait3A_172 = tpu.memref_slice %arg6[%dma_wait3A_171] : memref<50000xf32, #tpu.memory_space<hbm>> -> memref<128xf32, #tpu.memory_space<hbm>>
        tpu.wait_dma2 semaphore(%arg46 : memref<!tpu.dma_semaphore, #tpu.memory_space<semaphore_mem>>) src(%dma_wait3A_172 : memref<128xf32, #tpu.memory_space<hbm>>) dst(%dma_wait3A_170 : memref<128xf32, #tpu.memory_space<vmem>>)
        %dma_wait3A_173 = arith.constant 0 : i32
        %dma_wait3A_174 = tpu.memref_slice %arg29[%dma_wait3A_173] : memref<256xf32, #tpu.memory_space<vmem>> -> memref<128xf32, #tpu.memory_space<vmem>>
        %dma_wait3A_175 = arith.constant 0 : i32
        %dma_wait3A_176 = tpu.memref_slice %arg6[%dma_wait3A_175] : memref<50000xf32, #tpu.memory_space<hbm>> -> memref<128xf32, #tpu.memory_space<hbm>>
        %dma_wait3A_177 = arith.constant 0 : i32
        %dma_wait3A_178 = tpu.memref_slice %arg29[%dma_wait3A_177] : memref<256xf32, #tpu.memory_space<vmem>> -> memref<128xf32, #tpu.memory_space<vmem>>
        %dma_wait3A_179 = arith.constant 0 : i32
        %dma_wait3A_180 = tpu.memref_slice %arg6[%dma_wait3A_179] : memref<50000xf32, #tpu.memory_space<hbm>> -> memref<128xf32, #tpu.memory_space<hbm>>
        tpu.wait_dma2 semaphore(%arg46 : memref<!tpu.dma_semaphore, #tpu.memory_space<semaphore_mem>>) src(%dma_wait3A_180 : memref<128xf32, #tpu.memory_space<hbm>>) dst(%dma_wait3A_178 : memref<128xf32, #tpu.memory_space<vmem>>)
        %dma_wait3A_181 = arith.constant 0 : i32
        %dma_wait3A_182 = tpu.memref_slice %arg30[%dma_wait3A_181] : memref<256xf32, #tpu.memory_space<vmem>> -> memref<128xf32, #tpu.memory_space<vmem>>
        %dma_wait3A_183 = arith.constant 0 : i32
        %dma_wait3A_184 = tpu.memref_slice %arg6[%dma_wait3A_183] : memref<50000xf32, #tpu.memory_space<hbm>> -> memref<128xf32, #tpu.memory_space<hbm>>
        %dma_wait3A_185 = arith.constant 0 : i32
        %dma_wait3A_186 = tpu.memref_slice %arg30[%dma_wait3A_185] : memref<256xf32, #tpu.memory_space<vmem>> -> memref<128xf32, #tpu.memory_space<vmem>>
        %dma_wait3A_187 = arith.constant 0 : i32
        %dma_wait3A_188 = tpu.memref_slice %arg6[%dma_wait3A_187] : memref<50000xf32, #tpu.memory_space<hbm>> -> memref<128xf32, #tpu.memory_space<hbm>>
        tpu.wait_dma2 semaphore(%arg46 : memref<!tpu.dma_semaphore, #tpu.memory_space<semaphore_mem>>) src(%dma_wait3A_188 : memref<128xf32, #tpu.memory_space<hbm>>) dst(%dma_wait3A_186 : memref<128xf32, #tpu.memory_space<vmem>>)
        %dma_wait3A_189 = arith.constant 0 : i32
        %dma_wait3A_190 = tpu.memref_slice %arg31[%dma_wait3A_189] : memref<256xf32, #tpu.memory_space<vmem>> -> memref<128xf32, #tpu.memory_space<vmem>>
        %dma_wait3A_191 = arith.constant 0 : i32
        %dma_wait3A_192 = tpu.memref_slice %arg6[%dma_wait3A_191] : memref<50000xf32, #tpu.memory_space<hbm>> -> memref<128xf32, #tpu.memory_space<hbm>>
        %dma_wait3A_193 = arith.constant 0 : i32
        %dma_wait3A_194 = tpu.memref_slice %arg31[%dma_wait3A_193] : memref<256xf32, #tpu.memory_space<vmem>> -> memref<128xf32, #tpu.memory_space<vmem>>
        %dma_wait3A_195 = arith.constant 0 : i32
        %dma_wait3A_196 = tpu.memref_slice %arg6[%dma_wait3A_195] : memref<50000xf32, #tpu.memory_space<hbm>> -> memref<128xf32, #tpu.memory_space<hbm>>
        tpu.wait_dma2 semaphore(%arg46 : memref<!tpu.dma_semaphore, #tpu.memory_space<semaphore_mem>>) src(%dma_wait3A_196 : memref<128xf32, #tpu.memory_space<hbm>>) dst(%dma_wait3A_194 : memref<128xf32, #tpu.memory_space<vmem>>)
        %dma_wait3A_197 = arith.constant 0 : i32
        %dma_wait3A_198 = tpu.memref_slice %arg32[%dma_wait3A_197] : memref<256xf32, #tpu.memory_space<vmem>> -> memref<128xf32, #tpu.memory_space<vmem>>
        %dma_wait3A_199 = arith.constant 0 : i32
        %dma_wait3A_200 = tpu.memref_slice %arg6[%dma_wait3A_199] : memref<50000xf32, #tpu.memory_space<hbm>> -> memref<128xf32, #tpu.memory_space<hbm>>
        %dma_wait3A_201 = arith.constant 0 : i32
        %dma_wait3A_202 = tpu.memref_slice %arg32[%dma_wait3A_201] : memref<256xf32, #tpu.memory_space<vmem>> -> memref<128xf32, #tpu.memory_space<vmem>>
        %dma_wait3A_203 = arith.constant 0 : i32
        %dma_wait3A_204 = tpu.memref_slice %arg6[%dma_wait3A_203] : memref<50000xf32, #tpu.memory_space<hbm>> -> memref<128xf32, #tpu.memory_space<hbm>>
        tpu.wait_dma2 semaphore(%arg46 : memref<!tpu.dma_semaphore, #tpu.memory_space<semaphore_mem>>) src(%dma_wait3A_204 : memref<128xf32, #tpu.memory_space<hbm>>) dst(%dma_wait3A_202 : memref<128xf32, #tpu.memory_space<vmem>>)
        %dma_wait3A_205 = arith.constant 128 : i32
        %dma_wait3A_206 = tpu.memref_slice %arg27[%dma_wait3A_205] : memref<256xf32, #tpu.memory_space<vmem>> -> memref<128xf32, #tpu.memory_space<vmem>>
        %dma_wait3A_207 = arith.constant 0 : i32
        %dma_wait3A_208 = tpu.memref_slice %arg6[%dma_wait3A_207] : memref<50000xf32, #tpu.memory_space<hbm>> -> memref<128xf32, #tpu.memory_space<hbm>>
        %dma_wait3A_209 = arith.constant 128 : i32
        %dma_wait3A_210 = tpu.memref_slice %arg27[%dma_wait3A_209] : memref<256xf32, #tpu.memory_space<vmem>> -> memref<128xf32, #tpu.memory_space<vmem>>
        %dma_wait3A_211 = arith.constant 0 : i32
        %dma_wait3A_212 = tpu.memref_slice %arg6[%dma_wait3A_211] : memref<50000xf32, #tpu.memory_space<hbm>> -> memref<128xf32, #tpu.memory_space<hbm>>
        tpu.wait_dma2 semaphore(%arg46 : memref<!tpu.dma_semaphore, #tpu.memory_space<semaphore_mem>>) src(%dma_wait3A_212 : memref<128xf32, #tpu.memory_space<hbm>>) dst(%dma_wait3A_210 : memref<128xf32, #tpu.memory_space<vmem>>)
        %dma_wait3A_213 = arith.constant 128 : i32
        %dma_wait3A_214 = tpu.memref_slice %arg28[%dma_wait3A_213] : memref<256xf32, #tpu.memory_space<vmem>> -> memref<128xf32, #tpu.memory_space<vmem>>
        %dma_wait3A_215 = arith.constant 0 : i32
        %dma_wait3A_216 = tpu.memref_slice %arg6[%dma_wait3A_215] : memref<50000xf32, #tpu.memory_space<hbm>> -> memref<128xf32, #tpu.memory_space<hbm>>
        %dma_wait3A_217 = arith.constant 128 : i32
        %dma_wait3A_218 = tpu.memref_slice %arg28[%dma_wait3A_217] : memref<256xf32, #tpu.memory_space<vmem>> -> memref<128xf32, #tpu.memory_space<vmem>>
        %dma_wait3A_219 = arith.constant 0 : i32
        %dma_wait3A_220 = tpu.memref_slice %arg6[%dma_wait3A_219] : memref<50000xf32, #tpu.memory_space<hbm>> -> memref<128xf32, #tpu.memory_space<hbm>>
        tpu.wait_dma2 semaphore(%arg46 : memref<!tpu.dma_semaphore, #tpu.memory_space<semaphore_mem>>) src(%dma_wait3A_220 : memref<128xf32, #tpu.memory_space<hbm>>) dst(%dma_wait3A_218 : memref<128xf32, #tpu.memory_space<vmem>>)
        %dma_wait3A_221 = arith.constant 128 : i32
        %dma_wait3A_222 = tpu.memref_slice %arg29[%dma_wait3A_221] : memref<256xf32, #tpu.memory_space<vmem>> -> memref<128xf32, #tpu.memory_space<vmem>>
        %dma_wait3A_223 = arith.constant 0 : i32
        %dma_wait3A_224 = tpu.memref_slice %arg6[%dma_wait3A_223] : memref<50000xf32, #tpu.memory_space<hbm>> -> memref<128xf32, #tpu.memory_space<hbm>>
        %dma_wait3A_225 = arith.constant 128 : i32
        %dma_wait3A_226 = tpu.memref_slice %arg29[%dma_wait3A_225] : memref<256xf32, #tpu.memory_space<vmem>> -> memref<128xf32, #tpu.memory_space<vmem>>
        %dma_wait3A_227 = arith.constant 0 : i32
        %dma_wait3A_228 = tpu.memref_slice %arg6[%dma_wait3A_227] : memref<50000xf32, #tpu.memory_space<hbm>> -> memref<128xf32, #tpu.memory_space<hbm>>
        tpu.wait_dma2 semaphore(%arg46 : memref<!tpu.dma_semaphore, #tpu.memory_space<semaphore_mem>>) src(%dma_wait3A_228 : memref<128xf32, #tpu.memory_space<hbm>>) dst(%dma_wait3A_226 : memref<128xf32, #tpu.memory_space<vmem>>)
        %dma_wait3A_229 = arith.constant 128 : i32
        %dma_wait3A_230 = tpu.memref_slice %arg30[%dma_wait3A_229] : memref<256xf32, #tpu.memory_space<vmem>> -> memref<128xf32, #tpu.memory_space<vmem>>
        %dma_wait3A_231 = arith.constant 0 : i32
        %dma_wait3A_232 = tpu.memref_slice %arg6[%dma_wait3A_231] : memref<50000xf32, #tpu.memory_space<hbm>> -> memref<128xf32, #tpu.memory_space<hbm>>
        %dma_wait3A_233 = arith.constant 128 : i32
        %dma_wait3A_234 = tpu.memref_slice %arg30[%dma_wait3A_233] : memref<256xf32, #tpu.memory_space<vmem>> -> memref<128xf32, #tpu.memory_space<vmem>>
        %dma_wait3A_235 = arith.constant 0 : i32
        %dma_wait3A_236 = tpu.memref_slice %arg6[%dma_wait3A_235] : memref<50000xf32, #tpu.memory_space<hbm>> -> memref<128xf32, #tpu.memory_space<hbm>>
        tpu.wait_dma2 semaphore(%arg46 : memref<!tpu.dma_semaphore, #tpu.memory_space<semaphore_mem>>) src(%dma_wait3A_236 : memref<128xf32, #tpu.memory_space<hbm>>) dst(%dma_wait3A_234 : memref<128xf32, #tpu.memory_space<vmem>>)
        %dma_wait3A_237 = arith.constant 128 : i32
        %dma_wait3A_238 = tpu.memref_slice %arg31[%dma_wait3A_237] : memref<256xf32, #tpu.memory_space<vmem>> -> memref<128xf32, #tpu.memory_space<vmem>>
        %dma_wait3A_239 = arith.constant 0 : i32
        %dma_wait3A_240 = tpu.memref_slice %arg6[%dma_wait3A_239] : memref<50000xf32, #tpu.memory_space<hbm>> -> memref<128xf32, #tpu.memory_space<hbm>>
        %dma_wait3A_241 = arith.constant 128 : i32
        %dma_wait3A_242 = tpu.memref_slice %arg31[%dma_wait3A_241] : memref<256xf32, #tpu.memory_space<vmem>> -> memref<128xf32, #tpu.memory_space<vmem>>
        %dma_wait3A_243 = arith.constant 0 : i32
        %dma_wait3A_244 = tpu.memref_slice %arg6[%dma_wait3A_243] : memref<50000xf32, #tpu.memory_space<hbm>> -> memref<128xf32, #tpu.memory_space<hbm>>
        tpu.wait_dma2 semaphore(%arg46 : memref<!tpu.dma_semaphore, #tpu.memory_space<semaphore_mem>>) src(%dma_wait3A_244 : memref<128xf32, #tpu.memory_space<hbm>>) dst(%dma_wait3A_242 : memref<128xf32, #tpu.memory_space<vmem>>)
        %dma_wait3A_245 = arith.constant 128 : i32
        %dma_wait3A_246 = tpu.memref_slice %arg32[%dma_wait3A_245] : memref<256xf32, #tpu.memory_space<vmem>> -> memref<128xf32, #tpu.memory_space<vmem>>
        %dma_wait3A_247 = arith.constant 0 : i32
        %dma_wait3A_248 = tpu.memref_slice %arg6[%dma_wait3A_247] : memref<50000xf32, #tpu.memory_space<hbm>> -> memref<128xf32, #tpu.memory_space<hbm>>
        %dma_wait3A_249 = arith.constant 128 : i32
        %dma_wait3A_250 = tpu.memref_slice %arg32[%dma_wait3A_249] : memref<256xf32, #tpu.memory_space<vmem>> -> memref<128xf32, #tpu.memory_space<vmem>>
        %dma_wait3A_251 = arith.constant 0 : i32
        %dma_wait3A_252 = tpu.memref_slice %arg6[%dma_wait3A_251] : memref<50000xf32, #tpu.memory_space<hbm>> -> memref<128xf32, #tpu.memory_space<hbm>>
        tpu.wait_dma2 semaphore(%arg46 : memref<!tpu.dma_semaphore, #tpu.memory_space<semaphore_mem>>) src(%dma_wait3A_252 : memref<128xf32, #tpu.memory_space<hbm>>) dst(%dma_wait3A_250 : memref<128xf32, #tpu.memory_space<vmem>>)
        %add3A_253 = arith.constant 32 : i32
        %add3A_254 = arith.addi %add3A_151, %add3A_253 : i32
        %lt3A_255 = arith.constant 3125 : i32
        %lt3A_256 = arith.cmpi slt, %add3A_254, %lt3A_255 : i32
        %convert_element_type3A_257 = arith.extui %lt3A_256 : i1 to i32
        %cond3A_258 = arith.constant 0 : i32
        %cond3A_259 = arith.cmpi ne, %convert_element_type3A_257, %cond3A_258 : i32
        scf.if %cond3A_259 {
          %dma_wait3A_279 = arith.constant 0 : i32
          %dma_wait3A_280 = tpu.memref_slice %arg3[%dma_wait3A_279] : memref<800000xi32, #tpu.memory_space<hbm>> -> memref<256xi32, #tpu.memory_space<hbm>>
          %dma_wait3A_281 = arith.constant 0 : i32
          %dma_wait3A_282 = tpu.memref_slice %arg3[%dma_wait3A_281] : memref<800000xi32, #tpu.memory_space<hbm>> -> memref<256xi32, #tpu.memory_space<hbm>>
          tpu.wait_dma2 semaphore(%arg43 : memref<!tpu.dma_semaphore, #tpu.memory_space<semaphore_mem>>) src(%dma_wait3A_282 : memref<256xi32, #tpu.memory_space<hbm>>) dst(%arg14 : memref<256xi32, #tpu.memory_space<vmem>>)
          %dma_wait3A_283 = arith.constant 0 : i32
          %dma_wait3A_284 = tpu.memref_slice %arg4[%dma_wait3A_283] : memref<800000xi32, #tpu.memory_space<hbm>> -> memref<256xi32, #tpu.memory_space<hbm>>
          %dma_wait3A_285 = arith.constant 0 : i32
          %dma_wait3A_286 = tpu.memref_slice %arg4[%dma_wait3A_285] : memref<800000xi32, #tpu.memory_space<hbm>> -> memref<256xi32, #tpu.memory_space<hbm>>
          tpu.wait_dma2 semaphore(%arg43 : memref<!tpu.dma_semaphore, #tpu.memory_space<semaphore_mem>>) src(%dma_wait3A_286 : memref<256xi32, #tpu.memory_space<hbm>>) dst(%arg15 : memref<256xi32, #tpu.memory_space<vmem>>)
          %dma_wait3A_287 = arith.constant 0 : i32
          %dma_wait3A_288 = tpu.memref_slice %arg12[%dma_wait3A_287] : memref<2400000xf32, #tpu.memory_space<hbm>> -> memref<768xf32, #tpu.memory_space<hbm>>
          %dma_wait3A_289 = arith.constant 0 : i32
          %dma_wait3A_290 = tpu.memref_slice %arg12[%dma_wait3A_289] : memref<2400000xf32, #tpu.memory_space<hbm>> -> memref<768xf32, #tpu.memory_space<hbm>>
          tpu.wait_dma2 semaphore(%arg47 : memref<!tpu.dma_semaphore, #tpu.memory_space<semaphore_mem>>) src(%arg33 : memref<768xf32, #tpu.memory_space<vmem>>) dst(%dma_wait3A_290 : memref<768xf32, #tpu.memory_space<hbm>>)
          %dma_start3A_291 = arith.constant 0 : i32
          %dma_start3A_292 = tpu.memref_slice %arg21[%dma_start3A_291] : memref<256xf32, #tpu.memory_space<vmem>> -> memref<128xf32, #tpu.memory_space<vmem>>
          %dma_start3A_293 = arith.constant 0 : i32
          %dma_start3A_294 = tpu.memref_slice %arg15[%dma_start3A_293] : memref<256xi32, #tpu.memory_space<vmem>> -> memref<128xi32, #tpu.memory_space<vmem>>
          %dma_start3A_295 = arith.constant 0 : i32
          %dma_start3A_296 = tpu.memref_slice %arg40[%dma_start3A_295] : memref<50000xf32, #tpu.memory_space<vmem_shared>> -> memref<50000xf32, #tpu.memory_space<vmem_shared>>
          tpu.enqueue_indirect_dma source(%dma_start3A_296 : memref<50000xf32, #tpu.memory_space<vmem_shared>>) target(%dma_start3A_292 : memref<128xf32, #tpu.memory_space<vmem>>) offsets(%dma_start3A_294 : memref<128xi32, #tpu.memory_space<vmem>>) semaphore(%arg45 : memref<!tpu.dma_semaphore, #tpu.memory_space<semaphore_mem>>)
          %dma_start3A_297 = arith.constant 0 : i32
          %dma_start3A_298 = tpu.memref_slice %arg22[%dma_start3A_297] : memref<256xf32, #tpu.memory_space<vmem>> -> memref<128xf32, #tpu.memory_space<vmem>>
          %dma_start3A_299 = arith.constant 0 : i32
          %dma_start3A_300 = tpu.memref_slice %arg15[%dma_start3A_299] : memref<256xi32, #tpu.memory_space<vmem>> -> memref<128xi32, #tpu.memory_space<vmem>>
          %dma_start3A_301 = arith.constant 0 : i32
          %dma_start3A_302 = tpu.memref_slice %arg41[%dma_start3A_301] : memref<50000xf32, #tpu.memory_space<vmem_shared>> -> memref<50000xf32, #tpu.memory_space<vmem_shared>>
          tpu.enqueue_indirect_dma source(%dma_start3A_302 : memref<50000xf32, #tpu.memory_space<vmem_shared>>) target(%dma_start3A_298 : memref<128xf32, #tpu.memory_space<vmem>>) offsets(%dma_start3A_300 : memref<128xi32, #tpu.memory_space<vmem>>) semaphore(%arg45 : memref<!tpu.dma_semaphore, #tpu.memory_space<semaphore_mem>>)
          %dma_start3A_303 = arith.constant 0 : i32
          %dma_start3A_304 = tpu.memref_slice %arg23[%dma_start3A_303] : memref<256xf32, #tpu.memory_space<vmem>> -> memref<128xf32, #tpu.memory_space<vmem>>
          %dma_start3A_305 = arith.constant 0 : i32
          %dma_start3A_306 = tpu.memref_slice %arg15[%dma_start3A_305] : memref<256xi32, #tpu.memory_space<vmem>> -> memref<128xi32, #tpu.memory_space<vmem>>
          %dma_start3A_307 = arith.constant 0 : i32
          %dma_start3A_308 = tpu.memref_slice %arg42[%dma_start3A_307] : memref<50000xf32, #tpu.memory_space<vmem_shared>> -> memref<50000xf32, #tpu.memory_space<vmem_shared>>
          tpu.enqueue_indirect_dma source(%dma_start3A_308 : memref<50000xf32, #tpu.memory_space<vmem_shared>>) target(%dma_start3A_304 : memref<128xf32, #tpu.memory_space<vmem>>) offsets(%dma_start3A_306 : memref<128xi32, #tpu.memory_space<vmem>>) semaphore(%arg45 : memref<!tpu.dma_semaphore, #tpu.memory_space<semaphore_mem>>)
          %dma_start3A_309 = arith.constant 0 : i32
          %dma_start3A_310 = tpu.memref_slice %arg24[%dma_start3A_309] : memref<256xf32, #tpu.memory_space<vmem>> -> memref<128xf32, #tpu.memory_space<vmem>>
          %dma_start3A_311 = arith.constant 0 : i32
          %dma_start3A_312 = tpu.memref_slice %arg14[%dma_start3A_311] : memref<256xi32, #tpu.memory_space<vmem>> -> memref<128xi32, #tpu.memory_space<vmem>>
          %dma_start3A_313 = arith.constant 0 : i32
          %dma_start3A_314 = tpu.memref_slice %arg40[%dma_start3A_313] : memref<50000xf32, #tpu.memory_space<vmem_shared>> -> memref<50000xf32, #tpu.memory_space<vmem_shared>>
          tpu.enqueue_indirect_dma source(%dma_start3A_314 : memref<50000xf32, #tpu.memory_space<vmem_shared>>) target(%dma_start3A_310 : memref<128xf32, #tpu.memory_space<vmem>>) offsets(%dma_start3A_312 : memref<128xi32, #tpu.memory_space<vmem>>) semaphore(%arg45 : memref<!tpu.dma_semaphore, #tpu.memory_space<semaphore_mem>>)
          %dma_start3A_315 = arith.constant 0 : i32
          %dma_start3A_316 = tpu.memref_slice %arg25[%dma_start3A_315] : memref<256xf32, #tpu.memory_space<vmem>> -> memref<128xf32, #tpu.memory_space<vmem>>
          %dma_start3A_317 = arith.constant 0 : i32
          %dma_start3A_318 = tpu.memref_slice %arg14[%dma_start3A_317] : memref<256xi32, #tpu.memory_space<vmem>> -> memref<128xi32, #tpu.memory_space<vmem>>
          %dma_start3A_319 = arith.constant 0 : i32
          %dma_start3A_320 = tpu.memref_slice %arg41[%dma_start3A_319] : memref<50000xf32, #tpu.memory_space<vmem_shared>> -> memref<50000xf32, #tpu.memory_space<vmem_shared>>
          tpu.enqueue_indirect_dma source(%dma_start3A_320 : memref<50000xf32, #tpu.memory_space<vmem_shared>>) target(%dma_start3A_316 : memref<128xf32, #tpu.memory_space<vmem>>) offsets(%dma_start3A_318 : memref<128xi32, #tpu.memory_space<vmem>>) semaphore(%arg45 : memref<!tpu.dma_semaphore, #tpu.memory_space<semaphore_mem>>)
          %dma_start3A_321 = arith.constant 0 : i32
          %dma_start3A_322 = tpu.memref_slice %arg26[%dma_start3A_321] : memref<256xf32, #tpu.memory_space<vmem>> -> memref<128xf32, #tpu.memory_space<vmem>>
          %dma_start3A_323 = arith.constant 0 : i32
          %dma_start3A_324 = tpu.memref_slice %arg14[%dma_start3A_323] : memref<256xi32, #tpu.memory_space<vmem>> -> memref<128xi32, #tpu.memory_space<vmem>>
          %dma_start3A_325 = arith.constant 0 : i32
          %dma_start3A_326 = tpu.memref_slice %arg42[%dma_start3A_325] : memref<50000xf32, #tpu.memory_space<vmem_shared>> -> memref<50000xf32, #tpu.memory_space<vmem_shared>>
          tpu.enqueue_indirect_dma source(%dma_start3A_326 : memref<50000xf32, #tpu.memory_space<vmem_shared>>) target(%dma_start3A_322 : memref<128xf32, #tpu.memory_space<vmem>>) offsets(%dma_start3A_324 : memref<128xi32, #tpu.memory_space<vmem>>) semaphore(%arg45 : memref<!tpu.dma_semaphore, #tpu.memory_space<semaphore_mem>>)
          %dma_start3A_327 = arith.constant 128 : i32
          %dma_start3A_328 = tpu.memref_slice %arg21[%dma_start3A_327] : memref<256xf32, #tpu.memory_space<vmem>> -> memref<128xf32, #tpu.memory_space<vmem>>
          %dma_start3A_329 = arith.constant 128 : i32
          %dma_start3A_330 = tpu.memref_slice %arg15[%dma_start3A_329] : memref<256xi32, #tpu.memory_space<vmem>> -> memref<128xi32, #tpu.memory_space<vmem>>
          %dma_start3A_331 = arith.constant 0 : i32
          %dma_start3A_332 = tpu.memref_slice %arg40[%dma_start3A_331] : memref<50000xf32, #tpu.memory_space<vmem_shared>> -> memref<50000xf32, #tpu.memory_space<vmem_shared>>
          tpu.enqueue_indirect_dma source(%dma_start3A_332 : memref<50000xf32, #tpu.memory_space<vmem_shared>>) target(%dma_start3A_328 : memref<128xf32, #tpu.memory_space<vmem>>) offsets(%dma_start3A_330 : memref<128xi32, #tpu.memory_space<vmem>>) semaphore(%arg45 : memref<!tpu.dma_semaphore, #tpu.memory_space<semaphore_mem>>)
          %dma_start3A_333 = arith.constant 128 : i32
          %dma_start3A_334 = tpu.memref_slice %arg22[%dma_start3A_333] : memref<256xf32, #tpu.memory_space<vmem>> -> memref<128xf32, #tpu.memory_space<vmem>>
          %dma_start3A_335 = arith.constant 128 : i32
          %dma_start3A_336 = tpu.memref_slice %arg15[%dma_start3A_335] : memref<256xi32, #tpu.memory_space<vmem>> -> memref<128xi32, #tpu.memory_space<vmem>>
          %dma_start3A_337 = arith.constant 0 : i32
          %dma_start3A_338 = tpu.memref_slice %arg41[%dma_start3A_337] : memref<50000xf32, #tpu.memory_space<vmem_shared>> -> memref<50000xf32, #tpu.memory_space<vmem_shared>>
          tpu.enqueue_indirect_dma source(%dma_start3A_338 : memref<50000xf32, #tpu.memory_space<vmem_shared>>) target(%dma_start3A_334 : memref<128xf32, #tpu.memory_space<vmem>>) offsets(%dma_start3A_336 : memref<128xi32, #tpu.memory_space<vmem>>) semaphore(%arg45 : memref<!tpu.dma_semaphore, #tpu.memory_space<semaphore_mem>>)
          %dma_start3A_339 = arith.constant 128 : i32
          %dma_start3A_340 = tpu.memref_slice %arg23[%dma_start3A_339] : memref<256xf32, #tpu.memory_space<vmem>> -> memref<128xf32, #tpu.memory_space<vmem>>
          %dma_start3A_341 = arith.constant 128 : i32
          %dma_start3A_342 = tpu.memref_slice %arg15[%dma_start3A_341] : memref<256xi32, #tpu.memory_space<vmem>> -> memref<128xi32, #tpu.memory_space<vmem>>
          %dma_start3A_343 = arith.constant 0 : i32
          %dma_start3A_344 = tpu.memref_slice %arg42[%dma_start3A_343] : memref<50000xf32, #tpu.memory_space<vmem_shared>> -> memref<50000xf32, #tpu.memory_space<vmem_shared>>
          tpu.enqueue_indirect_dma source(%dma_start3A_344 : memref<50000xf32, #tpu.memory_space<vmem_shared>>) target(%dma_start3A_340 : memref<128xf32, #tpu.memory_space<vmem>>) offsets(%dma_start3A_342 : memref<128xi32, #tpu.memory_space<vmem>>) semaphore(%arg45 : memref<!tpu.dma_semaphore, #tpu.memory_space<semaphore_mem>>)
          %dma_start3A_345 = arith.constant 128 : i32
          %dma_start3A_346 = tpu.memref_slice %arg24[%dma_start3A_345] : memref<256xf32, #tpu.memory_space<vmem>> -> memref<128xf32, #tpu.memory_space<vmem>>
          %dma_start3A_347 = arith.constant 128 : i32
          %dma_start3A_348 = tpu.memref_slice %arg14[%dma_start3A_347] : memref<256xi32, #tpu.memory_space<vmem>> -> memref<128xi32, #tpu.memory_space<vmem>>
          %dma_start3A_349 = arith.constant 0 : i32
          %dma_start3A_350 = tpu.memref_slice %arg40[%dma_start3A_349] : memref<50000xf32, #tpu.memory_space<vmem_shared>> -> memref<50000xf32, #tpu.memory_space<vmem_shared>>
          tpu.enqueue_indirect_dma source(%dma_start3A_350 : memref<50000xf32, #tpu.memory_space<vmem_shared>>) target(%dma_start3A_346 : memref<128xf32, #tpu.memory_space<vmem>>) offsets(%dma_start3A_348 : memref<128xi32, #tpu.memory_space<vmem>>) semaphore(%arg45 : memref<!tpu.dma_semaphore, #tpu.memory_space<semaphore_mem>>)
          %dma_start3A_351 = arith.constant 128 : i32
          %dma_start3A_352 = tpu.memref_slice %arg25[%dma_start3A_351] : memref<256xf32, #tpu.memory_space<vmem>> -> memref<128xf32, #tpu.memory_space<vmem>>
          %dma_start3A_353 = arith.constant 128 : i32
          %dma_start3A_354 = tpu.memref_slice %arg14[%dma_start3A_353] : memref<256xi32, #tpu.memory_space<vmem>> -> memref<128xi32, #tpu.memory_space<vmem>>
          %dma_start3A_355 = arith.constant 0 : i32
          %dma_start3A_356 = tpu.memref_slice %arg41[%dma_start3A_355] : memref<50000xf32, #tpu.memory_space<vmem_shared>> -> memref<50000xf32, #tpu.memory_space<vmem_shared>>
          tpu.enqueue_indirect_dma source(%dma_start3A_356 : memref<50000xf32, #tpu.memory_space<vmem_shared>>) target(%dma_start3A_352 : memref<128xf32, #tpu.memory_space<vmem>>) offsets(%dma_start3A_354 : memref<128xi32, #tpu.memory_space<vmem>>) semaphore(%arg45 : memref<!tpu.dma_semaphore, #tpu.memory_space<semaphore_mem>>)
          %dma_start3A_357 = arith.constant 128 : i32
          %dma_start3A_358 = tpu.memref_slice %arg26[%dma_start3A_357] : memref<256xf32, #tpu.memory_space<vmem>> -> memref<128xf32, #tpu.memory_space<vmem>>
          %dma_start3A_359 = arith.constant 128 : i32
          %dma_start3A_360 = tpu.memref_slice %arg14[%dma_start3A_359] : memref<256xi32, #tpu.memory_space<vmem>> -> memref<128xi32, #tpu.memory_space<vmem>>
          %dma_start3A_361 = arith.constant 0 : i32
          %dma_start3A_362 = tpu.memref_slice %arg42[%dma_start3A_361] : memref<50000xf32, #tpu.memory_space<vmem_shared>> -> memref<50000xf32, #tpu.memory_space<vmem_shared>>
          tpu.enqueue_indirect_dma source(%dma_start3A_362 : memref<50000xf32, #tpu.memory_space<vmem_shared>>) target(%dma_start3A_358 : memref<128xf32, #tpu.memory_space<vmem>>) offsets(%dma_start3A_360 : memref<128xi32, #tpu.memory_space<vmem>>) semaphore(%arg45 : memref<!tpu.dma_semaphore, #tpu.memory_space<semaphore_mem>>)
        } else {
        }
        %add3A_260 = arith.constant 64 : i32
        %add3A_261 = arith.addi %add3A_151, %add3A_260 : i32
        %lt3A_262 = arith.constant 3125 : i32
        %lt3A_263 = arith.cmpi slt, %add3A_261, %lt3A_262 : i32
        %convert_element_type3A_264 = arith.extui %lt3A_263 : i1 to i32
        %cond3A_265 = arith.constant 0 : i32
        %cond3A_266 = arith.cmpi ne, %convert_element_type3A_264, %cond3A_265 : i32
        scf.if %cond3A_266 {
          %add3A_279 = arith.constant 64 : i32
          %add3A_280 = arith.addi %add3A_151, %add3A_279 : i32
          %mul3A_281 = arith.constant 256 : i32
          %mul3A_282 = arith.muli %add3A_280, %mul3A_281 : i32
          %dma_start3A_283 = tpu.memref_slice %arg3[%mul3A_282] : memref<800000xi32, #tpu.memory_space<hbm>> -> memref<256xi32, #tpu.memory_space<hbm>>
          %dma_start3A_284 = tpu.memref_slice %arg3[%mul3A_282] : memref<800000xi32, #tpu.memory_space<hbm>> -> memref<256xi32, #tpu.memory_space<hbm>>
          tpu.enqueue_dma source(%dma_start3A_284 : memref<256xi32, #tpu.memory_space<hbm>>) target(%arg17 : memref<256xi32, #tpu.memory_space<vmem>>) target_semaphore(%arg44 : memref<!tpu.dma_semaphore, #tpu.memory_space<semaphore_mem>>)
          %dma_start3A_285 = tpu.memref_slice %arg4[%mul3A_282] : memref<800000xi32, #tpu.memory_space<hbm>> -> memref<256xi32, #tpu.memory_space<hbm>>
          %dma_start3A_286 = tpu.memref_slice %arg4[%mul3A_282] : memref<800000xi32, #tpu.memory_space<hbm>> -> memref<256xi32, #tpu.memory_space<hbm>>
          tpu.enqueue_dma source(%dma_start3A_286 : memref<256xi32, #tpu.memory_space<hbm>>) target(%arg18 : memref<256xi32, #tpu.memory_space<vmem>>) target_semaphore(%arg44 : memref<!tpu.dma_semaphore, #tpu.memory_space<semaphore_mem>>)
        } else {
        }
        %mul3A_267 = arith.constant 256 : i32
        %mul3A_268 = arith.muli %add3A_151, %mul3A_267 : i32
        %scan3A_269 = arith.constant 0 : i32
        %scan3A_270 = arith.constant 0 : i32
        %scan3A_271 = arith.constant 16 : i32
        %scan3A_272 = arith.addi %scan3A_270, %scan3A_271 : i32
        %scan3A_273 = arith.constant 1 : i32
        scf.for %scan3A_279 = %scan3A_270 to %scan3A_272 step %scan3A_273  : i32 {
          %mul3A_280 = arith.constant 16 : i32
          %mul3A_281 = arith.muli %scan3A_279, %mul3A_280 : i32
          %add3A_282 = vector.broadcast %mul3A_281 : i32 to vector<16xi32>
          %add3A_283 = arith.addi %add3A_282, %iota3A : vector<16xi32>
          %mul3A_284 = arith.constant 16 : i32
          %mul3A_285 = arith.muli %scan3A_279, %mul3A_284 : i32
          %get3A = arith.index_cast %mul3A_285 : i32 to index
          %get3A_286 = tpu.vector_load %arg27[%get3A] {strides = array<i32>} : memref<256xf32, #tpu.memory_space<vmem>>, vector<16xf32>,
          %get3A_287 = arith.index_cast %mul3A_285 : i32 to index
          %get3A_288 = tpu.vector_load %arg30[%get3A_287] {strides = array<i32>} : memref<256xf32, #tpu.memory_space<vmem>>, vector<16xf32>,
          %sub3A = arith.subf %get3A_286, %get3A_288 : vector<16xf32>
          %get3A_289 = arith.index_cast %mul3A_285 : i32 to index
          %get3A_290 = tpu.vector_load %arg28[%get3A_289] {strides = array<i32>} : memref<256xf32, #tpu.memory_space<vmem>>, vector<16xf32>,
          %get3A_291 = arith.index_cast %mul3A_285 : i32 to index
          %get3A_292 = tpu.vector_load %arg31[%get3A_291] {strides = array<i32>} : memref<256xf32, #tpu.memory_space<vmem>>, vector<16xf32>,
          %sub3A_293 = arith.subf %get3A_290, %get3A_292 : vector<16xf32>
          %get3A_294 = arith.index_cast %mul3A_285 : i32 to index
          %get3A_295 = tpu.vector_load %arg29[%get3A_294] {strides = array<i32>} : memref<256xf32, #tpu.memory_space<vmem>>, vector<16xf32>,
          %get3A_296 = arith.index_cast %mul3A_285 : i32 to index
          %get3A_297 = tpu.vector_load %arg32[%get3A_296] {strides = array<i32>} : memref<256xf32, #tpu.memory_space<vmem>>, vector<16xf32>,
          %sub3A_298 = arith.subf %get3A_295, %get3A_297 : vector<16xf32>
          %mul3A_299 = arith.mulf %sub3A, %sub3A : vector<16xf32>
          %mul3A_300 = arith.mulf %sub3A_293, %sub3A_293 : vector<16xf32>
          %add3A_301 = arith.addf %mul3A_299, %mul3A_300 : vector<16xf32>
          %mul3A_302 = arith.mulf %sub3A_298, %sub3A_298 : vector<16xf32>
          %add3A_303 = arith.addf %add3A_301, %mul3A_302 : vector<16xf32>
          %bitcast_convert_type3A = tpu.bitcast %add3A_303 : vector<16xf32> -> vector<16xi32>
          %shift_right_logical3A = arith.constant 1 : i32
          %shift_right_logical3A_304 = vector.broadcast %shift_right_logical3A : i32 to vector<16xi32>
          %shift_right_logical3A_305 = arith.shrui %bitcast_convert_type3A, %shift_right_logical3A_304 : vector<16xi32>
          %sub3A_306 = arith.constant 1597463007 : i32
          %sub3A_307 = vector.broadcast %sub3A_306 : i32 to vector<16xi32>
          %sub3A_308 = arith.subi %sub3A_307, %shift_right_logical3A_305 : vector<16xi32>
          %bitcast_convert_type3A_309 = tpu.bitcast %sub3A_308 : vector<16xi32> -> vector<16xf32>
          %mul3A_310 = arith.constant 5.000000e-01 : f32
          %mul3A_311 = vector.broadcast %mul3A_310 : f32 to vector<16xf32>
          %mul3A_312 = arith.mulf %add3A_303, %mul3A_311 : vector<16xf32>
          %mul3A_313 = arith.mulf %mul3A_312, %bitcast_convert_type3A_309 : vector<16xf32>
          %mul3A_314 = arith.mulf %mul3A_313, %bitcast_convert_type3A_309 : vector<16xf32>
          %sub3A_315 = arith.constant 1.500000e+00 : f32
          %sub3A_316 = vector.broadcast %sub3A_315 : f32 to vector<16xf32>
          %sub3A_317 = arith.subf %sub3A_316, %mul3A_314 : vector<16xf32>
          %mul3A_318 = arith.mulf %bitcast_convert_type3A_309, %sub3A_317 : vector<16xf32>
          %mul3A_319 = arith.mulf %mul3A_312, %mul3A_318 : vector<16xf32>
          %mul3A_320 = arith.mulf %mul3A_319, %mul3A_318 : vector<16xf32>
          %sub3A_321 = arith.constant 1.500000e+00 : f32
          %sub3A_322 = vector.broadcast %sub3A_321 : f32 to vector<16xf32>
          %sub3A_323 = arith.subf %sub3A_322, %mul3A_320 : vector<16xf32>
          %mul3A_324 = arith.mulf %mul3A_318, %sub3A_323 : vector<16xf32>
          %mul3A_325 = arith.mulf %mul3A_312, %mul3A_324 : vector<16xf32>
          %mul3A_326 = arith.mulf %mul3A_325, %mul3A_324 : vector<16xf32>
          %sub3A_327 = arith.constant 1.500000e+00 : f32
          %sub3A_328 = vector.broadcast %sub3A_327 : f32 to vector<16xf32>
          %sub3A_329 = arith.subf %sub3A_328, %mul3A_326 : vector<16xf32>
          %mul3A_330 = arith.mulf %mul3A_324, %sub3A_329 : vector<16xf32>
          %mul3A_331 = arith.mulf %add3A_303, %mul3A_330 : vector<16xf32>
          %add3A_332 = arith.constant 9.99999993E-9 : f32
          %add3A_333 = vector.broadcast %add3A_332 : f32 to vector<16xf32>
          %add3A_334 = arith.addf %mul3A_331, %add3A_333 : vector<16xf32>
          %div3A = arith.constant 1.000000e+00 : f32
          %div3A_335 = vector.broadcast %div3A : f32 to vector<16xf32>
          %div3A_336 = arith.divf %div3A_335, %add3A_334 : vector<16xf32>
          %mul3A_337 = arith.constant 3 : i32
          %mul3A_338 = vector.broadcast %mul3A_337 : i32 to vector<16xi32>
          %mul3A_339 = arith.muli %add3A_283, %mul3A_338 : vector<16xi32>
          %mul3A_340 = arith.mulf %sub3A, %div3A_336 : vector<16xf32>
          tpu.vector_store_idx %arg34[%mul3A_339], %mul3A_340 : memref<768xf32, #tpu.memory_space<vmem>>[vector<16xi32>], vector<16xf32>,
          %add3A_341 = arith.constant 1 : i32
          %add3A_342 = vector.broadcast %add3A_341 : i32 to vector<16xi32>
          %add3A_343 = arith.addi %mul3A_339, %add3A_342 : vector<16xi32>
          %mul3A_344 = arith.mulf %sub3A_293, %div3A_336 : vector<16xf32>
          tpu.vector_store_idx %arg34[%add3A_343], %mul3A_344 : memref<768xf32, #tpu.memory_space<vmem>>[vector<16xi32>], vector<16xf32>,
          %add3A_345 = arith.constant 2 : i32
          %add3A_346 = vector.broadcast %add3A_345 : i32 to vector<16xi32>
          %add3A_347 = arith.addi %mul3A_339, %add3A_346 : vector<16xi32>
          %mul3A_348 = arith.mulf %sub3A_298, %div3A_336 : vector<16xf32>
          tpu.vector_store_idx %arg34[%add3A_347], %mul3A_348 : memref<768xf32, #tpu.memory_space<vmem>>[vector<16xi32>], vector<16xf32>,
        }
        %scan3A_274 = arith.constant 16 : i32
        %mul3A_275 = arith.constant 3 : i32
        %mul3A_276 = arith.muli %mul3A_268, %mul3A_275 : i32
        %dma_start3A_277 = tpu.memref_slice %arg12[%mul3A_276] : memref<2400000xf32, #tpu.memory_space<hbm>> -> memref<768xf32, #tpu.memory_space<hbm>>
        %dma_start3A_278 = tpu.memref_slice %arg12[%mul3A_276] : memref<2400000xf32, #tpu.memory_space<hbm>> -> memref<768xf32, #tpu.memory_space<hbm>>
        tpu.enqueue_dma source(%arg34 : memref<768xf32, #tpu.memory_space<vmem>>) target(%dma_start3A_278 : memref<768xf32, #tpu.memory_space<hbm>>) target_semaphore(%arg48 : memref<!tpu.dma_semaphore, #tpu.memory_space<semaphore_mem>>)
      } else {
      }
    }
    %scan3A_124 = arith.constant 49 : i32
    %dma_wait3A_125 = arith.constant 0 : i32
    %dma_wait3A_126 = tpu.memref_slice %arg12[%dma_wait3A_125] : memref<2400000xf32, #tpu.memory_space<hbm>> -> memref<768xf32, #tpu.memory_space<hbm>>
    %dma_wait3A_127 = arith.constant 0 : i32
    %dma_wait3A_128 = tpu.memref_slice %arg12[%dma_wait3A_127] : memref<2400000xf32, #tpu.memory_space<hbm>> -> memref<768xf32, #tpu.memory_space<hbm>>
    tpu.wait_dma2 semaphore(%arg47 : memref<!tpu.dma_semaphore, #tpu.memory_space<semaphore_mem>>) src(%arg33 : memref<768xf32, #tpu.memory_space<vmem>>) dst(%dma_wait3A_128 : memref<768xf32, #tpu.memory_space<hbm>>)
    %dma_wait3A_129 = arith.constant 0 : i32
    %dma_wait3A_130 = tpu.memref_slice %arg12[%dma_wait3A_129] : memref<2400000xf32, #tpu.memory_space<hbm>> -> memref<768xf32, #tpu.memory_space<hbm>>
    %dma_wait3A_131 = arith.constant 0 : i32
    %dma_wait3A_132 = tpu.memref_slice %arg12[%dma_wait3A_131] : memref<2400000xf32, #tpu.memory_space<hbm>> -> memref<768xf32, #tpu.memory_space<hbm>>
    tpu.wait_dma2 semaphore(%arg48 : memref<!tpu.dma_semaphore, #tpu.memory_space<semaphore_mem>>) src(%arg34 : memref<768xf32, #tpu.memory_space<vmem>>) dst(%dma_wait3A_132 : memref<768xf32, #tpu.memory_space<hbm>>)
    return
  }
}

module attributes {stable_mosaic.version = 14 : i64} {
  func.func @_tc_body(%arg0: i32, %arg1: memref<4096xi32, #tpu.memory_space<vmem>>, %arg2: memref<4096xi32, #tpu.memory_space<vmem>>, %arg3: memref<64x64xf32, #tpu.memory_space<vmem>>, %arg4: memref<64x64xf32, #tpu.memory_space<vmem>>, %arg5: memref<4096x64xf32, #tpu.memory_space<vmem>>, %arg6: memref<4096x64xf32, #tpu.memory_space<vmem>>) attributes {dimension_semantics = [#tpu.dimension_semantics<arbitrary>], iteration_bounds = array<i64: 196>, scalar_prefetch = 0 : i64, scratch_operands = 0 : i64, tpu.core_type = #tpu.core_type<tc>, window_params = [{transform_indices = @transform_0, window_bounds = array<i64: 4096>}, {transform_indices = @transform_1, window_bounds = array<i64: 4096>}, {pipeline_mode = #tpu.pipeline_mode<synchronous>, transform_indices = @transform_2, window_bounds = array<i64: 64, 64>}, {pipeline_mode = #tpu.pipeline_mode<synchronous>, transform_indices = @transform_3, window_bounds = array<i64: 64, 64>}, {transform_indices = @transform_4, window_bounds = array<i64: 4096, 64>}, {transform_indices = @transform_5, window_bounds = array<i64: 4096, 64>}]} {
    %iota3A = tpu.iota {dimensions = array<i32: 1>} : vector<1x64xi32>
    %iota3A_0 = vector.shape_cast %iota3A : vector<1x64xi32> to vector<64xi32>
    %reshape3A = vector.shape_cast %iota3A_0 : vector<64xi32> to vector<1x64xi32>
    %get3A = arith.constant 0 : index
    %get3A_1 = vector.load %arg1[%get3A] : memref<4096xi32, #tpu.memory_space<vmem>>, vector<4096xi32>
    %reshape3A_2 = vector.shape_cast %get3A_1 : vector<4096xi32> to vector<4096x1xi32>
    %eq3A = vector.broadcast %reshape3A_2 : vector<4096x1xi32> to vector<4096x64xi32>
    %eq3A_3 = vector.broadcast %reshape3A : vector<1x64xi32> to vector<4096x64xi32>
    %eq3A_4 = arith.cmpi eq, %eq3A, %eq3A_3 : vector<4096x64xi32>
    %convert_element_type3A = arith.extui %eq3A_4 : vector<4096x64xi1> to vector<4096x64xi32>
    %convert_element_type3A_5 = arith.sitofp %convert_element_type3A : vector<4096x64xi32> to vector<4096x64xf32>
    %get3A_6 = arith.constant 0 : index
    %get3A_7 = arith.constant 0 : index
    %get3A_8 = vector.load %arg3[%get3A_6, %get3A_7] : memref<64x64xf32, #tpu.memory_space<vmem>>, vector<64x64xf32>
    %dot_general3A = arith.constant dense<0.000000e+00> : vector<4096x64xf32>
    %dot_general3A_9 = tpu.matmul %convert_element_type3A_5, %get3A_8, %dot_general3A {dimension_numbers = #tpu.dot_dimension_numbers<[1], [0], [0], [1], [0, 0, 1, 1], [], []>, precision = #tpu.contract_precision<fp32>, transpose_lhs_hint = false} : vector<4096x64xf32>, vector<64x64xf32>, vector<4096x64xf32> -> vector<4096x64xf32>
    %swap3A = arith.constant 0 : index
    %swap3A_10 = arith.constant 0 : index
    %swap3A_11 = vector.load %arg5[%swap3A, %swap3A_10] : memref<4096x64xf32, #tpu.memory_space<vmem>>, vector<4096x64xf32>
    tpu.vector_store %arg5[%swap3A, %swap3A_10], %dot_general3A_9 {strides = array<i32>} : memref<4096x64xf32, #tpu.memory_space<vmem>>, vector<4096x64xf32>,
    %get3A_12 = arith.constant 0 : index
    %get3A_13 = vector.load %arg2[%get3A_12] : memref<4096xi32, #tpu.memory_space<vmem>>, vector<4096xi32>
    %reshape3A_14 = vector.shape_cast %get3A_13 : vector<4096xi32> to vector<4096x1xi32>
    %eq3A_15 = vector.broadcast %reshape3A_14 : vector<4096x1xi32> to vector<4096x64xi32>
    %eq3A_16 = vector.broadcast %reshape3A : vector<1x64xi32> to vector<4096x64xi32>
    %eq3A_17 = arith.cmpi eq, %eq3A_15, %eq3A_16 : vector<4096x64xi32>
    %convert_element_type3A_18 = arith.extui %eq3A_17 : vector<4096x64xi1> to vector<4096x64xi32>
    %convert_element_type3A_19 = arith.sitofp %convert_element_type3A_18 : vector<4096x64xi32> to vector<4096x64xf32>
    %get3A_20 = arith.constant 0 : index
    %get3A_21 = arith.constant 0 : index
    %get3A_22 = vector.load %arg4[%get3A_20, %get3A_21] : memref<64x64xf32, #tpu.memory_space<vmem>>, vector<64x64xf32>
    %dot_general3A_23 = arith.constant dense<0.000000e+00> : vector<4096x64xf32>
    %dot_general3A_24 = tpu.matmul %convert_element_type3A_19, %get3A_22, %dot_general3A_23 {dimension_numbers = #tpu.dot_dimension_numbers<[1], [0], [0], [1], [0, 0, 1, 1], [], []>, precision = #tpu.contract_precision<fp32>, transpose_lhs_hint = false} : vector<4096x64xf32>, vector<64x64xf32>, vector<4096x64xf32> -> vector<4096x64xf32>
    %swap3A_25 = arith.constant 0 : index
    %swap3A_26 = arith.constant 0 : index
    %swap3A_27 = vector.load %arg6[%swap3A_25, %swap3A_26] : memref<4096x64xf32, #tpu.memory_space<vmem>>, vector<4096x64xf32>
    tpu.vector_store %arg6[%swap3A_25, %swap3A_26], %dot_general3A_24 {strides = array<i32>} : memref<4096x64xf32, #tpu.memory_space<vmem>>, vector<4096x64xf32>,
    return
  }
  func.func @transform_0(%arg0: i32) -> i32 {
    %c0_i32 = arith.constant 0 : i32
    return %arg0 : i32
  }
  func.func @transform_1(%arg0: i32) -> i32 {
    %c0_i32 = arith.constant 0 : i32
    return %arg0 : i32
  }
  func.func @transform_2(%arg0: i32) -> (i32, i32) {
    %c0_i32 = arith.constant 0 : i32
    %c0_i32_0 = arith.constant 0 : i32
    %c0_i32_1 = arith.constant 0 : i32
    return %c0_i32, %c0_i32_0 : i32, i32
  }
  func.func @transform_3(%arg0: i32) -> (i32, i32) {
    %c0_i32 = arith.constant 0 : i32
    %c0_i32_0 = arith.constant 0 : i32
    %c0_i32_1 = arith.constant 0 : i32
    return %c0_i32, %c0_i32_0 : i32, i32
  }
  func.func @transform_4(%arg0: i32) -> (i32, i32) {
    %c0_i32 = arith.constant 0 : i32
    %c0_i32_0 = arith.constant 0 : i32
    return %arg0, %c0_i32 : i32, i32
  }
  func.func @transform_5(%arg0: i32) -> (i32, i32) {
    %c0_i32 = arith.constant 0 : i32
    %c0_i32_0 = arith.constant 0 : i32
    return %arg0, %c0_i32 : i32, i32
  }
}

</mosaic_0001>

<sc_bundles>
// kernel: kernel.4.cloned.1.call-start
scs
__scs_entry_jumppad:
0x0: {  	(pc) =	sbr.rel $0x88, $3  }
0x1: {  	(tag) =	ssettag $0x0;
	lr =	simm.s32 $0x1  }
0x2: {  	[smem:$0x3F99] =	sst lr;
	_ =	strace $0xD0000000  }
0x3: {  	_ = 	snop  }
0x4: {  	_ = 	snop  }
0x5: {  	_ = 	snop  }
0x6: {  	_ = 	snop  }
0x7: {  	_ = 	snop  }
__scs_overlays_trampoline_lowered:
0x8: {  	[smem:$0x3FA8] =	sst s0  }
0x9: {  	[smem:$0x3FA9] =	sst s1  }
0xa: {  	[smem:$0x3FAA] =	sst s2  }
0xb: {  	[smem:$0x3FAB] =	sst s3  }
0xc: {  	[smem:$0x3FAC] =	sst s4  }
0xd: {  	[smem:$0x3FAD] =	sst s5  }
0xe: {  	[smem:$0x3FAE] =	sst s6  }
0xf: {  	[smem:$0x3FAF] =	sst s7  }
0x10: {  	[smem:$0x3FB0] =	sst s8  }
0x11: {  	[smem:$0x3FB1] =	sst s9;
	s0 =	simm.s32 @!p0 $0x0  }
0x12: {  	s1 =	sld [smem:$0x3F97];
	s0 =	simm.s32 @p0 $0x1  }
0x13: {  	[smem:$0x3FB2] =	sst s0;
	s0 =	simm.s32 @!p1 $0x0  }
0x14: {  	s2 =	sld [smem:$0x3F96];
	s0 =	simm.s32 @p1 $0x1  }
0x15: {  	[smem:$0x3FB3] =	sst s0;
	s0 =	simm.s32 @!p2 $0x0  }
0x16: {  	s3 =	sld [smem:$0x3FDB];
	s0 =	simm.s32 @p2 $0x1  }
0x17: {  	s4 =	simm.s32 $0x1BF5;
	[smem:$0x3FB5] =	sst s0  }
0x18: {  	s0 =	sld [smem:$0x3F98];
	_ =	swait.ge [sflag:s4], $0x0  }
0x19: {  	s7 =	sld [smem:$0x3F99]  }
0x1a: {  	s8 =	sadd.s32 $0xFFFFE003, lr  }
0x1b: {  	s9 =	sadd.s32 $0xFFFFFEF7, lr;
	s5 =	simm.s32 $0xFFFFFFFF;
	p2 =	slt.u32 s8, $0xFFFFF086  }
0x1c: {  	p1 =	slt.u32 s9, $0xF7A;
	s5 =	simm.s32 @!p2 $0x0  }
0x1d: {  	s5 =	simm.s32 @p1 $0x1;
	p0 =	seq.s32 s7, s2  }
0x1e: {  	s7 =	smul.u32 @!p0 $0xF7A, s2;
	p2 =	seq.s32 @!p0 s5, $0x0  }
0x1f: {  	s9 =	smul.u32 $0xF7A, s1;
	s8 =	simm.s32 @!p0 $0x1BF5;
	p2 =	por !p2, p0  }
0x20: {  	[sflag:s8] =	ssyncset.s32 @!p0 $0xFFFFF086;
	s6 =	sadd.s32 @!p0 s3, s7;
	s7 =	simm.s32 @!p0 $0x108  }
0x21: {  	s3 =	sadd.s32 s3, s9;
	s6 =	sadd.s32 @!p0 $0x88, s6;
	s7 =	simm.s32 @p2 $0x1082  }
0x22: {  	[simem:s7], [sflag:s8] =	dma.local @!p0 [hbm:s6], $0xF7A  }
0x23: {  	s9 =	sor.u32 $0xD0000000, s2;
	s6 =	simm.s32 $0x108;
	_ =	swait.ge @!p0 [sflag:s8], $0x0  }
0x24: {  	s3 =	sadd.s32 $0x88, s3;
	s6 =	simm.s32 @!p1 $0x1082;
	[sflag:s4] =	ssyncset.s32 $0xFFFFF086  }
0x25: {  	[simem:s6], [sflag:s4] =	dma.local [hbm:s3], $0xF7A  }
0x26: {  	[smem:$0x3F99] =	sst s1;
	(tag) =	ssettag s2;
	_ =	strace s9  }
0x27: {  	s1 =	sld [smem:$0x3FA9]  }
0x28: {  	s2 =	sld [smem:$0x3FAA]  }
0x29: {  	s4 =	sld [smem:$0x3FAC]  }
0x2a: {  	p0 =	seq.s32 s5, $0x0;
	s5 =	sld [smem:$0x3FAD]  }
0x2b: {  	s6 =	sld [smem:$0x3FAE]  }
0x2c: {  	s7 =	sld [smem:$0x3FAF]  }
0x2d: {  	s3 =	simm.s32 $0x108;
	s8 =	sld [smem:$0x3FB0]  }
0x2e: {  	s3 =	simm.s32 @!p0 $0x1082;
	s9 =	sld [smem:$0x3FB1]  }
0x2f: {  	lr =	sadd.s32 s0, s3;
	s0 =	sld [smem:$0x3FA8]  }
0x30: {  	s3 =	sld [smem:$0x3FAB]  }
0x31: {  	[smem:$0x3FB4] =	sst s10  }
0x32: {  	s10 =	sld [smem:$0x3FB2];
	_ =	sdelay $0x3  }
0x33: {  	p0 =	seq.s32 s10, $0x1;
	s10 =	sld [smem:$0x3FB4];
	_ =	sdelay $0x3  }
0x34: {  	[smem:$0x3FB4] =	sst s10  }
0x35: {  	s10 =	sld [smem:$0x3FB3];
	_ =	sdelay $0x3  }
0x36: {  	p1 =	seq.s32 s10, $0x1;
	s10 =	sld [smem:$0x3FB4];
	_ =	sdelay $0x3  }
0x37: {  	[smem:$0x3FB4] =	sst s10  }
0x38: {  	s10 =	sld [smem:$0x3FB5]  }
0x39: {  	_ = 	snop;
	(pc) =	sbr.ind lr, $3  }
0x3a: {  	_ = 	snop  }
0x3b: {  	_ = 	snop  }
0x3c: {  	p2 =	seq.s32 s10, $0x1;
	s10 =	sld [smem:$0x3FB4]  }
0x3d: {  	_ =	shalt  }
0x3e: {  	_ =	shalt  }
0x3f: {  	_ =	shalt  }
0x40: {  	_ =	shalt  }
0x41: {  	_ =	shalt  }
0x42: {  	_ =	shalt  }
0x43: {  	_ =	shalt  }
0x44: {  	_ =	shalt  }
0x45: {  	_ =	shalt  }
0x46: {  	_ =	shalt  }
0x47: {  	_ =	shalt  }
0x48: {  	_ =	shalt  }
0x49: {  	_ =	shalt  }
0x4a: {  	_ =	shalt  }
0x4b: {  	_ =	shalt  }
0x4c: {  	_ =	shalt  }
0x4d: {  	_ =	shalt  }
0x4e: {  	_ =	shalt  }
0x4f: {  	_ =	shalt  }
0x50: {  	_ =	shalt  }
0x51: {  	_ =	shalt  }
0x52: {  	_ =	shalt  }
0x53: {  	_ =	shalt  }
0x54: {  	_ =	shalt  }
0x55: {  	_ =	shalt  }
0x56: {  	_ =	shalt  }
0x57: {  	_ =	shalt  }
0x58: {  	_ =	shalt  }
0x59: {  	_ =	shalt  }
0x5a: {  	_ =	shalt  }
0x5b: {  	_ =	shalt  }
0x5c: {  	_ =	shalt  }
0x5d: {  	_ =	shalt  }
0x5e: {  	_ =	shalt  }
0x5f: {  	_ =	shalt  }
0x60: {  	_ =	shalt  }
0x61: {  	_ =	shalt  }
0x62: {  	_ =	shalt  }
0x63: {  	_ =	shalt  }
0x64: {  	_ =	shalt  }
0x65: {  	_ =	shalt  }
0x66: {  	_ =	shalt  }
0x67: {  	_ =	shalt  }
0x68: {  	_ =	shalt  }
0x69: {  	_ =	shalt  }
0x6a: {  	_ =	shalt  }
0x6b: {  	_ =	shalt  }
0x6c: {  	_ =	shalt  }
0x6d: {  	_ =	shalt  }
0x6e: {  	_ =	shalt  }
0x6f: {  	_ =	shalt  }
0x70: {  	_ =	shalt  }
0x71: {  	_ =	shalt  }
0x72: {  	_ =	shalt  }
0x73: {  	_ =	shalt  }
0x74: {  	_ =	shalt  }
0x75: {  	_ =	shalt  }
0x76: {  	_ =	shalt  }
0x77: {  	_ =	shalt  }
0x78: {  	_ =	shalt  }
0x79: {  	_ =	shalt  }
0x7a: {  	_ =	shalt  }
0x7b: {  	_ =	shalt  }
0x7c: {  	_ =	shalt  }
0x7d: {  	_ =	shalt  }
0x7e: {  	_ =	shalt  }
0x7f: {  	_ =	shalt  }
0x80: {  	_ =	shalt  }
0x81: {  	_ =	shalt  }
0x82: {  	_ =	shalt  }
0x83: {  	_ =	shalt  }
0x84: {  	_ =	shalt  }
0x85: {  	_ =	shalt  }
0x86: {  	_ =	shalt  }
0x87: {  	_ =	shalt  }
.Lfunc_end0:
.L_simem_size_0:
called_computation_lowered:
.L_overlay_start_0:
0x88: {  	s2 =	sld [smem:$0x3FD9]  }
0x89: {  	s3 =	sld [smem:$0x3FFE];
	_ =	sdelay $0x1  }
0x8a: {  	s1 =	srdreg.scid  }
0x8b: {  	s0 =	sand.u32 $0x1, s1  }
0x8c: {  	s14 =	sshll.u32 s0, $0xA;
	s2 =	sadd.s32 s3, s2  }
0x8d: {  	s2 =	sadd.s32 s2, s14  }
0x8e: {  	[smem:$0x3FC0] =	sst s2  }
0x8f: {  	_ = 	snop  }
0x90: {  	s2 =	sld [smem:$0x3FD0];
	_ =	sdelay $0x2  }
0x91: {  	s15 =	simm.s32 $0xA;
	s4 =	simm.s32 $0x10  }
0x92: {  	[smem:s4], [sflag:s15] =	dma.local [hbm:s2], $0x1  }
0x93: {  	_ =	swait.eq [sflag:s15], $0x1  }
0x94: {  	s16 =	sld [smem:$0x10];
	[sflag:s15] =	ssyncset.done $0x0  }
0x95: {  	s17 =	sld [smem:$0x13];
	[sflag:s15] =	ssyncadd.s32 $0xFFFFFFFF  }
0x96: {  	s18 =	sld [smem:$0x14];
	(tm) =	ssettm $0x1  }
0x97: {  	s5 =	sld [smem:$0x3FFB];
	_ =	sdelay $0x3  }
0x98: {  	_ =	strace s5  }
0x99: {  	s5 =	sld [smem:$0x3FFC];
	_ =	sdelay $0x3  }
0x9a: {  	_ =	strace s5  }
0x9b: {  	s5 =	sld [smem:$0x3FFD];
	_ =	sdelay $0x3  }
0x9c: {  	_ =	strace s5  }
0x9d: {  	_ =	strace $0x8FFFFFFF  }
0x9e: {  	s19 =	sld [smem:$0x3FDB];
	_ =	sdelay $0x1  }
0x9f: {  	s6 =	simm.s32 $_scs_section_size  }
0xa0: {  	s7 =	simm.s32 $_size__tile_overlayer_lowered;
	s8 =	simm.s32 $_tile_overlayer_lowered  }
0xa1: {  	s22 =	simm.s32 $0x1BFF;
	s21 =	sshll.u32 s8, $0x1;
	s5 =	sadd.s32 s6, s19  }
0xa2: {  	s9 =	simm.s32 $0x0;
	s20 =	sshll.u32 s7, $0x1;
	s7 =	sadd.s32 s21, s5  }
0xa3: {  	[timem:s9], [sflag:s22] =	dma.local [hbm:s7], s20  }
0xa4: {  	_ =	swait.ge [sflag:s22], s20  }
0xa5: {  	s6 =	ssub.s32 $0x0, s20;
	[sflag:s22] =	ssyncset.done $0x0  }
0xa6: {  	[sflag:s22] =	ssyncadd.s32 s6;
	_ =	sdelay $0x1  }
0xa7: {  	s23 =	simm.s32 $0x1B8B  }
0xa8: {  	_ =	swait.ge [sflag:s23], $0x1  }
0xa9: {  	[sflag:s23] =	ssyncset.done $0x0  }
0xaa: {  	s25 =	simm.s32 $0x1B8E;
	s24 =	sld [smem:$0x3FFE];
	[sflag:s23] =	ssyncadd.s32 $0xFFFFFFFF  }
0xab: {  	s26 =	simm.s32 $execute0_lowered;
	[smem:$0x3FD2] =	sst s25  }
0xac: {  	s7 =	sshll.u32 s26, $0x1;
	_ =	strace $0x80000046;
	[dreg:$0x1] =	wrdreg $0xFFFFFFFF  }
0xad: {  	s28 =	simm.s32 $_size_execute0_lowered;
	s5 =	sadd.s32 s5, s7;
	[dreg:$0x0] =	wrdreg $0x0  }
0xae: {  	s7 =	sshll.u32 s28, $0x1;
	[dreg:$0x2] =	wrdreg s5  }
0xaf: {  	[dreg:$0x3] =	wrdreg s7  }
0xb0: {  	[dreg:$0x4] =	wrdreg $0xC0  }
0xb1: {  	_ =	task [dreg:s9], $0x5FFFF  }
0xb2: {  	[dreg:$0x1] =	wrdreg $0xFFFFFFFF  }
0xb3: {  	[dreg:$0x0] =	wrdreg $0x60  }
0xb4: {  	[dreg:$0x2] =	wrdreg s24  }
0xb5: {  	[dreg:$0x3] =	wrdreg s16  }
0xb6: {  	[dreg:$0x4] =	wrdreg s18  }
0xb7: {  	[dreg:$0x5] =	wrdreg s17  }
0xb8: {  	[dreg:$0x6] =	wrdreg $0x78380  }
0xb9: {  	[dreg:$0x7] =	wrdreg $0x7A180  }
0xba: {  	[dreg:$0x8] =	wrdreg $0x86500  }
0xbb: {  	[dreg:$0x9] =	wrdreg $0x92880  }
0xbc: {  	[dreg:$0xa] =	wrdreg $0x6C000  }
0xbd: {  	[dreg:$0xb] =	wrdreg $0x9  }
0xbe: {  	_ =	task.clear_ibuf [dreg:s9], $0xCFFFF;
	_ =	strace $0x90000046  }
0xbf: {  	s29 =	simm.s32 $0x9;
	_ =	strace $0x80000048  }
0xc0: {  	_ =	swait.ge [sflag:s29], $0x1  }
0xc1: {  	[sflag:s29] =	ssyncadd.s32 $0xFFFFFFFF  }
0xc2: {  	_ =	strace $0x90000048  }
0xc3: {  	_ =	sfence  }
0xc4: {  	s30 =	sld [smem:$0x0];
	_ =	sdelay $0x2  }
0xc5: {  	s31 =	sshll.u32 s1, $0xD;
	s1 =	sshrl.u32 s1, $0x2  }
0xc6: {  	s3 =	sand.u32 $0x4000, s31;
	s1 =	sadd.s32 s1, s30  }
0xc7: {  	s0 =	sor.u32 s3, s0;
	s1 =	sshll.u32 s1, $0x11  }
0xc8: {  	s0 =	sor.u32 s1, s0  }
0xc9: {  	s0 =	sadd.s32 $0x8F2B, s0  }
0xca: {  	[sflag:s0] =	ssyncadd.remote.s32 $0x1  }
0xcb: {  	_ =	sfence.sel $0xFFFF  }
0xcc: {  	[dreg:$0x0] =	wrdreg $0xFFFFFFFF;
	(pc) =	sbr.abs _section_cstart, $3  }
0xcd: {  	[dreg:$0x1] =	wrdreg $0xFFFFFFFF  }
0xce: {  	_ =	task.clear_ibuf [dreg:s9], $0x2FFFF;
	_ =	strace $0x9FFFFFFF  }
0xcf: {  	(tm) =	ssettm $0x7FFFFFFF  }
tec
execute0_lowered:
.L_overlay_start_1:
0x0: {  	(tag) =	ssettag $0x1  }
0x1: {  	s1 =	rddreg [dreg:$0x0]  }
0x2: {  	s0 =	rddreg [dreg:$0x1]  }
0x3: {  	s10 =	rddreg [dreg:$0x2]  }
0x4: {  	s11 =	rddreg [dreg:$0x3]  }
0x5: {  	s2 =	rddreg [dreg:$0x4]  }
0x6: {  	s3 =	rddreg [dreg:$0x5]  }
0x7: {  	s4 =	rddreg [dreg:$0x6]  }
0x8: {  	s5 =	rddreg [dreg:$0x7]  }
0x9: {  	s7 =	rddreg [dreg:$0x8]  }
0xa: {  	s8 =	simm.s32 $0x0;
	s6 =	stileid.u32;
	s14 =	srdreg.scid  }
0xb: {  	s28 =	simm.s32 $0x5880;
	s29 =	simm.s32 $0x5900;
	s30 =	simm.s32 $0x5980  }
0xc: {  	s31 =	simm.s32 $0x5A00;
	[smem:$0x7FF] =	sst s8;
	s9 =	sshll.u32 s6, $0x5  }
0xd: {  	s13 =	sshll.u32 s6, $0x8;
	s25 =	sadd.s32 $0x1BE00, s1;
	s15 =	sadd.s32 $0x1A400, s1  }
0xe: {  	s19 =	sadd.s32 $0x18A00, s1;
	s16 =	sand.u32 $0x1, s14;
	s20 =	sadd.s32 $0x1D800, s1  }
0xf: {  	s17 =	smul.u32 $0xC80, s6;
	s14 =	sadd.s32 $0x37E00, s1;
	s26 =	sshll.u32 s6, $0xB  }
0x10: {  	_ =	strace $0x80000047;
	s12 =	sadd.s32 s9, s1;
	[dreg:$0xb] =	wrdreg s15  }
0x11: {  	s9 =	sadd.s32 $0x200, s1;
	s13 =	sadd.s32 s13, s1;
	[dreg:$0xc] =	wrdreg s19  }
0x12: {  	[dreg:$0xd] =	wrdreg s20;
	s21 =	ssub.s32 $0x2, s16;
	s19 =	sshll.u32 s6, $0x1  }
0x13: {  	p0 =	seq.s32 s16, $0x1;
	s20 =	sadd.s32 $0x61800, s10;
	[dreg:$0xa] =	wrdreg s25  }
0x14: {  	s18 =	sshrl.u32 s21, $0x1;
	s15 =	sor.u32 s16, s19;
	s22 =	sshrl.u32 s17, $0x3  }
0x15: {  	s16 =	simm.s32 @!p0 $0x0;
	s23 =	sadd.s32 s17, s7;
	s19 =	sadd.s32 $0x1F460, s1  }
0x16: {  	s1 =	sadd.s32 s26, s10;
	s26 =	sadd.s32 $0xBB80, s7;
	[dreg:$0xe] =	wrdreg s23  }
0x17: {  	s18 =	ssub.s32 s21, s18;
	s16 =	simm.s32 @p0 $0x1;
	[dreg:$0x11] =	wrdreg s1  }
0x18: {  	s24 =	sadd.s32 s11, s22;
	s11 =	sadd.s32 $0x1770, s11;
	[dreg:$0x19] =	wrdreg s26  }
0x19: {  	p0 =	sgt.s32 s6, $0x1;
	s23 =	sadd.s32 $0x1F600, s13;
	[smem:$0x7FB] =	sst s16  }
0x1a: {  	s13 =	simm.s32 $0x4;
	s26 =	simm.s32 $0x5700;
	[dreg:$0xf] =	wrdreg s24  }
0x1b: {  	[dreg:$0x10] =	wrdreg s11;
	s11 =	sshll.u32 s15, $0x5;
	s22 =	smax.u32 s18, $0x1  }
0x1c: {  	p1 =	seq.s32 @p0 s6, $0x2;
	p2 =	seq.s32 @!p0 s6, $0x0;
	[dreg:$0x17] =	wrdreg s23  }
0x1d: {  	s24 =	sadd.s32 $0x1DC00, s12;
	s12 =	simm.s32 $0x5100;
	s23 =	simm.s32 $0x8  }
0x1e: {  	s18 =	simm.s32 $0x0;
	s16 =	sadd.s32 s0, s11;
	s17 =	sadd.s32 s9, s11  }
0x1f: {  	s1 =	sor.u32 $0x400, s11;
	[dreg:$0x16] =	wrdreg s22;
	p3 =	por p1, !p0  }
0x20: {  	p4 =	por p2, p0;
	[dreg:$0x18] =	wrdreg s24;
	p5 =	por !p1, !p0  }
0x21: {  	s11 =	simm.s32 $0x3;
	s24 =	simm.s32 $0x5800;
	[dreg:$0x12] =	wrdreg s16  }
0x22: {  	s22 =	simm.s32 $0x7;
	[dreg:$0x13] =	wrdreg s17;
	s21 =	sadd.s32 s0, s1  }
0x23: {  	s1 =	sadd.s32 s9, s1;
	p3 =	seq.s32 @!p3 s6, $0x3;
	p4 =	seq.s32 @!p4 s6, $0x1  }
0x24: {  	s17 =	simm.s32 $0x80;
	s16 =	simm.s32 $0x5400;
	[dreg:$0x15] =	wrdreg s1  }
.Ltmp0:
0x25: {  	v0 =	vimm.s32 $0x52741630;
	v1 =	vlaneseq.u32;
	v3 =	vimm.s32 $0x63052741;
	s1 =	simm.s32 @!p5 $0x0;
	p1 =	por @p0 !p3, p1;
	(pc) =	sbr.rel .LBB2_1-.Ltmp0, $4  }
0x26: {  	v4 =	vimm.s32 $0x74163052;
	v2 =	vunpack.c.l.s4.s8 v0;
	v0 =	vmul.u32 $0x3, v1;
	[dreg:$0x14] =	wrdreg s21;
	s1 =	simm.s32 @p5 $0x1;
	p1 =	por p1, !p0  }
0x27: {  	v6 =	vimm.f32 $0.0e+00;
	v3 =	vunpack.c.l.s4.s8 v3;
	v5 =	vunpack.c.l.s4.s8 v4;
	p4 =	por @!p0 !p4, p2;
	[smem:$0x7FC] =	sst s1;
	s1 =	simm.s32 @!p1 $0x0  }
0x28: {  	v7 =	vimm.f32 $1.000000000e+00;
	v1 =	vunpack.c.0.s8.s32 v2;
	v2 =	vadd.s32 $0x1, v0;
	p3 =	por !p2, p0;
	s21 =	simm.s32 $0x5780;
	s1 =	simm.s32 @p1 $0x1  }
0x29: {  	v3 =	vunpack.c.0.s8.s32 v3;
	v4 =	vadd.s32 $0x2, v0;
	v5 =	vunpack.c.0.s8.s32 v5;
	p4 =	por p4, p0;
	p5 =	seq.s32 s6, $0xF;
	[smem:$0x7FD] =	sst s1  }
.LBB2_20:
0x2a: {  	s1 =	simm.s32 $0x5  }
0x2b: {  	_ =	swait.ge [sflag:s1], $0x300  }
0x2c: {  	[sflag:s1] =	ssyncset.done $0x0  }
0x2d: {  	s10 =	simm.s32 $0x6;
	[sflag:s1] =	ssyncadd.s32 $0xFFFFFD00  }
0x2e: {  	_ =	swait.ge [sflag:s10], $0x300  }
0x2f: {  	s18 =	rddreg [dreg:$0x1a]  }
0x30: {  	s24 =	rddreg [dreg:$0x16];
	s18 =	sadd.s32 $0x1, s18  }
0x31: {  	p0 =	sne.s32 s18, s24  }
.Ltmp1:
0x32: {  	_ = 	snop;
	(pc) =	sbr.rel @!p0 .LBB2_21-.Ltmp1, $4  }
0x33: {  	_ = 	snop  }
0x34: {  	s21 =	simm.s32 $0x5780;
	s23 =	simm.s32 $0x8;
	s28 =	simm.s32 $0x5880  }
0x35: {  	s29 =	simm.s32 $0x5900;
	s30 =	simm.s32 $0x5980;
	[sflag:s10] =	ssyncset.done $0x0  }
0x36: {  	s31 =	simm.s32 $0x5A00;
	[sflag:s10] =	ssyncadd.s32 $0xFFFFFD00;
	s24 =	simm.s32 $0x5800  }
.LBB2_1:
0x37: {  	s1 =	sld [smem:$0x7FC];
	_ =	sdelay $0x2  }
0x38: {  	[dreg:$0x1a] =	wrdreg s18;
	p0 =	seq.s32 s1, $0x1  }
0x39: {  	s18 =	rddreg [dreg:$0xb];
	s1 =	sshrl.u32 @!p0 s4, $0x3;
	s10 =	simm.s32 @!p0 $0x1C88  }
0x3a: {  	[spmem:s1], [sflag:s10] =	dma.local @!p0 [hbm:s18], $0x186A  }
0x3b: {  	s1 =	simm.s32 @!p0 $0x8  }
0x3c: {  	_ =	swait.ge @!p0 [sflag:s1], $0x186A  }
0x3d: {  	s10 =	sld [smem:$0x7FD];
	_ =	sdelay $0x1  }
0x3e: {  	[sflag:s1] =	ssyncset.done @!p0 $0x0  }
0x3f: {  	[sflag:s1] =	ssyncadd.s32 @!p0 $0xFFFFE796;
	p0 =	seq.s32 s10, $0x1  }
0x40: {  	s18 =	rddreg [dreg:$0xc];
	s1 =	sshrl.u32 @!p0 s5, $0x3;
	s10 =	simm.s32 @!p0 $0x1CC8  }
0x41: {  	[spmem:s1], [sflag:s10] =	dma.local @!p0 [hbm:s18], $0x186A  }
0x42: {  	s1 =	simm.s32 @!p0 $0x8  }
0x43: {  	_ =	swait.ge @!p0 [sflag:s1], $0x186A  }
0x44: {  	s10 =	simm.s32 @!p3 $0x1C08;
	[sflag:s1] =	ssyncset.done @!p0 $0x0  }
0x45: {  	s18 =	rddreg [dreg:$0xd];
	[sflag:s1] =	ssyncadd.s32 @!p0 $0xFFFFE796;
	s1 =	sshrl.u32 @!p3 s2, $0x3  }
0x46: {  	[spmem:s1], [sflag:s10] =	dma.local @!p3 [hbm:s18], $0x3B8  }
0x47: {  	s1 =	simm.s32 @!p3 $0x8  }
0x48: {  	_ =	swait.ge @!p3 [sflag:s1], $0x3B8  }
0x49: {  	[sflag:s1] =	ssyncset.done @!p3 $0x0  }
0x4a: {  	s10 =	simm.s32 @!p4 $0x1C48;
	[sflag:s1] =	ssyncadd.s32 @!p3 $0xFFFFFC48;
	s1 =	sshrl.u32 @!p4 s3, $0x3  }
0x4b: {  	[spmem:s1], [sflag:s10] =	dma.local @!p4 [hbm:s25], $0x186A  }
0x4c: {  	s1 =	simm.s32 @!p4 $0x8  }
0x4d: {  	_ =	swait.ge @!p4 [sflag:s1], $0x186A  }
0x4e: {  	[sflag:s1] =	ssyncset.done @!p4 $0x0  }
0x4f: {  	[sflag:s1] =	ssyncadd.s32 @!p4 $0xFFFFE796  }
0x50: {  	[bflag:$0x0] =	sbarrier.arrive $0xFFFF  }
0x51: {  	s18 =	sld [smem:$0x7FB];
	_ =	sdelay $0x2  }
0x52: {  	p0 =	seq.s32 s18, $0x1  }
.Ltmp2:
0x53: {  	_ = 	snop;
	(pc) =	sbr.rel @!p0 .LBB2_2-.Ltmp2, $1  }
0x54: {  	_ =	sdelay $0x3  }
0x55: {  	s1 =	sadd.s32 $0xFFFFFF30, s6  }
0x56: {  	s10 =	sadd.s32 $0xD0, s1  }
0x57: {  	p0 =	sgt.u32 s10, $0xC2  }
0x58: {  	p1 =	sne.s32 @p0 s1, $0xFFFFFFF3  }
0x59: {  	p1 =	por p1, !p0  }
0x5a: {  	s1 =	simm.s32 @!p1 $0x0;
	s10 =	simm.s32 @!p1 $0x9  }
0x5b: {  	[tilespmem:s1], [sflag:$0x9] =	stream.linear.gather @!p1 [hbm4b:s19+s1], $0x80, $0x38;
	[tilespmem:$0x9EC0] =	vst v63  }
0x5c: {  	_ =	swait.ge @!p1 [sflag:s10], $0x80  }
0x5d: {  	s18 =	simm.s32 @!p1 $0x3;
	[sflag:s10] =	ssyncset.done @!p1 $0x0  }
0x5e: {  	s21 =	simm.s32 @!p1 $0x500;
	[sflag:s10] =	ssyncadd.s32 @!p1 $0xFFFFFF80;
	s10 =	simm.s32 @!p1 $0x80  }
0x5f: {  	[tilespmem:s21], [sflag:$0x3] =	stream.indirect.gather @!p1 [spmem:s2], $0x40, s1, s10, $0xb8;
	[tilespmem:$0x9EC0] =	vst v63  }
0x60: {  	_ =	swait.ge @!p1 [sflag:s18], $0x2000  }
0x61: {  	[sflag:s18] =	ssyncset.done @!p1 $0x0  }
0x62: {  	s10 =	simm.s32 @!p1 $0x8;
	[sflag:s18] =	ssyncadd.s32 @!p1 $0xFFFFE000  }
0x63: {  	[hbm4b:s20+s1] =	stream.linear.scatter @!p1 [tilespmem:s21], [sflag:$0x8], $0x1400, $0x38;
	[tilespmem:$0x9EC0] =	vst v63  }
0x64: {  	p6 =	por p0, p0;
	_ =	swait.ge @!p1 [sflag:s10], $0x1400  }
0x65: {  	s24 =	simm.s32 @!p6 $0x0;
	[sflag:s10] =	ssyncset.done @!p1 $0x0  }
0x66: {  	s21 =	simm.s32 @!p6 $0x9;
	s29 =	rddreg [dreg:$0x18];
	[sflag:s10] =	ssyncadd.s32 @!p1 $0xFFFFEC00  }
0x67: {  	[tilespmem:s24], [sflag:$0x9] =	stream.linear.gather @!p6 [hbm4b:s29+s24], $0x100, $0x38;
	[tilespmem:$0x9EC0] =	vst v63  }
0x68: {  	_ =	swait.ge @!p6 [sflag:s21], $0x100  }
0x69: {  	[sflag:s21] =	ssyncset.done @!p6 $0x0  }
0x6a: {  	s28 =	simm.s32 @!p6 $0x500;
	s1 =	simm.s32 @!p6 $0x80;
	[sflag:s21] =	ssyncadd.s32 @!p6 $0xFFFFFF00  }
0x6b: {  	[tilespmem:s28], [sflag:$0x3] =	stream.indirect.gather @!p6 [spmem:s2], $0x40, s24, s1, $0xb8;
	[tilespmem:$0x9EC0] =	vst v63  }
0x6c: {  	s23 =	simm.s32 @!p6 $0x3;
	s10 =	simm.s32 @!p6 $0x2500  }
0x6d: {  	[tilespmem:s10], [sflag:$0x3] =	stream.indirect.gather @!p6 [spmem:s2], $0x40, s1, s1, $0xb8;
	[tilespmem:$0x9EC0] =	vst v63  }
0x6e: {  	s1 =	sadd.s32 $0xFFFFFF40, s6;
	_ =	swait.ge @!p6 [sflag:s23], $0x2000  }
0x6f: {  	s31 =	sadd.s32 $0xD0, s1;
	[sflag:s23] =	ssyncset.done @!p6 $0x0  }
0x70: {  	s18 =	simm.s32 $0xFFFFFF50;
	p2 =	sgt.u32 s31, $0xC2;
	[sflag:s23] =	ssyncadd.s32 @!p6 $0xFFFFE000  }
0x71: {  	s10 =	sadd.s32 $0x200, s29;
	p0 =	sne.s32 @p2 s1, $0xFFFFFFF3;
	_ =	swait.ge @!p6 [sflag:s23], $0x2000  }
0x72: {  	p0 =	por p0, !p2;
	[sflag:s23] =	ssyncset.done @!p6 $0x0;
	s25 =	rddreg [dreg:$0x11]  }
0x73: {  	s1 =	sadd.s32 $0x8000, s25;
	[sflag:s23] =	ssyncadd.s32 @!p6 $0xFFFFE000;
	s23 =	smov.u32 s25  }
.LBB2_10:
0x74: {  	[hbm4b:s23+s24] =	stream.linear.scatter @!p6 [tilespmem:s28], [sflag:$0x9], $0x4000, $0x38;
	[tilespmem:$0x9EC0] =	vst v63  }
0x75: {  	s29 =	smov.u32 s18;
	s18 =	sadd.s32 $0x10, s18;
	_ =	swait.ge @!p6 [sflag:s21], $0x4000  }
0x76: {  	s23 =	smov.u32 s1;
	p1 =	sne.s32 s18, $0x0;
	[sflag:s21] =	ssyncset.done @!p6 $0x0  }
0x77: {  	s24 =	simm.s32 @!p0 $0x0;
	s28 =	simm.s32 @!p0 $0x9;
	[sflag:s21] =	ssyncadd.s32 @!p6 $0xFFFFC000  }
0x78: {  	[tilespmem:s24], [sflag:$0x9] =	stream.linear.gather @!p0 [hbm4b:s19+s24], $0x80, $0x38;
	[tilespmem:$0x9EC0] =	vst v63  }
0x79: {  	p6 =	por p2, p2;
	_ =	swait.ge @!p0 [sflag:s28], $0x80  }
0x7a: {  	s21 =	simm.s32 @!p0 $0x3;
	[sflag:s28] =	ssyncset.done @!p0 $0x0  }
0x7b: {  	s30 =	simm.s32 @!p0 $0x500;
	[sflag:s28] =	ssyncadd.s32 @!p0 $0xFFFFFF80;
	s28 =	simm.s32 @!p0 $0x80  }
0x7c: {  	[tilespmem:s30], [sflag:$0x3] =	stream.indirect.gather @!p0 [spmem:s2], $0x40, s24, s28, $0xb8;
	[tilespmem:$0x9EC0] =	vst v63  }
0x7d: {  	_ =	swait.ge @!p0 [sflag:s21], $0x2000  }
0x7e: {  	[sflag:s21] =	ssyncset.done @!p0 $0x0  }
0x7f: {  	[sflag:s21] =	ssyncadd.s32 @!p0 $0xFFFFE000;
	s21 =	simm.s32 @!p0 $0x8  }
0x80: {  	[hbm4b:s20+s24] =	stream.linear.scatter @!p0 [tilespmem:s30], [sflag:$0x8], $0x1400, $0x38;
	[tilespmem:$0x9EC0] =	vst v63  }
0x81: {  	_ =	swait.ge @!p0 [sflag:s21], $0x1400  }
0x82: {  	[sflag:s21] =	ssyncset.done @!p0 $0x0  }
0x83: {  	s24 =	simm.s32 @!p6 $0x0;
	[sflag:s21] =	ssyncadd.s32 @!p0 $0xFFFFEC00;
	s21 =	simm.s32 @!p6 $0x9  }
0x84: {  	[tilespmem:s24], [sflag:$0x9] =	stream.linear.gather @!p6 [hbm4b:s10+s24], $0x100, $0x38;
	[tilespmem:$0x9EC0] =	vst v63  }
0x85: {  	_ =	swait.ge @!p6 [sflag:s21], $0x100  }
0x86: {  	[sflag:s21] =	ssyncset.done @!p6 $0x0  }
0x87: {  	s28 =	simm.s32 @!p6 $0x500;
	s30 =	simm.s32 @!p6 $0x80;
	[sflag:s21] =	ssyncadd.s32 @!p6 $0xFFFFFF00  }
0x88: {  	[tilespmem:s28], [sflag:$0x3] =	stream.indirect.gather @!p6 [spmem:s2], $0x40, s24, s30, $0xb8;
	[tilespmem:$0x9EC0] =	vst v63  }
0x89: {  	s31 =	simm.s32 @!p6 $0x2500;
	s25 =	simm.s32 @!p6 $0x3  }
0x8a: {  	[tilespmem:s31], [sflag:$0x3] =	stream.indirect.gather @!p6 [spmem:s2], $0x40, s30, s30, $0xb8;
	[tilespmem:$0x9EC0] =	vst v63  }
0x8b: {  	_ =	swait.ge @!p6 [sflag:s25], $0x2000  }
.Ltmp3:
0x8c: {  	s29 =	sadd.s32 s29, s6;
	[sflag:s25] =	ssyncset.done @!p6 $0x0;
	(pc) =	sbr.rel @p1 .LBB2_10-.Ltmp3, $4  }
0x8d: {  	s30 =	sadd.s32 $0xD0, s29;
	[sflag:s25] =	ssyncadd.s32 @!p6 $0xFFFFE000  }
0x8e: {  	p2 =	sgt.u32 s30, $0xC2;
	_ =	swait.ge @!p6 [sflag:s25], $0x2000  }
0x8f: {  	s1 =	sadd.s32 $0x8000, s1;
	p0 =	sne.s32 @p2 s29, $0xFFFFFFF3;
	[sflag:s25] =	ssyncset.done @!p6 $0x0  }
0x90: {  	s10 =	sadd.s32 $0x200, s10;
	p0 =	por p0, !p2;
	[sflag:s25] =	ssyncadd.s32 @!p6 $0xFFFFE000  }
0x91: {  	[hbm4b:s23+s24] =	stream.linear.scatter @!p6 [tilespmem:s28], [sflag:$0x9], $0x4000, $0x38;
	[tilespmem:$0x9EC0] =	vst v63  }
0x92: {  	_ =	swait.ge @!p6 [sflag:s21], $0x4000  }
0x93: {  	[sflag:s21] =	ssyncset.done @!p6 $0x0  }
0x94: {  	s18 =	simm.s32 @!p0 $0x0;
	s23 =	simm.s32 @!p0 $0x9;
	[sflag:s21] =	ssyncadd.s32 @!p6 $0xFFFFC000  }
0x95: {  	[tilespmem:s18], [sflag:$0x9] =	stream.linear.gather @!p0 [hbm4b:s19+s18], $0x80, $0x38;
	[tilespmem:$0x9EC0] =	vst v63  }
0x96: {  	_ =	swait.ge @!p0 [sflag:s23], $0x80  }
0x97: {  	s24 =	simm.s32 @!p0 $0x500;
	[sflag:s23] =	ssyncset.done @!p0 $0x0  }
0x98: {  	s21 =	simm.s32 @!p0 $0x3;
	[sflag:s23] =	ssyncadd.s32 @!p0 $0xFFFFFF80;
	s23 =	simm.s32 @!p0 $0x80  }
0x99: {  	[tilespmem:s24], [sflag:$0x3] =	stream.indirect.gather @!p0 [spmem:s2], $0x40, s18, s23, $0xb8;
	[tilespmem:$0x9EC0] =	vst v63  }
0x9a: {  	_ =	swait.ge @!p0 [sflag:s21], $0x2000  }
0x9b: {  	[sflag:s21] =	ssyncset.done @!p0 $0x0  }
0x9c: {  	[sflag:s21] =	ssyncadd.s32 @!p0 $0xFFFFE000;
	s21 =	simm.s32 @!p0 $0x8  }
0x9d: {  	[hbm4b:s20+s18] =	stream.linear.scatter @!p0 [tilespmem:s24], [sflag:$0x8], $0x1400, $0x38;
	[tilespmem:$0x9EC0] =	vst v63  }
0x9e: {  	_ =	swait.ge @!p0 [sflag:s21], $0x1400  }
0x9f: {  	p1 =	por p2, p2;
	[sflag:s21] =	ssyncset.done @!p0 $0x0  }
0xa0: {  	s18 =	simm.s32 @!p1 $0x0;
	[sflag:s21] =	ssyncadd.s32 @!p0 $0xFFFFEC00;
	s21 =	simm.s32 @!p1 $0x9  }
0xa1: {  	[tilespmem:s18], [sflag:$0x9] =	stream.linear.gather @!p1 [hbm4b:s10+s18], $0x100, $0x38;
	[tilespmem:$0x9EC0] =	vst v63  }
0xa2: {  	_ =	swait.ge @!p1 [sflag:s21], $0x100  }
0xa3: {  	[sflag:s21] =	ssyncset.done @!p1 $0x0  }
0xa4: {  	s23 =	simm.s32 @!p1 $0x500;
	s10 =	simm.s32 @!p1 $0x80;
	[sflag:s21] =	ssyncadd.s32 @!p1 $0xFFFFFF00  }
0xa5: {  	[tilespmem:s23], [sflag:$0x3] =	stream.indirect.gather @!p1 [spmem:s2], $0x40, s18, s10, $0xb8;
	[tilespmem:$0x9EC0] =	vst v63  }
0xa6: {  	s25 =	simm.s32 @!p1 $0x3;
	s24 =	simm.s32 @!p1 $0x2500  }
0xa7: {  	[tilespmem:s24], [sflag:$0x3] =	stream.indirect.gather @!p1 [spmem:s2], $0x40, s10, s10, $0xb8;
	[tilespmem:$0x9EC0] =	vst v63  }
0xa8: {  	_ =	swait.ge @!p1 [sflag:s25], $0x2000  }
0xa9: {  	[sflag:s25] =	ssyncset.done @!p1 $0x0  }
0xaa: {  	[sflag:s25] =	ssyncadd.s32 @!p1 $0xFFFFE000  }
0xab: {  	_ =	swait.ge @!p1 [sflag:s25], $0x2000  }
0xac: {  	[sflag:s25] =	ssyncset.done @!p1 $0x0  }
.Ltmp4:
0xad: {  	[sflag:s25] =	ssyncadd.s32 @!p1 $0xFFFFE000;
	(pc) =	sbr.rel .LBB2_12-.Ltmp4, $4  }
0xae: {  	[hbm4b:s1+s18] =	stream.linear.scatter @!p1 [tilespmem:s23], [sflag:$0x9], $0x4000, $0x38;
	[tilespmem:$0x9EC0] =	vst v63  }
0xaf: {  	_ =	swait.ge @!p1 [sflag:s21], $0x4000  }
0xb0: {  	[sflag:s21] =	ssyncset.done @!p1 $0x0  }
0xb1: {  	s25 =	rddreg [dreg:$0xa];
	[sflag:s21] =	ssyncadd.s32 @!p1 $0xFFFFC000  }
.LBB2_2:
0xb2: {  	s1 =	simm.s32 $0x40;
	s10 =	simm.s32 $0x0  }
.LBB2_3:
0xb3: {  	p0 =	sne.s32 s1, $0x31C0;
	[tilespmem:s10+$0x5F80] =	vst v6;
	s10 =	smov.u32 s1;
	s1 =	sadd.s32 $0x40, s1  }
.Ltmp5:
0xb4: {  	(pc) =	sbr.rel @p0 .LBB2_3-.Ltmp5, $2  }
0xb5: {  	_ =	sdelay $0x2  }
0xb6: {  	s10 =	sshra.s32 s10, $0x2  }
0xb7: {  	[tilespmem:s10+$0x5F80] =	vst v6;
	s1 =	simm.s32 @p5 $0x5F80;
	s10 =	rddreg [dreg:$0x19]  }
0xb8: {  	[spmem:s10] =	stream.linear.scatter @p5 [tilespmem:s1], [sflag:$0x8], $0x800, $0x38;
	[tilespmem:$0x9EC0] =	vst v63  }
0xb9: {  	s1 =	simm.s32 @p5 $0x8  }
0xba: {  	_ =	swait.ge @p5 [sflag:s1], $0x800  }
0xbb: {  	[sflag:s1] =	ssyncset.done @p5 $0x0  }
0xbc: {  	s10 =	rddreg [dreg:$0xe];
	[sflag:s1] =	ssyncadd.s32 @p5 $0xFFFFF800;
	s1 =	simm.s32 @!p5 $0x5F80  }
0xbd: {  	[spmem:s10] =	stream.linear.scatter @!p5 [tilespmem:s1], [sflag:$0x8], $0xC80, $0x38;
	[tilespmem:$0x9EC0] =	vst v63  }
0xbe: {  	s1 =	simm.s32 @!p5 $0x8  }
0xbf: {  	_ =	swait.ge @!p5 [sflag:s1], $0xC80  }
0xc0: {  	[sflag:s1] =	ssyncset.done @!p5 $0x0  }
0xc1: {  	[sflag:s1] =	ssyncadd.s32 @!p5 $0xFFFFF380  }
0xc2: {  	[tilespmem:$0x5700] =	vst v7  }
0xc3: {  	[tilespmem:$0x5710] =	vst v7  }
0xc4: {  	[tilespmem:$0x5720] =	vst v7  }
0xc5: {  	[tilespmem:$0x5730] =	vst v7  }
0xc6: {  	[tilespmem:$0x5740] =	vst v7  }
.Ltmp6:
0xc7: {  	[tilespmem:$0x5750] =	vst v7;
	(pc) =	sbr.rel .LBB2_5-.Ltmp6, $4  }
0xc8: {  	[tilespmem:$0x5760] =	vst v7  }
0xc9: {  	[tilespmem:$0x5770] =	vst v7  }
0xca: {  	[bflag:$0x0] =	sbarrier.arrive $0xFFFF  }
0xcb: {  	s1 =	simm.s32 $0x0;
	s10 =	rddreg [dreg:$0x17]  }
.LBB2_7:
0xcc: {  	s1 =	sadd.s32 $0x10, s1  }
0xcd: {  	p0 =	sne.s32 s1, $0x190  }
.Ltmp7:
0xce: {  	_ = 	snop;
	(pc) =	sbr.rel @!p0 .LBB2_8-.Ltmp7, $2  }
0xcf: {  	_ =	sdelay $0x2  }
0xd0: {  	s10 =	sadd.s32 $0x1000, s10  }
.LBB2_5:
0xd1: {  	s18 =	sadd.s32 s1, s6  }
0xd2: {  	p0 =	sgt.u32 s18, $0x186  }
.Ltmp8:
0xd3: {  	_ = 	snop;
	(pc) =	sbr.rel @p0 .LBB2_7-.Ltmp8, $1  }
0xd4: {  	_ =	sdelay $0x3  }
0xd5: {  	[tilespmem:s21], [sflag:$0x8] =	stream.linear.gather [hbm4b:s10+s8], $0x800, $0x38;
	[tilespmem:$0x9EC0] =	vst v63  }
0xd6: {  	_ =	swait.ge [sflag:s23], $0x800  }
0xd7: {  	[sflag:s23] =	ssyncset.done $0x0  }
0xd8: {  	[sflag:s23] =	ssyncadd.s32 $0xFFFFF800  }
0xd9: {  	[spmem:s7] =	stream.indirect.scatter.add.f32 [tilespmem:s26], [sflag:$0x7], $0x1, s21, s17, $0xb8;
	[tilespmem:$0x9EC0] =	vst v63  }
0xda: {  	_ = 	snop  }
0xdb: {  	[spmem:s7] =	stream.indirect.scatter.add.f32 [tilespmem:s26], [sflag:$0x7], $0x1, s24, s17, $0xb8;
	[tilespmem:$0x9EC0] =	vst v63  }
0xdc: {  	_ = 	snop  }
0xdd: {  	[spmem:s7] =	stream.indirect.scatter.add.f32 [tilespmem:s26], [sflag:$0x7], $0x1, s28, s17, $0xb8;
	[tilespmem:$0x9EC0] =	vst v63  }
0xde: {  	_ = 	snop  }
0xdf: {  	[spmem:s7] =	stream.indirect.scatter.add.f32 [tilespmem:s26], [sflag:$0x7], $0x1, s29, s17, $0xb8;
	[tilespmem:$0x9EC0] =	vst v63  }
0xe0: {  	_ = 	snop  }
0xe1: {  	[spmem:s7] =	stream.indirect.scatter.add.f32 [tilespmem:s26], [sflag:$0x7], $0x1, s30, s17, $0xb8;
	[tilespmem:$0x9EC0] =	vst v63  }
0xe2: {  	_ = 	snop  }
0xe3: {  	[spmem:s7] =	stream.indirect.scatter.add.f32 [tilespmem:s26], [sflag:$0x7], $0x1, s31, s17, $0xb8;
	[tilespmem:$0x9EC0] =	vst v63  }
0xe4: {  	s18 =	simm.s32 $0x5A80  }
0xe5: {  	[spmem:s7] =	stream.indirect.scatter.add.f32 [tilespmem:s26], [sflag:$0x7], $0x1, s18, s17, $0xb8;
	[tilespmem:$0x9EC0] =	vst v63  }
0xe6: {  	s18 =	simm.s32 $0x5B00  }
0xe7: {  	[spmem:s7] =	stream.indirect.scatter.add.f32 [tilespmem:s26], [sflag:$0x7], $0x1, s18, s17, $0xb8;
	[tilespmem:$0x9EC0] =	vst v63  }
0xe8: {  	s18 =	simm.s32 $0x5B80  }
0xe9: {  	[spmem:s7] =	stream.indirect.scatter.add.f32 [tilespmem:s26], [sflag:$0x7], $0x1, s18, s17, $0xb8;
	[tilespmem:$0x9EC0] =	vst v63  }
0xea: {  	s18 =	simm.s32 $0x5C00  }
0xeb: {  	[spmem:s7] =	stream.indirect.scatter.add.f32 [tilespmem:s26], [sflag:$0x7], $0x1, s18, s17, $0xb8;
	[tilespmem:$0x9EC0] =	vst v63  }
0xec: {  	s18 =	simm.s32 $0x5C80  }
0xed: {  	[spmem:s7] =	stream.indirect.scatter.add.f32 [tilespmem:s26], [sflag:$0x7], $0x1, s18, s17, $0xb8;
	[tilespmem:$0x9EC0] =	vst v63  }
0xee: {  	s18 =	simm.s32 $0x5D00  }
0xef: {  	[spmem:s7] =	stream.indirect.scatter.add.f32 [tilespmem:s26], [sflag:$0x7], $0x1, s18, s17, $0xb8;
	[tilespmem:$0x9EC0] =	vst v63  }
0xf0: {  	s18 =	simm.s32 $0x5D80  }
0xf1: {  	[spmem:s7] =	stream.indirect.scatter.add.f32 [tilespmem:s26], [sflag:$0x7], $0x1, s18, s17, $0xb8;
	[tilespmem:$0x9EC0] =	vst v63  }
0xf2: {  	s18 =	simm.s32 $0x5E00  }
0xf3: {  	[spmem:s7] =	stream.indirect.scatter.add.f32 [tilespmem:s26], [sflag:$0x7], $0x1, s18, s17, $0xb8;
	[tilespmem:$0x9EC0] =	vst v63  }
0xf4: {  	s18 =	simm.s32 $0x5E80  }
0xf5: {  	[spmem:s7] =	stream.indirect.scatter.add.f32 [tilespmem:s26], [sflag:$0x7], $0x1, s18, s17, $0xb8;
	[tilespmem:$0x9EC0] =	vst v63  }
0xf6: {  	s18 =	simm.s32 $0x5F00  }
0xf7: {  	[spmem:s7] =	stream.indirect.scatter.add.f32 [tilespmem:s26], [sflag:$0x7], $0x1, s18, s17, $0xb8;
	[tilespmem:$0x9EC0] =	vst v63  }
0xf8: {  	_ =	swait.ge [sflag:s22], $0x80  }
0xf9: {  	[sflag:s22] =	ssyncset.done $0x0  }
0xfa: {  	[sflag:s22] =	ssyncadd.s32 $0xFFFFFF80  }
0xfb: {  	_ =	swait.ge [sflag:s22], $0x80  }
0xfc: {  	[sflag:s22] =	ssyncset.done $0x0  }
0xfd: {  	[sflag:s22] =	ssyncadd.s32 $0xFFFFFF80  }
0xfe: {  	_ =	swait.ge [sflag:s22], $0x80  }
0xff: {  	[sflag:s22] =	ssyncset.done $0x0  }
0x100: {  	[sflag:s22] =	ssyncadd.s32 $0xFFFFFF80  }
0x101: {  	_ =	swait.ge [sflag:s22], $0x80  }
0x102: {  	[sflag:s22] =	ssyncset.done $0x0  }
0x103: {  	[sflag:s22] =	ssyncadd.s32 $0xFFFFFF80  }
0x104: {  	_ =	swait.ge [sflag:s22], $0x80  }
0x105: {  	[sflag:s22] =	ssyncset.done $0x0  }
0x106: {  	[sflag:s22] =	ssyncadd.s32 $0xFFFFFF80  }
0x107: {  	_ =	swait.ge [sflag:s22], $0x80  }
0x108: {  	[sflag:s22] =	ssyncset.done $0x0  }
0x109: {  	[sflag:s22] =	ssyncadd.s32 $0xFFFFFF80  }
0x10a: {  	_ =	swait.ge [sflag:s22], $0x80  }
0x10b: {  	[sflag:s22] =	ssyncset.done $0x0  }
0x10c: {  	[sflag:s22] =	ssyncadd.s32 $0xFFFFFF80  }
0x10d: {  	_ =	swait.ge [sflag:s22], $0x80  }
0x10e: {  	[sflag:s22] =	ssyncset.done $0x0  }
0x10f: {  	[sflag:s22] =	ssyncadd.s32 $0xFFFFFF80  }
0x110: {  	_ =	swait.ge [sflag:s22], $0x80  }
0x111: {  	[sflag:s22] =	ssyncset.done $0x0  }
0x112: {  	[sflag:s22] =	ssyncadd.s32 $0xFFFFFF80  }
0x113: {  	_ =	swait.ge [sflag:s22], $0x80  }
0x114: {  	[sflag:s22] =	ssyncset.done $0x0  }
0x115: {  	[sflag:s22] =	ssyncadd.s32 $0xFFFFFF80  }
0x116: {  	_ =	swait.ge [sflag:s22], $0x80  }
0x117: {  	[sflag:s22] =	ssyncset.done $0x0  }
0x118: {  	[sflag:s22] =	ssyncadd.s32 $0xFFFFFF80  }
0x119: {  	_ =	swait.ge [sflag:s22], $0x80  }
0x11a: {  	[sflag:s22] =	ssyncset.done $0x0  }
0x11b: {  	[sflag:s22] =	ssyncadd.s32 $0xFFFFFF80  }
0x11c: {  	_ =	swait.ge [sflag:s22], $0x80  }
0x11d: {  	[sflag:s22] =	ssyncset.done $0x0  }
0x11e: {  	[sflag:s22] =	ssyncadd.s32 $0xFFFFFF80  }
0x11f: {  	_ =	swait.ge [sflag:s22], $0x80  }
0x120: {  	[sflag:s22] =	ssyncset.done $0x0  }
0x121: {  	[sflag:s22] =	ssyncadd.s32 $0xFFFFFF80  }
0x122: {  	_ =	swait.ge [sflag:s22], $0x80  }
.Ltmp9:
0x123: {  	[sflag:s22] =	ssyncset.done $0x0;
	(pc) =	sbr.rel .LBB2_7-.Ltmp9, $4  }
0x124: {  	[sflag:s22] =	ssyncadd.s32 $0xFFFFFF80  }
0x125: {  	_ =	swait.ge [sflag:s22], $0x80  }
0x126: {  	[sflag:s22] =	ssyncset.done $0x0  }
0x127: {  	[sflag:s22] =	ssyncadd.s32 $0xFFFFFF80  }
.LBB2_8:
0x128: {  	[bflag:$0x0] =	sbarrier.arrive $0xFFFF  }
0x129: {  	s1 =	rddreg [dreg:$0x19]  }
0x12a: {  	s10 =	simm.s32 @p5 $0x1FC8;
	s18 =	rddreg [dreg:$0x10];
	s1 =	sshrl.u32 @p5 s1, $0x3  }
0x12b: {  	[hbm:s18], [sflag:s10] =	dma.local @p5 [spmem:s1], $0x100  }
0x12c: {  	s1 =	simm.s32 @p5 $0x8  }
0x12d: {  	_ =	swait.ge @p5 [sflag:s1], $0x100  }
0x12e: {  	s10 =	sshll.u32 @!p5 s6, $0x6;
	[sflag:s1] =	ssyncset.done @p5 $0x0  }
0x12f: {  	[sflag:s1] =	ssyncadd.s32 @p5 $0xFFFFFF00;
	s1 =	sor.u32 @!p5 $0x1C08, s10;
	s10 =	rddreg [dreg:$0xe]  }
0x130: {  	s18 =	rddreg [dreg:$0xf];
	s10 =	sshrl.u32 @!p5 s10, $0x3  }
0x131: {  	[hbm:s18], [sflag:s1] =	dma.local @!p5 [spmem:s10], $0x190  }
0x132: {  	s1 =	simm.s32 @!p5 $0x8  }
0x133: {  	_ =	swait.ge @!p5 [sflag:s1], $0x190  }
0x134: {  	[sflag:s1] =	ssyncset.done @!p5 $0x0  }
0x135: {  	[sflag:s1] =	ssyncadd.s32 @!p5 $0xFFFFFE70  }
.LBB2_12:
0x136: {  	s31 =	simm.s32 $0x0;
	s1 =	rddreg [dreg:$0x12];
	s10 =	simm.s32 $0x100  }
0x137: {  	[tilespmem:s10], [sflag:$0x1] =	stream.linear.gather [hbm4b:s1+s31], $0x100, $0x38;
	[tilespmem:$0x9EC0] =	vst v63  }
0x138: {  	s21 =	rddreg [dreg:$0x13];
	s18 =	simm.s32 $0x200  }
0x139: {  	[tilespmem:s18], [sflag:$0x1] =	stream.linear.gather [hbm4b:s21+s31], $0x100, $0x38;
	[tilespmem:$0x9EC0] =	vst v63  }
0x13a: {  	s23 =	rddreg [dreg:$0x14];
	s21 =	simm.s32 $0x300  }
0x13b: {  	[tilespmem:s21], [sflag:$0x2] =	stream.linear.gather [hbm4b:s23+s31], $0x100, $0x38;
	[tilespmem:$0x9EC0] =	vst v63  }
0x13c: {  	s24 =	rddreg [dreg:$0x15];
	s28 =	simm.s32 $0x400;
	s29 =	simm.s32 $0x1  }
0x13d: {  	[tilespmem:s28], [sflag:$0x2] =	stream.linear.gather [hbm4b:s24+s31], $0x100, $0x38;
	[tilespmem:$0x9EC0] =	vst v63  }
0x13e: {  	_ =	swait.ge [sflag:s29], $0x100  }
0x13f: {  	[sflag:s29] =	ssyncset.done $0x0  }
0x140: {  	[sflag:s29] =	ssyncadd.s32 $0xFFFFFF00  }
0x141: {  	_ =	swait.ge [sflag:s29], $0x100  }
0x142: {  	[sflag:s29] =	ssyncset.done $0x0  }
0x143: {  	s30 =	simm.s32 $0x4500;
	[sflag:s29] =	ssyncadd.s32 $0xFFFFFF00  }
0x144: {  	[tilespmem:s30], [sflag:$0x3] =	stream.indirect.gather [spmem:s3], $0x1, s18, s17, $0xb8;
	[tilespmem:$0x9EC0] =	vst v63  }
0x145: {  	s21 =	simm.s32 $0x4600  }
0x146: {  	[tilespmem:s21], [sflag:$0x3] =	stream.indirect.gather [spmem:s4], $0x1, s18, s17, $0xb8;
	[tilespmem:$0x9EC0] =	vst v63  }
0x147: {  	s23 =	simm.s32 $0x4700  }
0x148: {  	[tilespmem:s23], [sflag:$0x3] =	stream.indirect.gather [spmem:s5], $0x1, s18, s17, $0xb8;
	[tilespmem:$0x9EC0] =	vst v63  }
0x149: {  	s24 =	simm.s32 $0x4800  }
0x14a: {  	[tilespmem:s24], [sflag:$0x3] =	stream.indirect.gather [spmem:s3], $0x1, s10, s17, $0xb8;
	[tilespmem:$0x9EC0] =	vst v63  }
0x14b: {  	s28 =	simm.s32 $0x4900  }
0x14c: {  	[tilespmem:s28], [sflag:$0x3] =	stream.indirect.gather [spmem:s4], $0x1, s10, s17, $0xb8;
	[tilespmem:$0x9EC0] =	vst v63  }
0x14d: {  	s29 =	simm.s32 $0x4A00  }
0x14e: {  	[tilespmem:s29], [sflag:$0x3] =	stream.indirect.gather [spmem:s5], $0x1, s10, s17, $0xb8;
	[tilespmem:$0x9EC0] =	vst v63  }
0x14f: {  	s30 =	simm.s32 $0x280;
	s18 =	simm.s32 $0x4580  }
0x150: {  	[tilespmem:s18], [sflag:$0x3] =	stream.indirect.gather [spmem:s3], $0x1, s30, s17, $0xb8;
	[tilespmem:$0x9EC0] =	vst v63  }
0x151: {  	s21 =	simm.s32 $0x4680  }
0x152: {  	[tilespmem:s21], [sflag:$0x3] =	stream.indirect.gather [spmem:s4], $0x1, s30, s17, $0xb8;
	[tilespmem:$0x9EC0] =	vst v63  }
0x153: {  	s23 =	simm.s32 $0x4780  }
0x154: {  	[tilespmem:s23], [sflag:$0x3] =	stream.indirect.gather [spmem:s5], $0x1, s30, s17, $0xb8;
	[tilespmem:$0x9EC0] =	vst v63  }
0x155: {  	s24 =	simm.s32 $0x180;
	s28 =	simm.s32 $0x4880  }
0x156: {  	[tilespmem:s28], [sflag:$0x3] =	stream.indirect.gather [spmem:s3], $0x1, s24, s17, $0xb8;
	[tilespmem:$0x9EC0] =	vst v63  }
.Ltmp10:
0x157: {  	_ = 	snop;
	(pc) =	sbr.rel .LBB2_13-.Ltmp10, $4  }
0x158: {  	s29 =	simm.s32 $0x4980  }
0x159: {  	[tilespmem:s29], [sflag:$0x3] =	stream.indirect.gather [spmem:s4], $0x1, s24, s17, $0xb8;
	[tilespmem:$0x9EC0] =	vst v63  }
0x15a: {  	s30 =	simm.s32 $0x4A80  }
0x15b: {  	[tilespmem:s30], [sflag:$0x3] =	stream.indirect.gather [spmem:s5], $0x1, s24, s17, $0xb8;
	[tilespmem:$0x9EC0] =	vst v63  }
.LBB2_19:
0x15c: {  	s31 =	sadd.s32 $0x1, s31  }
0x15d: {  	p0 =	sne.s32 s31, $0x31  }
.Ltmp11:
0x15e: {  	_ = 	snop;
	(pc) =	sbr.rel @!p0 .LBB2_20-.Ltmp11, $1  }
0x15f: {  	_ =	sdelay $0x3  }
.LBB2_13:
0x160: {  	_ =	swait.ge [sflag:s11], $0x80  }
0x161: {  	[sflag:s11] =	ssyncset.done $0x0  }
0x162: {  	[sflag:s11] =	ssyncadd.s32 $0xFFFFFF80  }
0x163: {  	_ =	swait.ge [sflag:s11], $0x80  }
0x164: {  	[sflag:s11] =	ssyncset.done $0x0  }
0x165: {  	[sflag:s11] =	ssyncadd.s32 $0xFFFFFF80  }
0x166: {  	_ =	swait.ge [sflag:s11], $0x80  }
0x167: {  	[sflag:s11] =	ssyncset.done $0x0  }
0x168: {  	[sflag:s11] =	ssyncadd.s32 $0xFFFFFF80  }
0x169: {  	_ =	swait.ge [sflag:s11], $0x80  }
0x16a: {  	[sflag:s11] =	ssyncset.done $0x0  }
0x16b: {  	[sflag:s11] =	ssyncadd.s32 $0xFFFFFF80  }
0x16c: {  	_ =	swait.ge [sflag:s11], $0x80  }
0x16d: {  	[sflag:s11] =	ssyncset.done $0x0  }
0x16e: {  	[sflag:s11] =	ssyncadd.s32 $0xFFFFFF80  }
0x16f: {  	_ =	swait.ge [sflag:s11], $0x80  }
0x170: {  	[sflag:s11] =	ssyncset.done $0x0  }
0x171: {  	[sflag:s11] =	ssyncadd.s32 $0xFFFFFF80  }
0x172: {  	_ =	swait.ge [sflag:s11], $0x80  }
0x173: {  	[sflag:s11] =	ssyncset.done $0x0  }
0x174: {  	[sflag:s11] =	ssyncadd.s32 $0xFFFFFF80  }
0x175: {  	_ =	swait.ge [sflag:s11], $0x80  }
0x176: {  	[sflag:s11] =	ssyncset.done $0x0  }
0x177: {  	[sflag:s11] =	ssyncadd.s32 $0xFFFFFF80  }
0x178: {  	_ =	swait.ge [sflag:s11], $0x80  }
0x179: {  	[sflag:s11] =	ssyncset.done $0x0  }
0x17a: {  	[sflag:s11] =	ssyncadd.s32 $0xFFFFFF80  }
0x17b: {  	_ =	swait.ge [sflag:s11], $0x80  }
0x17c: {  	[sflag:s11] =	ssyncset.done $0x0  }
0x17d: {  	[sflag:s11] =	ssyncadd.s32 $0xFFFFFF80  }
0x17e: {  	_ =	swait.ge [sflag:s11], $0x80  }
0x17f: {  	[sflag:s11] =	ssyncset.done $0x0  }
0x180: {  	s1 =	sshll.u32 s31, $0x6;
	[sflag:s11] =	ssyncadd.s32 $0xFFFFFF80  }
0x181: {  	s1 =	sor.u32 s15, s1;
	_ =	swait.ge [sflag:s11], $0x80  }
0x182: {  	p0 =	sgt.u32 s1, $0xC14;
	[sflag:s11] =	ssyncset.done $0x0  }
0x183: {  	s10 =	simm.s32 @!p0 $0x2;
	[sflag:s11] =	ssyncadd.s32 $0xFFFFFF80  }
0x184: {  	_ =	swait.ge @!p0 [sflag:s10], $0x100  }
0x185: {  	[sflag:s10] =	ssyncset.done @!p0 $0x0  }
0x186: {  	[sflag:s10] =	ssyncadd.s32 @!p0 $0xFFFFFF00  }
0x187: {  	p1 =	seq.s32 @!p0 s31, $0x0;
	_ =	swait.ge @!p0 [sflag:s10], $0x100  }
0x188: {  	p1 =	por p1, p0;
	[sflag:s10] =	ssyncset.done @!p0 $0x0  }
0x189: {  	[sflag:s10] =	ssyncadd.s32 @!p0 $0xFFFFFF00;
	s10 =	simm.s32 @!p1 $0x6  }
0x18a: {  	_ =	swait.ge @!p1 [sflag:s10], $0x300  }
0x18b: {  	s18 =	simm.s32 @!p0 $0x400;
	[sflag:s10] =	ssyncset.done @!p1 $0x0  }
0x18c: {  	s21 =	simm.s32 @!p0 $0x4B00;
	[sflag:s10] =	ssyncadd.s32 @!p1 $0xFFFFFD00;
	s10 =	simm.s32 @!p0 $0x80  }
0x18d: {  	[tilespmem:s21], [sflag:$0x4] =	stream.indirect.gather @!p0 [spmem:s3], $0x1, s18, s10, $0xb8;
	[tilespmem:$0x9EC0] =	vst v63  }
0x18e: {  	s21 =	simm.s32 @!p0 $0x4C00  }
0x18f: {  	[tilespmem:s21], [sflag:$0x4] =	stream.indirect.gather @!p0 [spmem:s4], $0x1, s18, s10, $0xb8;
	[tilespmem:$0x9EC0] =	vst v63  }
0x190: {  	s21 =	simm.s32 @!p0 $0x4D00  }
0x191: {  	[tilespmem:s21], [sflag:$0x4] =	stream.indirect.gather @!p0 [spmem:s5], $0x1, s18, s10, $0xb8;
	[tilespmem:$0x9EC0] =	vst v63  }
0x192: {  	s18 =	simm.s32 @!p0 $0x300;
	s21 =	simm.s32 @!p0 $0x4E00  }
0x193: {  	[tilespmem:s21], [sflag:$0x4] =	stream.indirect.gather @!p0 [spmem:s3], $0x1, s18, s10, $0xb8;
	[tilespmem:$0x9EC0] =	vst v63  }
0x194: {  	s21 =	simm.s32 @!p0 $0x4F00  }
0x195: {  	[tilespmem:s21], [sflag:$0x4] =	stream.indirect.gather @!p0 [spmem:s4], $0x1, s18, s10, $0xb8;
	[tilespmem:$0x9EC0] =	vst v63  }
0x196: {  	s21 =	simm.s32 @!p0 $0x5000  }
0x197: {  	[tilespmem:s21], [sflag:$0x4] =	stream.indirect.gather @!p0 [spmem:s5], $0x1, s18, s10, $0xb8;
	[tilespmem:$0x9EC0] =	vst v63  }
0x198: {  	s18 =	simm.s32 @!p0 $0x480;
	s21 =	simm.s32 @!p0 $0x4B80  }
0x199: {  	[tilespmem:s21], [sflag:$0x4] =	stream.indirect.gather @!p0 [spmem:s3], $0x1, s18, s10, $0xb8;
	[tilespmem:$0x9EC0] =	vst v63  }
0x19a: {  	s21 =	simm.s32 @!p0 $0x4C80  }
0x19b: {  	[tilespmem:s21], [sflag:$0x4] =	stream.indirect.gather @!p0 [spmem:s4], $0x1, s18, s10, $0xb8;
	[tilespmem:$0x9EC0] =	vst v63  }
0x19c: {  	s21 =	simm.s32 @!p0 $0x4D80  }
0x19d: {  	[tilespmem:s21], [sflag:$0x4] =	stream.indirect.gather @!p0 [spmem:s5], $0x1, s18, s10, $0xb8;
	[tilespmem:$0x9EC0] =	vst v63  }
0x19e: {  	s18 =	simm.s32 @!p0 $0x380;
	s21 =	simm.s32 @!p0 $0x4E80  }
0x19f: {  	[tilespmem:s21], [sflag:$0x4] =	stream.indirect.gather @!p0 [spmem:s3], $0x1, s18, s10, $0xb8;
	[tilespmem:$0x9EC0] =	vst v63  }
0x1a0: {  	s21 =	simm.s32 @!p0 $0x4F80  }
0x1a1: {  	[tilespmem:s21], [sflag:$0x4] =	stream.indirect.gather @!p0 [spmem:s4], $0x1, s18, s10, $0xb8;
	[tilespmem:$0x9EC0] =	vst v63  }
0x1a2: {  	p1 =	sgt.u32 @!p0 s1, $0xBF4;
	s21 =	simm.s32 @!p0 $0x5080  }
0x1a3: {  	[tilespmem:s21], [sflag:$0x4] =	stream.indirect.gather @!p0 [spmem:s5], $0x1, s18, s10, $0xb8;
	[tilespmem:$0x9EC0] =	vst v63  }
0x1a4: {  	p0 =	por p1, p0  }
0x1a5: {  	s10 =	sshll.u32 @!p0 s1, $0x5  }
0x1a6: {  	s10 =	sadd.s32 @!p0 $0x800, s10  }
0x1a7: {  	s21 =	simm.s32 @!p0 $0x0;
	s23 =	simm.s32 @!p0 $0x100;
	s18 =	sadd.s32 @!p0 s0, s10  }
0x1a8: {  	[tilespmem:s23], [sflag:$0x1] =	stream.linear.gather @!p0 [hbm4b:s18+s21], $0x100, $0x38;
	[tilespmem:$0x9EC0] =	vst v63  }
0x1a9: {  	s10 =	sadd.s32 @!p0 s9, s10;
	s18 =	simm.s32 @!p0 $0x200  }
0x1aa: {  	[tilespmem:s18], [sflag:$0x1] =	stream.linear.gather @!p0 [hbm4b:s10+s21], $0x100, $0x38;
	[tilespmem:$0x9EC0] =	vst v63  }
0x1ab: {  	s21 =	simm.s32 $0x4500  }
0x1ac: {  	s29 =	simm.s32 $0x4800;
	v8 =	vld [tilespmem:s21+$0x0]  }
0x1ad: {  	s30 =	simm.s32 $0x4600;
	v9 =	vld [tilespmem:s29+$0x0]  }
0x1ae: {  	s28 =	simm.s32 $0x4900;
	v10 =	vld [tilespmem:s30+$0x0]  }
0x1af: {  	s10 =	simm.s32 $0x4700;
	v11 =	vld [tilespmem:s28+$0x0]  }
0x1b0: {  	s23 =	simm.s32 $0x4A00;
	v12 =	vld [tilespmem:s10+$0x0]  }
0x1b1: {  	s24 =	simm.s32 $0x10;
	s18 =	simm.s32 $0x0;
	v13 =	vld [tilespmem:s23+$0x0]  }
.LBB2_14:
0x1b2: {  	p6 =	sne.s32 s24, $0xF0;
	_ =	sdelay $0x1  }
0x1b3: {  	v8 =	vsub.f32 v8, v9;
	v9 =	vsub.f32 v10, v11;
	_ =	sdelay $0x1  }
0x1b4: {  	v11 =	vmul.f32 v8, v8;
	v10 =	vsub.f32 v12, v13;
	v12 =	vmul.f32 v9, v9;
	_ =	sdelay $0x1  }
0x1b5: {  	v11 =	vadd.f32 v12, v11;
	v12 =	vmul.f32 v10, v10;
	_ =	sdelay $0x1  }
0x1b6: {  	v11 =	vadd.f32 v12, v11;
	_ =	sdelay $0x1  }
0x1b7: {  	v12 =	vshrl.u32 v11, $0x1;
	v13 =	vmul.f32 $5.000000000e-01, v11  }
0x1b8: {  	v12 =	vsub.s32 $0x5F3759DF, v12  }
0x1b9: {  	v14 =	vmul.f32 v12, v13;
	_ =	sdelay $0x1  }
0x1ba: {  	v14 =	vmul.f32 v12, v14;
	_ =	sdelay $0x1  }
0x1bb: {  	v14 =	vsub.f32 $1.500000000e+00, v14;
	_ =	sdelay $0x1  }
0x1bc: {  	v12 =	vmul.f32 v12, v14;
	_ =	sdelay $0x1  }
0x1bd: {  	v14 =	vmul.f32 v12, v13;
	_ =	sdelay $0x1  }
0x1be: {  	v14 =	vmul.f32 v14, v12;
	_ =	sdelay $0x1  }
0x1bf: {  	v14 =	vsub.f32 $1.500000000e+00, v14;
	_ =	sdelay $0x1  }
0x1c0: {  	v12 =	vmul.f32 v14, v12;
	_ =	sdelay $0x1  }
0x1c1: {  	v13 =	vmul.f32 v12, v13;
	_ =	sdelay $0x1  }
0x1c2: {  	v13 =	vmul.f32 v13, v12;
	_ =	sdelay $0x1  }
0x1c3: {  	v13 =	vsub.f32 $1.500000000e+00, v13;
	_ =	sdelay $0x1  }
0x1c4: {  	v12 =	vmul.f32 v13, v12;
	_ =	sdelay $0x1  }
0x1c5: {  	v11 =	vmul.f32 v12, v11;
	_ =	sdelay $0x1  }
0x1c6: {  	v11 =	vadd.f32 $9.999999930e-09, v11;
	_ =	sdelay $0x1  }
0x1c7: {  	v12 =	vmov s18;
	s18 =	smov.u32 s24;
	(erf) = vrcp.f32 v11  }
0x1c8: {  	v11 =	vmul.u32 $0x3, v12;
	_ =	sdelay $0x1  }
0x1c9: {  	v11 =	vbroadcast v11, $0x0;
	_ =	sdelay $0x1  }
0x1ca: {  	v12 =	vadd.s32 v0, v11  }
0x1cb: {  	v13 =	vadd.s32 v2, v11;
	v12 =	vand.u32 $0xFFFFFFF8, v12  }
0x1cc: {  	v11 =	vadd.s32 v4, v11;
	v13 =	vand.u32 $0xFFFFFFF8, v13;
	v12 =	vor.u32 v1, v12  }
0x1cd: {  	v11 =	vand.u32 $0xFFFFFFF8, v11;
	v13 =	vor.u32 v3, v13  }
0x1ce: {  	v11 =	vor.u32 v5, v11;
	v14 =	vpop (erf)  }
0x1cf: {  	v8 =	vmul.f32 v14, v8  }
0x1d0: {  	v9 =	vmul.f32 v14, v9  }
0x1d1: {  	[tilespmem:v12+s12+$0x0] =	vst.idx.msk $0xffff, v8;
	v8 =	vmul.f32 v14, v10  }
0x1d2: {  	[tilespmem:v13+s12+$0x0] =	vst.idx.msk $0xffff, v9  }
0x1d3: {  	s21 =	sadd.s32 $0x10, s21;
	[tilespmem:v11+s12+$0x0] =	vst.idx.msk $0xffff, v8  }
0x1d4: {  	s29 =	sadd.s32 $0x10, s29;
	v8 =	vld [tilespmem:s21+$0x0]  }
.Ltmp12:
0x1d5: {  	s30 =	sadd.s32 $0x10, s30;
	v9 =	vld [tilespmem:s29+$0x0];
	(pc) =	sbr.rel @p6 .LBB2_14-.Ltmp12, $4  }
0x1d6: {  	s28 =	sadd.s32 $0x10, s28;
	v10 =	vld [tilespmem:s30+$0x0]  }
0x1d7: {  	s10 =	sadd.s32 $0x10, s10;
	v11 =	vld [tilespmem:s28+$0x0]  }
0x1d8: {  	s23 =	sadd.s32 $0x10, s23;
	v12 =	vld [tilespmem:s10+$0x0]  }
0x1d9: {  	s24 =	sadd.s32 $0x10, s24;
	v13 =	vld [tilespmem:s23+$0x0]  }
0x1da: {  	_ =	sdelay $0x1  }
0x1db: {  	v8 =	vsub.f32 v8, v9;
	v53 =	vsub.f32 v10, v11;
	_ =	sdelay $0x1  }
0x1dc: {  	v55 =	vmul.f32 v8, v8;
	v54 =	vsub.f32 v12, v13;
	v56 =	vmul.f32 v53, v53;
	_ =	sdelay $0x1  }
0x1dd: {  	v11 =	vadd.f32 v56, v55;
	v57 =	vmul.f32 v54, v54;
	_ =	sdelay $0x1  }
0x1de: {  	v11 =	vadd.f32 v57, v11;
	_ =	sdelay $0x1  }
0x1df: {  	v12 =	vshrl.u32 v11, $0x1;
	v58 =	vmul.f32 $5.000000000e-01, v11  }
0x1e0: {  	v12 =	vsub.s32 $0x5F3759DF, v12  }
0x1e1: {  	v14 =	vmul.f32 v12, v58;
	_ =	sdelay $0x1  }
0x1e2: {  	v14 =	vmul.f32 v12, v14;
	_ =	sdelay $0x1  }
0x1e3: {  	v14 =	vsub.f32 $1.500000000e+00, v14;
	_ =	sdelay $0x1  }
0x1e4: {  	v12 =	vmul.f32 v12, v14;
	_ =	sdelay $0x1  }
0x1e5: {  	v14 =	vmul.f32 v12, v58;
	_ =	sdelay $0x1  }
0x1e6: {  	v14 =	vmul.f32 v14, v12;
	_ =	sdelay $0x1  }
0x1e7: {  	v14 =	vsub.f32 $1.500000000e+00, v14;
	_ =	sdelay $0x1  }
0x1e8: {  	v12 =	vmul.f32 v14, v12;
	_ =	sdelay $0x1  }
0x1e9: {  	v13 =	vmul.f32 v12, v58;
	_ =	sdelay $0x1  }
0x1ea: {  	v13 =	vmul.f32 v13, v12;
	_ =	sdelay $0x1  }
0x1eb: {  	v13 =	vsub.f32 $1.500000000e+00, v13;
	_ =	sdelay $0x1  }
0x1ec: {  	v12 =	vmul.f32 v13, v12;
	_ =	sdelay $0x1  }
0x1ed: {  	v11 =	vmul.f32 v12, v11;
	_ =	sdelay $0x1  }
0x1ee: {  	v11 =	vadd.f32 $9.999999930e-09, v11;
	_ =	sdelay $0x1  }
0x1ef: {  	v59 =	vmov s18;
	(erf) = vrcp.f32 v11  }
0x1f0: {  	v60 =	vmul.u32 $0x3, v59;
	_ =	sdelay $0x1  }
0x1f1: {  	v11 =	vbroadcast v60, $0x0;
	_ =	sdelay $0x1  }
0x1f2: {  	v61 =	vadd.s32 v0, v11  }
0x1f3: {  	v62 =	vadd.s32 v2, v11;
	v12 =	vand.u32 $0xFFFFFFF8, v61  }
0x1f4: {  	v11 =	vadd.s32 v4, v11;
	v13 =	vand.u32 $0xFFFFFFF8, v62;
	v12 =	vor.u32 v1, v12  }
0x1f5: {  	v11 =	vand.u32 $0xFFFFFFF8, v11;
	v13 =	vor.u32 v3, v13  }
0x1f6: {  	s10 =	smul.u32 $0x60, s1;
	s1 =	sor.u32 $0x20, s1;
	v11 =	vor.u32 v5, v11;
	v63 =	vpop (erf)  }
0x1f7: {  	p0 =	sgt.u32 s1, $0xC34;
	v8 =	vmul.f32 v63, v8  }
.Ltmp13:
0x1f8: {  	v9 =	vmul.f32 v63, v53;
	(pc) =	sbr.rel @p0 .LBB2_19-.Ltmp13, $4  }
0x1f9: {  	[tilespmem:v12+s12+$0x0] =	vst.idx.msk $0xffff, v8;
	v8 =	vmul.f32 v63, v54  }
0x1fa: {  	[tilespmem:v13+s12+$0x0] =	vst.idx.msk $0xffff, v9  }
0x1fb: {  	s10 =	sadd.s32 s14, s10;
	[tilespmem:v11+s12+$0x0] =	vst.idx.msk $0xffff, v8  }
0x1fc: {  	[hbm4b:s10+s8] =	stream.linear.scatter [tilespmem:s12], [sflag:$0x5], $0x300, $0x38;
	[tilespmem:$0x9EC0] =	vst v63  }
0x1fd: {  	_ =	swait.ge [sflag:s13], $0x80  }
0x1fe: {  	[sflag:s13] =	ssyncset.done $0x0  }
0x1ff: {  	[sflag:s13] =	ssyncadd.s32 $0xFFFFFF80  }
0x200: {  	_ =	swait.ge [sflag:s13], $0x80  }
0x201: {  	[sflag:s13] =	ssyncset.done $0x0  }
0x202: {  	[sflag:s13] =	ssyncadd.s32 $0xFFFFFF80  }
0x203: {  	_ =	swait.ge [sflag:s13], $0x80  }
0x204: {  	[sflag:s13] =	ssyncset.done $0x0  }
0x205: {  	[sflag:s13] =	ssyncadd.s32 $0xFFFFFF80  }
0x206: {  	_ =	swait.ge [sflag:s13], $0x80  }
0x207: {  	[sflag:s13] =	ssyncset.done $0x0  }
0x208: {  	[sflag:s13] =	ssyncadd.s32 $0xFFFFFF80  }
0x209: {  	_ =	swait.ge [sflag:s13], $0x80  }
0x20a: {  	[sflag:s13] =	ssyncset.done $0x0  }
0x20b: {  	[sflag:s13] =	ssyncadd.s32 $0xFFFFFF80  }
0x20c: {  	_ =	swait.ge [sflag:s13], $0x80  }
0x20d: {  	[sflag:s13] =	ssyncset.done $0x0  }
0x20e: {  	[sflag:s13] =	ssyncadd.s32 $0xFFFFFF80  }
0x20f: {  	_ =	swait.ge [sflag:s13], $0x80  }
0x210: {  	[sflag:s13] =	ssyncset.done $0x0  }
0x211: {  	[sflag:s13] =	ssyncadd.s32 $0xFFFFFF80  }
0x212: {  	_ =	swait.ge [sflag:s13], $0x80  }
0x213: {  	[sflag:s13] =	ssyncset.done $0x0  }
0x214: {  	[sflag:s13] =	ssyncadd.s32 $0xFFFFFF80  }
0x215: {  	_ =	swait.ge [sflag:s13], $0x80  }
0x216: {  	[sflag:s13] =	ssyncset.done $0x0  }
0x217: {  	[sflag:s13] =	ssyncadd.s32 $0xFFFFFF80  }
0x218: {  	_ =	swait.ge [sflag:s13], $0x80  }
0x219: {  	[sflag:s13] =	ssyncset.done $0x0  }
0x21a: {  	[sflag:s13] =	ssyncadd.s32 $0xFFFFFF80  }
0x21b: {  	_ =	swait.ge [sflag:s13], $0x80  }
0x21c: {  	[sflag:s13] =	ssyncset.done $0x0  }
0x21d: {  	[sflag:s13] =	ssyncadd.s32 $0xFFFFFF80  }
0x21e: {  	_ =	swait.ge [sflag:s13], $0x80  }
0x21f: {  	p0 =	sgt.u32 s1, $0xC14;
	[sflag:s13] =	ssyncset.done $0x0  }
0x220: {  	s10 =	simm.s32 @!p0 $0x1;
	[sflag:s13] =	ssyncadd.s32 $0xFFFFFF80  }
0x221: {  	_ =	swait.ge @!p0 [sflag:s10], $0x100  }
0x222: {  	[sflag:s10] =	ssyncset.done @!p0 $0x0  }
0x223: {  	[sflag:s10] =	ssyncadd.s32 @!p0 $0xFFFFFF00  }
0x224: {  	_ =	swait.ge @!p0 [sflag:s10], $0x100  }
0x225: {  	[sflag:s10] =	ssyncset.done @!p0 $0x0  }
0x226: {  	[sflag:s10] =	ssyncadd.s32 @!p0 $0xFFFFFF00;
	s10 =	simm.s32 @!p0 $0x5  }
0x227: {  	_ =	swait.ge @!p0 [sflag:s10], $0x300  }
0x228: {  	s18 =	simm.s32 @!p0 $0x200;
	[sflag:s10] =	ssyncset.done @!p0 $0x0  }
0x229: {  	s21 =	simm.s32 @!p0 $0x4500;
	[sflag:s10] =	ssyncadd.s32 @!p0 $0xFFFFFD00;
	s10 =	simm.s32 @!p0 $0x80  }
0x22a: {  	[tilespmem:s21], [sflag:$0x3] =	stream.indirect.gather @!p0 [spmem:s3], $0x1, s18, s10, $0xb8;
	[tilespmem:$0x9EC0] =	vst v63  }
0x22b: {  	s21 =	simm.s32 @!p0 $0x4600  }
0x22c: {  	[tilespmem:s21], [sflag:$0x3] =	stream.indirect.gather @!p0 [spmem:s4], $0x1, s18, s10, $0xb8;
	[tilespmem:$0x9EC0] =	vst v63  }
0x22d: {  	s21 =	simm.s32 @!p0 $0x4700  }
0x22e: {  	[tilespmem:s21], [sflag:$0x3] =	stream.indirect.gather @!p0 [spmem:s5], $0x1, s18, s10, $0xb8;
	[tilespmem:$0x9EC0] =	vst v63  }
0x22f: {  	s18 =	simm.s32 @!p0 $0x100;
	s21 =	simm.s32 @!p0 $0x4800  }
0x230: {  	[tilespmem:s21], [sflag:$0x3] =	stream.indirect.gather @!p0 [spmem:s3], $0x1, s18, s10, $0xb8;
	[tilespmem:$0x9EC0] =	vst v63  }
0x231: {  	s21 =	simm.s32 @!p0 $0x4900  }
0x232: {  	[tilespmem:s21], [sflag:$0x3] =	stream.indirect.gather @!p0 [spmem:s4], $0x1, s18, s10, $0xb8;
	[tilespmem:$0x9EC0] =	vst v63  }
0x233: {  	s21 =	simm.s32 @!p0 $0x4A00  }
0x234: {  	[tilespmem:s21], [sflag:$0x3] =	stream.indirect.gather @!p0 [spmem:s5], $0x1, s18, s10, $0xb8;
	[tilespmem:$0x9EC0] =	vst v63  }
0x235: {  	s18 =	simm.s32 @!p0 $0x280;
	s21 =	simm.s32 @!p0 $0x4580  }
0x236: {  	[tilespmem:s21], [sflag:$0x3] =	stream.indirect.gather @!p0 [spmem:s3], $0x1, s18, s10, $0xb8;
	[tilespmem:$0x9EC0] =	vst v63  }
0x237: {  	s21 =	simm.s32 @!p0 $0x4680  }
0x238: {  	[tilespmem:s21], [sflag:$0x3] =	stream.indirect.gather @!p0 [spmem:s4], $0x1, s18, s10, $0xb8;
	[tilespmem:$0x9EC0] =	vst v63  }
0x239: {  	s21 =	simm.s32 @!p0 $0x4780  }
0x23a: {  	[tilespmem:s21], [sflag:$0x3] =	stream.indirect.gather @!p0 [spmem:s5], $0x1, s18, s10, $0xb8;
	[tilespmem:$0x9EC0] =	vst v63  }
0x23b: {  	s18 =	simm.s32 @!p0 $0x180;
	s21 =	simm.s32 @!p0 $0x4880  }
0x23c: {  	[tilespmem:s21], [sflag:$0x3] =	stream.indirect.gather @!p0 [spmem:s3], $0x1, s18, s10, $0xb8;
	[tilespmem:$0x9EC0] =	vst v63  }
0x23d: {  	s21 =	simm.s32 @!p0 $0x4980  }
0x23e: {  	[tilespmem:s21], [sflag:$0x3] =	stream.indirect.gather @!p0 [spmem:s4], $0x1, s18, s10, $0xb8;
	[tilespmem:$0x9EC0] =	vst v63  }
0x23f: {  	p1 =	sgt.u32 @!p0 s1, $0xBF4;
	s21 =	simm.s32 @!p0 $0x4A80  }
0x240: {  	[tilespmem:s21], [sflag:$0x3] =	stream.indirect.gather @!p0 [spmem:s5], $0x1, s18, s10, $0xb8;
	[tilespmem:$0x9EC0] =	vst v63  }
0x241: {  	p0 =	por p1, p0  }
0x242: {  	s10 =	sshll.u32 @!p0 s1, $0x5  }
0x243: {  	s10 =	sadd.s32 @!p0 $0x800, s10  }
0x244: {  	s21 =	simm.s32 @!p0 $0x0;
	s23 =	simm.s32 @!p0 $0x300;
	s18 =	sadd.s32 @!p0 s0, s10  }
0x245: {  	[tilespmem:s23], [sflag:$0x2] =	stream.linear.gather @!p0 [hbm4b:s18+s21], $0x100, $0x38;
	[tilespmem:$0x9EC0] =	vst v63  }
0x246: {  	s10 =	sadd.s32 @!p0 s9, s10;
	s18 =	simm.s32 @!p0 $0x400  }
0x247: {  	[tilespmem:s18], [sflag:$0x2] =	stream.linear.gather @!p0 [hbm4b:s10+s21], $0x100, $0x38;
	[tilespmem:$0x9EC0] =	vst v63  }
0x248: {  	s21 =	simm.s32 $0x4B00  }
0x249: {  	s29 =	simm.s32 $0x4E00;
	v8 =	vld [tilespmem:s21+$0x0]  }
0x24a: {  	s30 =	simm.s32 $0x4C00;
	v9 =	vld [tilespmem:s29+$0x0]  }
0x24b: {  	s28 =	simm.s32 $0x4F00;
	v10 =	vld [tilespmem:s30+$0x0]  }
0x24c: {  	s10 =	simm.s32 $0x4D00;
	v11 =	vld [tilespmem:s28+$0x0]  }
0x24d: {  	s23 =	simm.s32 $0x5000;
	v12 =	vld [tilespmem:s10+$0x0]  }
0x24e: {  	s24 =	simm.s32 $0x10;
	s18 =	simm.s32 $0x0;
	v13 =	vld [tilespmem:s23+$0x0]  }
.LBB2_17:
0x24f: {  	p6 =	sne.s32 s24, $0xF0;
	_ =	sdelay $0x1  }
0x250: {  	v8 =	vsub.f32 v8, v9;
	v9 =	vsub.f32 v10, v11;
	_ =	sdelay $0x1  }
0x251: {  	v11 =	vmul.f32 v8, v8;
	v10 =	vsub.f32 v12, v13;
	v12 =	vmul.f32 v9, v9;
	_ =	sdelay $0x1  }
0x252: {  	v11 =	vadd.f32 v12, v11;
	v12 =	vmul.f32 v10, v10;
	_ =	sdelay $0x1  }
0x253: {  	v11 =	vadd.f32 v12, v11;
	_ =	sdelay $0x1  }
0x254: {  	v12 =	vshrl.u32 v11, $0x1;
	v13 =	vmul.f32 $5.000000000e-01, v11  }
0x255: {  	v12 =	vsub.s32 $0x5F3759DF, v12  }
0x256: {  	v14 =	vmul.f32 v12, v13;
	_ =	sdelay $0x1  }
0x257: {  	v14 =	vmul.f32 v12, v14;
	_ =	sdelay $0x1  }
0x258: {  	v14 =	vsub.f32 $1.500000000e+00, v14;
	_ =	sdelay $0x1  }
0x259: {  	v12 =	vmul.f32 v12, v14;
	_ =	sdelay $0x1  }
0x25a: {  	v14 =	vmul.f32 v12, v13;
	_ =	sdelay $0x1  }
0x25b: {  	v14 =	vmul.f32 v14, v12;
	_ =	sdelay $0x1  }
0x25c: {  	v14 =	vsub.f32 $1.500000000e+00, v14;
	_ =	sdelay $0x1  }
0x25d: {  	v12 =	vmul.f32 v14, v12;
	_ =	sdelay $0x1  }
0x25e: {  	v13 =	vmul.f32 v12, v13;
	_ =	sdelay $0x1  }
0x25f: {  	v13 =	vmul.f32 v13, v12;
	_ =	sdelay $0x1  }
0x260: {  	v13 =	vsub.f32 $1.500000000e+00, v13;
	_ =	sdelay $0x1  }
0x261: {  	v12 =	vmul.f32 v13, v12;
	_ =	sdelay $0x1  }
0x262: {  	v11 =	vmul.f32 v12, v11;
	_ =	sdelay $0x1  }
0x263: {  	v11 =	vadd.f32 $9.999999930e-09, v11;
	_ =	sdelay $0x1  }
0x264: {  	v12 =	vmov s18;
	s18 =	smov.u32 s24;
	(erf) = vrcp.f32 v11  }
0x265: {  	v11 =	vmul.u32 $0x3, v12;
	_ =	sdelay $0x1  }
0x266: {  	v11 =	vbroadcast v11, $0x0;
	_ =	sdelay $0x1  }
0x267: {  	v12 =	vadd.s32 v0, v11  }
0x268: {  	v13 =	vadd.s32 v2, v11;
	v12 =	vand.u32 $0xFFFFFFF8, v12  }
0x269: {  	v11 =	vadd.s32 v4, v11;
	v13 =	vand.u32 $0xFFFFFFF8, v13;
	v12 =	vor.u32 v1, v12  }
0x26a: {  	v11 =	vand.u32 $0xFFFFFFF8, v11;
	v13 =	vor.u32 v3, v13  }
0x26b: {  	v11 =	vor.u32 v5, v11;
	v14 =	vpop (erf)  }
0x26c: {  	v8 =	vmul.f32 v14, v8  }
0x26d: {  	v9 =	vmul.f32 v14, v9  }
0x26e: {  	[tilespmem:v12+s16+$0x0] =	vst.idx.msk $0xffff, v8;
	v8 =	vmul.f32 v14, v10  }
0x26f: {  	[tilespmem:v13+s16+$0x0] =	vst.idx.msk $0xffff, v9  }
0x270: {  	s21 =	sadd.s32 $0x10, s21;
	[tilespmem:v11+s16+$0x0] =	vst.idx.msk $0xffff, v8  }
0x271: {  	s29 =	sadd.s32 $0x10, s29;
	v8 =	vld [tilespmem:s21+$0x0]  }
.Ltmp14:
0x272: {  	s30 =	sadd.s32 $0x10, s30;
	v9 =	vld [tilespmem:s29+$0x0];
	(pc) =	sbr.rel @p6 .LBB2_17-.Ltmp14, $4  }
0x273: {  	s28 =	sadd.s32 $0x10, s28;
	v10 =	vld [tilespmem:s30+$0x0]  }
0x274: {  	s10 =	sadd.s32 $0x10, s10;
	v11 =	vld [tilespmem:s28+$0x0]  }
0x275: {  	s23 =	sadd.s32 $0x10, s23;
	v12 =	vld [tilespmem:s10+$0x0]  }
0x276: {  	s24 =	sadd.s32 $0x10, s24;
	v13 =	vld [tilespmem:s23+$0x0]  }
0x277: {  	_ =	sdelay $0x1  }
0x278: {  	v8 =	vsub.f32 v8, v9;
	v53 =	vsub.f32 v10, v11;
	_ =	sdelay $0x1  }
0x279: {  	v55 =	vmul.f32 v8, v8;
	v54 =	vsub.f32 v12, v13;
	v56 =	vmul.f32 v53, v53;
	_ =	sdelay $0x1  }
0x27a: {  	v11 =	vadd.f32 v56, v55;
	v57 =	vmul.f32 v54, v54;
	_ =	sdelay $0x1  }
0x27b: {  	v11 =	vadd.f32 v57, v11;
	_ =	sdelay $0x1  }
0x27c: {  	v12 =	vshrl.u32 v11, $0x1;
	v58 =	vmul.f32 $5.000000000e-01, v11  }
0x27d: {  	v12 =	vsub.s32 $0x5F3759DF, v12  }
0x27e: {  	v14 =	vmul.f32 v12, v58;
	_ =	sdelay $0x1  }
0x27f: {  	v14 =	vmul.f32 v12, v14;
	_ =	sdelay $0x1  }
0x280: {  	v14 =	vsub.f32 $1.500000000e+00, v14;
	_ =	sdelay $0x1  }
0x281: {  	v12 =	vmul.f32 v12, v14;
	_ =	sdelay $0x1  }
0x282: {  	v14 =	vmul.f32 v12, v58;
	_ =	sdelay $0x1  }
0x283: {  	v14 =	vmul.f32 v14, v12;
	_ =	sdelay $0x1  }
0x284: {  	v14 =	vsub.f32 $1.500000000e+00, v14;
	_ =	sdelay $0x1  }
0x285: {  	v12 =	vmul.f32 v14, v12;
	_ =	sdelay $0x1  }
0x286: {  	v13 =	vmul.f32 v12, v58;
	_ =	sdelay $0x1  }
0x287: {  	v13 =	vmul.f32 v13, v12;
	_ =	sdelay $0x1  }
0x288: {  	v13 =	vsub.f32 $1.500000000e+00, v13;
	_ =	sdelay $0x1  }
0x289: {  	v12 =	vmul.f32 v13, v12;
	_ =	sdelay $0x1  }
0x28a: {  	v11 =	vmul.f32 v12, v11;
	_ =	sdelay $0x1  }
0x28b: {  	v11 =	vadd.f32 $9.999999930e-09, v11;
	_ =	sdelay $0x1  }
0x28c: {  	v59 =	vmov s18;
	(erf) = vrcp.f32 v11  }
0x28d: {  	v60 =	vmul.u32 $0x3, v59;
	_ =	sdelay $0x1  }
0x28e: {  	v11 =	vbroadcast v60, $0x0;
	_ =	sdelay $0x1  }
0x28f: {  	v61 =	vadd.s32 v0, v11  }
0x290: {  	v62 =	vadd.s32 v2, v11;
	v12 =	vand.u32 $0xFFFFFFF8, v61  }
0x291: {  	v11 =	vadd.s32 v4, v11;
	v13 =	vand.u32 $0xFFFFFFF8, v62;
	v12 =	vor.u32 v1, v12  }
0x292: {  	v11 =	vand.u32 $0xFFFFFFF8, v11;
	v13 =	vor.u32 v3, v13  }
0x293: {  	v11 =	vor.u32 v5, v11;
	v63 =	vpop (erf)  }
0x294: {  	v8 =	vmul.f32 v63, v8  }
.Ltmp15:
0x295: {  	v9 =	vmul.f32 v63, v53;
	(pc) =	sbr.rel .LBB2_19-.Ltmp15, $4  }
0x296: {  	s1 =	smul.u32 $0x60, s1;
	[tilespmem:v12+s16+$0x0] =	vst.idx.msk $0xffff, v8;
	v8 =	vmul.f32 v63, v54  }
0x297: {  	[tilespmem:v13+s16+$0x0] =	vst.idx.msk $0xffff, v9  }
0x298: {  	s1 =	sadd.s32 s14, s1;
	[tilespmem:v11+s16+$0x0] =	vst.idx.msk $0xffff, v8  }
0x299: {  	[hbm4b:s1+s8] =	stream.linear.scatter [tilespmem:s16], [sflag:$0x6], $0x300, $0x38;
	[tilespmem:$0x9EC0] =	vst v63  }
.LBB2_21:
0x29a: {  	_ =	sfence.sel $0x180000  }
0x29b: {  	[bflag:$0x0] =	sbarrier.arrive $0xFFFF  }
0x29c: {  	_ =	strace $0x90000047  }
0x29d: {  	[bflag:$0x2] =	sbarrier.arrive $0xFFFF  }
0x29e: {  	p0 =	sne.s32 s6, $0x0;
	s0 =	rddreg [dreg:$0x9]  }
0x29f: {  	s0 =	sadd.s32 @!p0 $0x100000, s0  }
0x2a0: {  	[sflag:s0] =	ssyncadd.tile.s32 @!p0 $0x1;
	_ =	shalt  }
.Lfunc_end2:
_tile_overlayer_lowered:
.L_overlay_start_2:
0x2a1: {  	(tag) =	ssettag $0x2  }
0x2a2: {  	s0 =	rddreg [dreg:$0x0];
	s2 =	stileid.u32  }
0x2a3: {  	s1 =	rddreg [dreg:$0x1];
	p0 =	sne.s32 s2, $0x0  }
0x2a4: {  	s3 =	rddreg [dreg:$0x2];
	[bflag:$0x3] =	sbarrier.arrive $0xFFFF;
	s2 =	simm.s32 @!p0 $0x1C08  }
0x2a5: {  	[timem:s3], [sflag:s2] =	dma.local @!p0 [hbm:s0], s1  }
0x2a6: {  	s0 =	simm.s32 @!p0 $0x8  }
0x2a7: {  	_ =	swait.ge @!p0 [sflag:s0], s1  }
0x2a8: {  	s1 =	ssub.s32 @!p0 $0x0, s1;
	[sflag:s0] =	ssyncset.done @!p0 $0x0  }
0x2a9: {  	[sflag:s0] =	ssyncadd.s32 @!p0 s1  }
0x2aa: {  	[bflag:$0x3] =	sbarrier.arrive $0xFFFF  }
0x2ab: {  	_ =	shalt  }

</sc_bundles>
